<compile_context>
chip_gen: v7x
topology: tpu7x:2x2x1
jax: 0.10.2.dev20260603
libtpu: 0.0.44.dev20260713+nightly
codegen_flags: <defaults>
</compile_context>

<pallas_src>
import functools

import jax
import jax.numpy as jnp
from jax import lax
from jax.experimental import pallas as pl
from jax.experimental.pallas import tpu as pltpu
from jax.experimental.pallas import tpu_sc as plsc

F32 = jnp.float32

N = 10000
E = 320000
D = 128
G = 64
HD = D // 2

NC = 2
NS = 16
NW = NC * NS
EPW = E // NW
DEGR = (N + 127) // 128

CH = 125
EPS = E // NS
NCH = EPS // CH
ZB = 80
NZ = N // ZB


def _build_deg(interpret=False):
    mesh = plsc.VectorSubcoreMesh(core_axis_name="c", subcore_axis_name="s")

    @functools.partial(
        pl.kernel,
        out_type=jax.ShapeDtypeStruct((NC, DEGR, 128), F32),
        mesh=mesh,
        interpret=interpret,
        compiler_params=pltpu.CompilerParams(needs_layout_passes=False, use_tc_tiling_on_sc=False),
        scratch_types=[
            pltpu.VMEM((EPW,), jnp.int32),
            pltpu.VMEM((1, DEGR), jnp.int32),
            pltpu.VMEM((DEGR * 128,), F32),
            pltpu.VMEM((DEGR, 128), F32),
            pltpu.VMEM_SHARED((DEGR, 128), F32),
        ],
    )
    def deg_k(dst_hbm, rowidx_hbm, out_hbm, dst_v, rowidx_v, deg_flat,
              deg_priv, deg_sh):
        cid = lax.axis_index("c")
        sid = lax.axis_index("s")
        wid = sid * NC + cid

        zero16 = jnp.zeros((16,), F32)

        def zbody2(i, _):
            deg_flat[pl.ds(i * 16, 16)] = zero16
            return 0

        def zbody3(i, _):
            for j in range(128 // 16):
                deg_priv[i, pl.ds(j * 16, 16)] = zero16
            return 0

        lax.fori_loop(0, DEGR * 8, zbody2, 0)
        lax.fori_loop(0, DEGR, zbody3, 0)

        @pl.when(sid == 0)
        def _():
            pltpu.sync_copy(deg_priv, deg_sh)

        plsc.subcore_barrier()

        pltpu.sync_copy(dst_hbm.at[wid], dst_v)
        pltpu.sync_copy(rowidx_hbm, rowidx_v)

        ones16 = jnp.ones((16,), F32)

        def body(i, _):
            d = dst_v[pl.ds(i * 16, 16)]
            plsc.addupdate_scatter(deg_flat, [d], ones16)
            return 0

        lax.fori_loop(0, EPW // 16, body, 0)

        def pack(i, _):
            for j in range(128 // 16):
                deg_priv[i, pl.ds(j * 16, 16)] = deg_flat[
                    pl.ds(i * 128 + j * 16, 16)]
            return 0

        lax.fori_loop(0, DEGR, pack, 0)

        pltpu.sync_copy(deg_priv, deg_sh.at[rowidx_v.at[0]], add=True)

        plsc.subcore_barrier()

        @pl.when(sid == 0)
        def _():
            pltpu.sync_copy(deg_sh, out_hbm.at[cid])

    return deg_k


def _normxn_body(deg_ref, x_ref, xn_ref, norm_ref):
    d2 = deg_ref[...]
    deg = d2[0] + d2[1]
    norm = jnp.where(deg > 0, lax.rsqrt(jnp.maximum(deg, 1.0)), 0.0)
    norm_ref[...] = norm
    xn = x_ref[...] * norm
    xn_ref[0] = xn[:, :HD]
    xn_ref[1] = xn[:, HD:]


def _normxn_call(deg2, x, interpret=False):
    B = 2000
    grid = N // B
    return pl.pallas_call(
        _normxn_body,
        grid=(grid,),
        in_specs=[
            pl.BlockSpec((2, B, 1), lambda i: (0, i, 0)),
            pl.BlockSpec((B, D), lambda i: (i, 0)),
        ],
        out_specs=[
            pl.BlockSpec((2, B, HD), lambda i: (0, i, 0)),
            pl.BlockSpec((B, 1), lambda i: (i, 0)),
        ],
        out_shape=[
            jax.ShapeDtypeStruct((NC, N, HD), F32),
            jax.ShapeDtypeStruct((N, 1), F32),
        ],
        interpret=interpret,
    )(deg2, x)


def _build_agg(interpret=False):
    mesh = plsc.VectorSubcoreMesh(core_axis_name="c", subcore_axis_name="s")

    @functools.partial(
        pl.kernel,
        out_type=jax.ShapeDtypeStruct((NC, N, HD), F32),
        mesh=mesh,
        interpret=interpret,
        compiler_params=pltpu.CompilerParams(needs_layout_passes=False, use_tc_tiling_on_sc=False),
        scratch_types=[
            pltpu.VMEM((NCH, CH), jnp.int32),
            pltpu.VMEM((NCH, CH), jnp.int32),
            pltpu.VMEM((CH, HD), F32),
            pltpu.VMEM((CH, HD), F32),
            pltpu.VMEM((CH, HD), F32),
            pltpu.VMEM((CH, HD), F32),
            pltpu.VMEM_SHARED((N, HD), F32),
            pltpu.SemaphoreType.DMA,
            pltpu.SemaphoreType.DMA,
            pltpu.SemaphoreType.DMA,
            pltpu.SemaphoreType.DMA,
        ],
    )
    def agg_k(xn_hbm, src_hbm, dst_hbm, out_hbm,
              src_v, dst_v, rows0, rows1, rows2, rows3, acc_sh,
              sem0, sem1, sem2, sem3):
        cid = lax.axis_index("c")
        sid = lax.axis_index("s")
        tab = xn_hbm.at[cid]

        zero16 = jnp.zeros((16,), F32)

        def zbody(i, _):
            for j in range(HD // 16):
                rows0[i, pl.ds(j * 16, 16)] = zero16
            return 0

        lax.fori_loop(0, ZB, zbody, 0)

        for k in range((NZ + NS - 1) // NS):
            c = sid + NS * k

            @pl.when(c < NZ)
            def _(c=c):
                off = pl.multiple_of(c * ZB, ZB)
                pltpu.sync_copy(rows0.at[pl.ds(0, ZB)],
                                acc_sh.at[pl.ds(off, ZB)])

        plsc.subcore_barrier()

        pltpu.sync_copy(src_hbm.at[sid], src_v)
        pltpu.sync_copy(dst_hbm.at[sid], dst_v)

        rows = (rows0, rows1, rows2, rows3)
        sems = (sem0, sem1, sem2, sem3)
        NB = 4
        for b in range(NB - 1):
            pltpu.async_copy(tab.at[src_v.at[b]], rows[b], sems[b])

        def body(c4, _):
            for b in range(NB):
                c = NB * c4 + b

                @pl.when(c + NB - 1 < NCH)
                def _(c=c, b=b):
                    pltpu.async_copy(tab.at[src_v.at[c + NB - 1]],
                                     rows[(b + NB - 1) % NB],
                                     sems[(b + NB - 1) % NB])

                pltpu.make_async_copy(tab.at[src_v.at[c]], rows[b],
                                      sems[b]).wait()
                pltpu.sync_copy(rows[b], acc_sh.at[dst_v.at[c]], add=True)
            return 0

        lax.fori_loop(0, NCH // NB, body, 0)

        plsc.subcore_barrier()

        for k in range((NZ + NS - 1) // NS):
            c = sid + NS * k

            @pl.when(c < NZ)
            def _(c=c):
                off = pl.multiple_of(c * ZB, ZB)
                pltpu.sync_copy(acc_sh.at[pl.ds(off, ZB)],
                                out_hbm.at[cid, pl.ds(off, ZB)])

        plsc.subcore_barrier()

    return agg_k


_DB = 2000


def _elu(v):
    return jnp.where(v > 0, v, jnp.exp(v) - 1.0)


def _head_body(p_ref, norm_ref, batch_ref, Wg_ref, bg_ref,
               W0_ref, b0_ref, W1_ref, b1_ref, W2_ref, b2_ref, out_ref,
               acc_s, acc_m, acc_c, carry_v, carry_b):
    B = _DB
    i = pl.program_id(0)
    nsteps = pl.num_programs(0)

    @pl.when(i == 0)
    def _():
        acc_s[...] = jnp.zeros_like(acc_s)
        acc_m[...] = jnp.full_like(acc_m, -1e30)
        acc_c[...] = jnp.zeros_like(acc_c)
        carry_v[...] = jnp.full_like(carry_v, -1e30)
        carry_b[...] = jnp.full_like(carry_b, -1)

    p = p_ref[...]
    agg = jnp.concatenate([p[0], p[1]],
                          axis=1) * norm_ref[...]
    h = _elu(agg @ Wg_ref[...] + bg_ref[...])

    bt = batch_ref[...]
    onehot = (bt == lax.broadcasted_iota(jnp.int32, (1, G), 1)).astype(F32)

    dn = (((0,), (0,)), ((), ()))
    acc_s[...] += lax.dot_general(onehot, h, dn, preferred_element_type=F32)
    acc_c[...] += lax.dot_general(onehot, jnp.ones((B, 1), F32), dn,
                                  preferred_element_type=F32)

    R = 8
    NG = B // R
    pm = jnp.where(bt == carry_b[...], jnp.maximum(h, carry_v[...]), h)
    pm3 = pm.reshape(NG, R, D)
    bt3 = bt.reshape(NG, R, 1)
    sh = 1
    while sh < R:
        pm_s = jnp.concatenate(
            [jnp.full((NG, sh, D), -1e30, F32), pm3[:, :R - sh]], axis=1)
        bt_s = jnp.concatenate(
            [jnp.full((NG, sh, 1), -1, jnp.int32), bt3[:, :R - sh]], axis=1)
        pm3 = jnp.where(bt_s == bt3, jnp.maximum(pm3, pm_s), pm3)
        sh *= 2
    gt = pm3[:, R - 1]
    gb = bt3[:, R - 1]
    sh = 1
    while sh < NG:
        gt_s = jnp.concatenate(
            [jnp.full((sh, D), -1e30, F32), gt[:NG - sh]], axis=0)
        gb_s = jnp.concatenate(
            [jnp.full((sh, 1), -1, jnp.int32), gb[:NG - sh]], axis=0)
        gt = jnp.where(gb_s == gb, jnp.maximum(gt, gt_s), gt)
        sh *= 2
    prev = jnp.concatenate(
        [jnp.full((1, D), -1e30, F32), gt[:NG - 1]], axis=0)
    prevb = jnp.concatenate(
        [jnp.full((1, 1), -1, jnp.int32), gb[:NG - 1]], axis=0)
    pm3 = jnp.where(bt3 == prevb[:, None, :],
                    jnp.maximum(pm3, prev[:, None, :]), pm3)
    pm = pm3.reshape(B, D)

    bt_n = jnp.concatenate(
        [bt[1:], jnp.full((1, 1), -2, jnp.int32)], axis=0)
    endm = (bt != bt_n).astype(F32)
    m_part = lax.dot_general(onehot, pm * endm, dn, preferred_element_type=F32)
    g_part = lax.dot_general(onehot, endm, dn, preferred_element_type=F32)
    acc_m[...] = jnp.where(g_part > 0, jnp.maximum(acc_m[...], m_part),
                           acc_m[...])
    carry_v[...] = pm[B - 1:B, :]
    carry_b[...] = bt[B - 1:B, :]

    @pl.when(i == nsteps - 1)
    def _():
        cnt = acc_c[...]
        mean = acc_s[...] / jnp.maximum(cnt, 1.0)
        mx = jnp.where(cnt > 0, acc_m[...], 0.0)
        r = jnp.concatenate([mean, mx, acc_s[...]], axis=1)
        y = _elu(r @ W0_ref[...] + b0_ref[...])
        y = _elu(y @ W1_ref[...] + b1_ref[...])
        out_ref[...] = y @ W2_ref[...] + b2_ref[...]


def _head_call(p, norm, batch2, W_g, b_g, W0, b0, W1, b1, W2, b2,
               interpret=False):
    B = _DB
    grid = N // B
    OUT_CH = W2.shape[1]

    def full(shape):
        return pl.BlockSpec(shape, lambda *_: tuple(0 for _ in shape))

    return pl.pallas_call(
        _head_body,
        grid=(grid,),
        in_specs=[
            pl.BlockSpec((2, B, HD), lambda i: (0, i, 0)),
            pl.BlockSpec((B, 1), lambda i: (i, 0)),
            pl.BlockSpec((B, 1), lambda i: (i, 0)),
            full((D, D)), full((1, D)),
            full((3 * D, W0.shape[1])), full((1, W0.shape[1])),
            full((W1.shape[0], W1.shape[1])), full((1, W1.shape[1])),
            full((W2.shape[0], OUT_CH)), full((1, OUT_CH)),
        ],
        out_specs=pl.BlockSpec((G, OUT_CH), lambda i: (0, 0)),
        out_shape=jax.ShapeDtypeStruct((G, OUT_CH), F32),
        scratch_shapes=[
            pltpu.VMEM((G, D), F32),
            pltpu.VMEM((G, D), F32),
            pltpu.VMEM((G, 1), F32),
            pltpu.VMEM((1, D), F32),
            pltpu.VMEM((1, 1), jnp.int32),
        ],
        interpret=interpret,
    )(p, norm, batch2, W_g, b_g, W0, b0, W1, b1, W2, b2)


def kernel(x, edge_index, batch, W_g, b_g, W0, b0, W1, b1, W2, b2):
    src = edge_index[0]
    dst = edge_index[1]

    deg2 = _build_deg()(dst.reshape(NW, EPW),
                        jnp.arange(DEGR, dtype=jnp.int32).reshape(1, DEGR))
    deg2 = deg2.reshape(2, DEGR * 128, 1)[:, :N]

    xn2, norm = _normxn_call(deg2, x)

    p = _build_agg()(xn2, src.reshape(NS, NCH, CH), dst.reshape(NS, NCH, CH))

    return _head_call(p, norm, batch.reshape(N, 1),
                      W_g, b_g.reshape(1, D), W0, b0.reshape(1, -1),
                      W1, b1.reshape(1, -1), W2, b2.reshape(1, -1))

# --- scband reference (transcript-rebuilt; emitter-appended) ---
"""Pipeline reference for scband-gnn-42786464203096 (READ-ONLY COPY).

The authoritative reference and input builder live on the scoring server;
editing this copy changes nothing except your own understanding.
"""

import jax, jax.numpy as jnp
import numpy as np

N = 10000
E = 320000
D = 128
G = 64
MLP_CH = 256
OUT_CH = 10


def setup_inputs(seed: int = 0) -> dict:
    key = jax.random.key(seed)
    ks = jax.random.split(key, 12)
    x = jax.random.normal(ks[0], (N, D), dtype=jnp.float32)
    edge_index = jax.random.randint(ks[1], (2, E), 0, N, dtype=jnp.int32)
    batch = jnp.sort(jax.random.randint(ks[2], (N,), 0, G, dtype=jnp.int32))
    # g_unet stub params (single GCN-style conv, in=out=D)
    W_g = jax.random.normal(ks[3], (D, D), dtype=jnp.float32) / np.sqrt(D)
    b_g = jnp.zeros((D,), dtype=jnp.float32)
    # MLP params: readout 'cat' -> 3*D input, mlp_layers=3, dropout=0
    W0 = jax.random.normal(ks[4], (3 * D, MLP_CH), dtype=jnp.float32) / np.sqrt(3 * D)
    b0 = jnp.zeros((MLP_CH,), dtype=jnp.float32)
    W1 = jax.random.normal(ks[5], (MLP_CH, MLP_CH), dtype=jnp.float32) / np.sqrt(MLP_CH)
    b1 = jnp.zeros((MLP_CH,), dtype=jnp.float32)
    W2 = jax.random.normal(ks[6], (MLP_CH, OUT_CH), dtype=jnp.float32) / np.sqrt(MLP_CH)
    b2 = jnp.zeros((OUT_CH,), dtype=jnp.float32)
    return {"x": x, "edge_index": edge_index, "batch": batch,
            "W_g": W_g, "b_g": b_g, "W0": W0, "b0": b0,
            "W1": W1, "b1": b1, "W2": W2, "b2": b2}


def _g_unet(x, edge_index, W_g, b_g):
    # GCN-style conv with symmetric degree normalization (g_unet stub)
    src = edge_index[0]
    dst = edge_index[1]
    ones = jnp.ones((E,), dtype=jnp.float32)
    deg = jax.ops.segment_sum(ones, dst, num_segments=N)
    norm = jnp.where(deg > 0, 1.0 / jnp.sqrt(jnp.maximum(deg, 1.0)), 0.0)
    msg = jnp.take(x, src, axis=0) * (norm[src] * norm[dst])[:, None]
    agg = jax.ops.segment_sum(msg, dst, num_segments=N)
    return jax.nn.elu(agg @ W_g + b_g)


def _readout_cat(h, batch):
    ones = jnp.ones((N,), dtype=jnp.float32)
    cnt = jax.ops.segment_sum(ones, batch, num_segments=G)
    s = jax.ops.segment_sum(h, batch, num_segments=G)
    mean = s / jnp.maximum(cnt, 1.0)[:, None]
    mx = jax.ops.segment_max(h, batch, num_segments=G)
    mx = jnp.where(cnt[:, None] > 0, mx, 0.0)
    return jnp.concatenate([mean, mx, s], axis=1)


def reference(x, edge_index, batch, W_g, b_g, W0, b0, W1, b1, W2, b2):
    h = _g_unet(x, edge_index, W_g, b_g)
    r = _readout_cat(h, batch)
    # MLP head: dropout=0 -> identity, ELU between layers, none after last
    y = jax.nn.elu(r @ W0 + b0)
    y = jax.nn.elu(y @ W1 + b1)
    y = y @ W2 + b2
    return y

if __name__ == "__main__":
    import jax
    _d = setup_inputs()
    print(jax.jit(kernel)(*tuple(_d.values())))

</pallas_src>

<mosaic_0001>
#map = affine_map<(d0, d1) -> (0, 0, 0)>
module attributes {stable_mosaic.version = 14 : i64} {
  func.func @agg_k(%arg0: i32, %arg1: i32, %arg2: memref<2x10000x64xf32, #tpu.memory_space<hbm>>, %arg3: memref<16x160x125xi32, #tpu.memory_space<hbm>>, %arg4: memref<16x160x125xi32, #tpu.memory_space<hbm>>, %arg5: memref<2x10000x64xf32, #tpu.memory_space<hbm>>, %arg6: memref<160x125xi32, #tpu.memory_space<vmem>>, %arg7: memref<160x125xi32, #tpu.memory_space<vmem>>, %arg8: memref<125x64xf32, #tpu.memory_space<vmem>>, %arg9: memref<125x64xf32, #tpu.memory_space<vmem>>, %arg10: memref<125x64xf32, #tpu.memory_space<vmem>>, %arg11: memref<125x64xf32, #tpu.memory_space<vmem>>, %arg12: memref<10000x64xf32, #tpu.memory_space<vmem_shared>>, %arg13: memref<!tpu.dma_semaphore, #tpu.memory_space<semaphore_mem>>, %arg14: memref<!tpu.dma_semaphore, #tpu.memory_space<semaphore_mem>>, %arg15: memref<!tpu.dma_semaphore, #tpu.memory_space<semaphore_mem>>, %arg16: memref<!tpu.dma_semaphore, #tpu.memory_space<semaphore_mem>>) attributes {dimension_semantics = [#tpu.dimension_semantics<core_parallel>, #tpu.dimension_semantics<subcore_parallel>], iteration_bounds = array<i64: 2, 16>, scalar_prefetch = 0 : i64, scratch_operands = 11 : i64, tpu.core_type = #tpu.core_type<sc_vector_subcore>, window_params = [{transform_indices = #map}, {transform_indices = #map}, {transform_indices = #map}, {transform_indices = #map}]} {
    %broadcast_in_dim3A = arith.constant 0.000000e+00 : f32
    %broadcast_in_dim3A_0 = vector.broadcast %broadcast_in_dim3A : f32 to vector<16xf32>
    %scan3A = arith.constant 0 : i32
    %scan3A_1 = arith.constant 0 : i32
    %scan3A_2 = arith.constant 80 : i32
    %scan3A_3 = arith.addi %scan3A_1, %scan3A_2 : i32
    %scan3A_4 = arith.constant 1 : i32
    %scan3A_5 = scf.for %scan3A_156 = %scan3A_1 to %scan3A_3 step %scan3A_4 iter_args(%scan3A_157 = %scan3A) -> (i32)  : i32 {
      %swap3A = arith.index_cast %scan3A_156 : i32 to index
      %swap3A_158 = arith.constant 0 : index
      %swap3A_159 = tpu.vector_load %arg8[%swap3A, %swap3A_158] {strides = array<i32>} : memref<125x64xf32, #tpu.memory_space<vmem>>, vector<16xf32>,
      tpu.vector_store %arg8[%swap3A, %swap3A_158], %broadcast_in_dim3A_0 {strides = array<i32>} : memref<125x64xf32, #tpu.memory_space<vmem>>, vector<16xf32>,
      %swap3A_160 = arith.index_cast %scan3A_156 : i32 to index
      %swap3A_161 = arith.constant 16 : index
      %swap3A_162 = tpu.vector_load %arg8[%swap3A_160, %swap3A_161] {strides = array<i32>} : memref<125x64xf32, #tpu.memory_space<vmem>>, vector<16xf32>,
      tpu.vector_store %arg8[%swap3A_160, %swap3A_161], %broadcast_in_dim3A_0 {strides = array<i32>} : memref<125x64xf32, #tpu.memory_space<vmem>>, vector<16xf32>,
      %swap3A_163 = arith.index_cast %scan3A_156 : i32 to index
      %swap3A_164 = arith.constant 32 : index
      %swap3A_165 = tpu.vector_load %arg8[%swap3A_163, %swap3A_164] {strides = array<i32>} : memref<125x64xf32, #tpu.memory_space<vmem>>, vector<16xf32>,
      tpu.vector_store %arg8[%swap3A_163, %swap3A_164], %broadcast_in_dim3A_0 {strides = array<i32>} : memref<125x64xf32, #tpu.memory_space<vmem>>, vector<16xf32>,
      %swap3A_166 = arith.index_cast %scan3A_156 : i32 to index
      %swap3A_167 = arith.constant 48 : index
      %swap3A_168 = tpu.vector_load %arg8[%swap3A_166, %swap3A_167] {strides = array<i32>} : memref<125x64xf32, #tpu.memory_space<vmem>>, vector<16xf32>,
      tpu.vector_store %arg8[%swap3A_166, %swap3A_167], %broadcast_in_dim3A_0 {strides = array<i32>} : memref<125x64xf32, #tpu.memory_space<vmem>>, vector<16xf32>,
      %scan3A_169 = arith.constant 0 : i32
      scf.yield %scan3A_169 : i32
    }
    %scan3A_6 = arith.constant 80 : i32
    %add3A = arith.constant 0 : i32
    %add3A_7 = arith.addi %arg1, %add3A : i32
    %lt3A = arith.constant 125 : i32
    %lt3A_8 = arith.cmpi slt, %add3A_7, %lt3A : i32
    %convert_element_type3A = arith.extui %lt3A_8 : i1 to i32
    %cond3A = arith.constant 0 : i32
    %cond3A_9 = arith.cmpi ne, %convert_element_type3A, %cond3A : i32
    scf.if %cond3A_9 {
      %mul3A = arith.constant 80 : i32
      %mul3A_156 = arith.muli %add3A_7, %mul3A : i32
      %multiple_of3A = tpu.assume_multiple %mul3A_156, 80 : i32
      "tpu.region"() ({
        %run_scoped3A = tpu.sem_alloc : memref<!tpu.dma_semaphore, #tpu.memory_space<semaphore_mem>>
        %dma_start3A_157 = arith.constant 0 : i32
        %dma_start3A_158 = arith.constant 0 : i32
        %dma_start3A_159 = tpu.memref_slice %arg8[%dma_start3A_157, %dma_start3A_158] : memref<125x64xf32, #tpu.memory_space<vmem>> -> memref<80x64xf32, #tpu.memory_space<vmem>>
        %dma_start3A_160 = arith.constant 0 : i32
        %dma_start3A_161 = tpu.memref_slice %arg12[%multiple_of3A, %dma_start3A_160] : memref<10000x64xf32, #tpu.memory_space<vmem_shared>> -> memref<80x64xf32, #tpu.memory_space<vmem_shared>>
        %dma_start3A_162 = arith.constant 0 : i32
        %dma_start3A_163 = tpu.memref_slice %arg12[%multiple_of3A, %dma_start3A_162] : memref<10000x64xf32, #tpu.memory_space<vmem_shared>> -> memref<80x64xf32, #tpu.memory_space<vmem_shared>>
        %dma_start3A_164 = arith.constant 0 : i32
        %dma_start3A_165 = arith.constant 0 : i32
        %dma_start3A_166 = tpu.memref_slice %arg8[%dma_start3A_164, %dma_start3A_165] : memref<125x64xf32, #tpu.memory_space<vmem>> -> memref<80x64xf32, #tpu.memory_space<vmem>>
        tpu.enqueue_dma source(%dma_start3A_166 : memref<80x64xf32, #tpu.memory_space<vmem>>) target(%dma_start3A_163 : memref<80x64xf32, #tpu.memory_space<vmem_shared>>) target_semaphore(%run_scoped3A : memref<!tpu.dma_semaphore, #tpu.memory_space<semaphore_mem>>)
        %dma_wait3A = arith.constant 0 : i32
        %dma_wait3A_167 = arith.constant 0 : i32
        %dma_wait3A_168 = tpu.memref_slice %arg8[%dma_wait3A, %dma_wait3A_167] : memref<125x64xf32, #tpu.memory_space<vmem>> -> memref<80x64xf32, #tpu.memory_space<vmem>>
        %dma_wait3A_169 = arith.constant 0 : i32
        %dma_wait3A_170 = tpu.memref_slice %arg12[%multiple_of3A, %dma_wait3A_169] : memref<10000x64xf32, #tpu.memory_space<vmem_shared>> -> memref<80x64xf32, #tpu.memory_space<vmem_shared>>
        %dma_wait3A_171 = arith.constant 0 : i32
        %dma_wait3A_172 = tpu.memref_slice %arg12[%multiple_of3A, %dma_wait3A_171] : memref<10000x64xf32, #tpu.memory_space<vmem_shared>> -> memref<80x64xf32, #tpu.memory_space<vmem_shared>>
        %dma_wait3A_173 = arith.constant 0 : i32
        %dma_wait3A_174 = arith.constant 0 : i32
        %dma_wait3A_175 = tpu.memref_slice %arg8[%dma_wait3A_173, %dma_wait3A_174] : memref<125x64xf32, #tpu.memory_space<vmem>> -> memref<80x64xf32, #tpu.memory_space<vmem>>
        tpu.wait_dma2 semaphore(%run_scoped3A : memref<!tpu.dma_semaphore, #tpu.memory_space<semaphore_mem>>) src(%dma_wait3A_175 : memref<80x64xf32, #tpu.memory_space<vmem>>) dst(%dma_wait3A_172 : memref<80x64xf32, #tpu.memory_space<vmem_shared>>)
        tpu.yield
      }) : () -> ()
    } else {
    }
    %add3A_10 = arith.constant 16 : i32
    %add3A_11 = arith.addi %arg1, %add3A_10 : i32
    %lt3A_12 = arith.constant 125 : i32
    %lt3A_13 = arith.cmpi slt, %add3A_11, %lt3A_12 : i32
    %convert_element_type3A_14 = arith.extui %lt3A_13 : i1 to i32
    %cond3A_15 = arith.constant 0 : i32
    %cond3A_16 = arith.cmpi ne, %convert_element_type3A_14, %cond3A_15 : i32
    scf.if %cond3A_16 {
      %mul3A = arith.constant 80 : i32
      %mul3A_156 = arith.muli %add3A_11, %mul3A : i32
      %multiple_of3A = tpu.assume_multiple %mul3A_156, 80 : i32
      "tpu.region"() ({
        %run_scoped3A = tpu.sem_alloc : memref<!tpu.dma_semaphore, #tpu.memory_space<semaphore_mem>>
        %dma_start3A_157 = arith.constant 0 : i32
        %dma_start3A_158 = arith.constant 0 : i32
        %dma_start3A_159 = tpu.memref_slice %arg8[%dma_start3A_157, %dma_start3A_158] : memref<125x64xf32, #tpu.memory_space<vmem>> -> memref<80x64xf32, #tpu.memory_space<vmem>>
        %dma_start3A_160 = arith.constant 0 : i32
        %dma_start3A_161 = tpu.memref_slice %arg12[%multiple_of3A, %dma_start3A_160] : memref<10000x64xf32, #tpu.memory_space<vmem_shared>> -> memref<80x64xf32, #tpu.memory_space<vmem_shared>>
        %dma_start3A_162 = arith.constant 0 : i32
        %dma_start3A_163 = tpu.memref_slice %arg12[%multiple_of3A, %dma_start3A_162] : memref<10000x64xf32, #tpu.memory_space<vmem_shared>> -> memref<80x64xf32, #tpu.memory_space<vmem_shared>>
        %dma_start3A_164 = arith.constant 0 : i32
        %dma_start3A_165 = arith.constant 0 : i32
        %dma_start3A_166 = tpu.memref_slice %arg8[%dma_start3A_164, %dma_start3A_165] : memref<125x64xf32, #tpu.memory_space<vmem>> -> memref<80x64xf32, #tpu.memory_space<vmem>>
        tpu.enqueue_dma source(%dma_start3A_166 : memref<80x64xf32, #tpu.memory_space<vmem>>) target(%dma_start3A_163 : memref<80x64xf32, #tpu.memory_space<vmem_shared>>) target_semaphore(%run_scoped3A : memref<!tpu.dma_semaphore, #tpu.memory_space<semaphore_mem>>)
        %dma_wait3A = arith.constant 0 : i32
        %dma_wait3A_167 = arith.constant 0 : i32
        %dma_wait3A_168 = tpu.memref_slice %arg8[%dma_wait3A, %dma_wait3A_167] : memref<125x64xf32, #tpu.memory_space<vmem>> -> memref<80x64xf32, #tpu.memory_space<vmem>>
        %dma_wait3A_169 = arith.constant 0 : i32
        %dma_wait3A_170 = tpu.memref_slice %arg12[%multiple_of3A, %dma_wait3A_169] : memref<10000x64xf32, #tpu.memory_space<vmem_shared>> -> memref<80x64xf32, #tpu.memory_space<vmem_shared>>
        %dma_wait3A_171 = arith.constant 0 : i32
        %dma_wait3A_172 = tpu.memref_slice %arg12[%multiple_of3A, %dma_wait3A_171] : memref<10000x64xf32, #tpu.memory_space<vmem_shared>> -> memref<80x64xf32, #tpu.memory_space<vmem_shared>>
        %dma_wait3A_173 = arith.constant 0 : i32
        %dma_wait3A_174 = arith.constant 0 : i32
        %dma_wait3A_175 = tpu.memref_slice %arg8[%dma_wait3A_173, %dma_wait3A_174] : memref<125x64xf32, #tpu.memory_space<vmem>> -> memref<80x64xf32, #tpu.memory_space<vmem>>
        tpu.wait_dma2 semaphore(%run_scoped3A : memref<!tpu.dma_semaphore, #tpu.memory_space<semaphore_mem>>) src(%dma_wait3A_175 : memref<80x64xf32, #tpu.memory_space<vmem>>) dst(%dma_wait3A_172 : memref<80x64xf32, #tpu.memory_space<vmem_shared>>)
        tpu.yield
      }) : () -> ()
    } else {
    }
    %add3A_17 = arith.constant 32 : i32
    %add3A_18 = arith.addi %arg1, %add3A_17 : i32
    %lt3A_19 = arith.constant 125 : i32
    %lt3A_20 = arith.cmpi slt, %add3A_18, %lt3A_19 : i32
    %convert_element_type3A_21 = arith.extui %lt3A_20 : i1 to i32
    %cond3A_22 = arith.constant 0 : i32
    %cond3A_23 = arith.cmpi ne, %convert_element_type3A_21, %cond3A_22 : i32
    scf.if %cond3A_23 {
      %mul3A = arith.constant 80 : i32
      %mul3A_156 = arith.muli %add3A_18, %mul3A : i32
      %multiple_of3A = tpu.assume_multiple %mul3A_156, 80 : i32
      "tpu.region"() ({
        %run_scoped3A = tpu.sem_alloc : memref<!tpu.dma_semaphore, #tpu.memory_space<semaphore_mem>>
        %dma_start3A_157 = arith.constant 0 : i32
        %dma_start3A_158 = arith.constant 0 : i32
        %dma_start3A_159 = tpu.memref_slice %arg8[%dma_start3A_157, %dma_start3A_158] : memref<125x64xf32, #tpu.memory_space<vmem>> -> memref<80x64xf32, #tpu.memory_space<vmem>>
        %dma_start3A_160 = arith.constant 0 : i32
        %dma_start3A_161 = tpu.memref_slice %arg12[%multiple_of3A, %dma_start3A_160] : memref<10000x64xf32, #tpu.memory_space<vmem_shared>> -> memref<80x64xf32, #tpu.memory_space<vmem_shared>>
        %dma_start3A_162 = arith.constant 0 : i32
        %dma_start3A_163 = tpu.memref_slice %arg12[%multiple_of3A, %dma_start3A_162] : memref<10000x64xf32, #tpu.memory_space<vmem_shared>> -> memref<80x64xf32, #tpu.memory_space<vmem_shared>>
        %dma_start3A_164 = arith.constant 0 : i32
        %dma_start3A_165 = arith.constant 0 : i32
        %dma_start3A_166 = tpu.memref_slice %arg8[%dma_start3A_164, %dma_start3A_165] : memref<125x64xf32, #tpu.memory_space<vmem>> -> memref<80x64xf32, #tpu.memory_space<vmem>>
        tpu.enqueue_dma source(%dma_start3A_166 : memref<80x64xf32, #tpu.memory_space<vmem>>) target(%dma_start3A_163 : memref<80x64xf32, #tpu.memory_space<vmem_shared>>) target_semaphore(%run_scoped3A : memref<!tpu.dma_semaphore, #tpu.memory_space<semaphore_mem>>)
        %dma_wait3A = arith.constant 0 : i32
        %dma_wait3A_167 = arith.constant 0 : i32
        %dma_wait3A_168 = tpu.memref_slice %arg8[%dma_wait3A, %dma_wait3A_167] : memref<125x64xf32, #tpu.memory_space<vmem>> -> memref<80x64xf32, #tpu.memory_space<vmem>>
        %dma_wait3A_169 = arith.constant 0 : i32
        %dma_wait3A_170 = tpu.memref_slice %arg12[%multiple_of3A, %dma_wait3A_169] : memref<10000x64xf32, #tpu.memory_space<vmem_shared>> -> memref<80x64xf32, #tpu.memory_space<vmem_shared>>
        %dma_wait3A_171 = arith.constant 0 : i32
        %dma_wait3A_172 = tpu.memref_slice %arg12[%multiple_of3A, %dma_wait3A_171] : memref<10000x64xf32, #tpu.memory_space<vmem_shared>> -> memref<80x64xf32, #tpu.memory_space<vmem_shared>>
        %dma_wait3A_173 = arith.constant 0 : i32
        %dma_wait3A_174 = arith.constant 0 : i32
        %dma_wait3A_175 = tpu.memref_slice %arg8[%dma_wait3A_173, %dma_wait3A_174] : memref<125x64xf32, #tpu.memory_space<vmem>> -> memref<80x64xf32, #tpu.memory_space<vmem>>
        tpu.wait_dma2 semaphore(%run_scoped3A : memref<!tpu.dma_semaphore, #tpu.memory_space<semaphore_mem>>) src(%dma_wait3A_175 : memref<80x64xf32, #tpu.memory_space<vmem>>) dst(%dma_wait3A_172 : memref<80x64xf32, #tpu.memory_space<vmem_shared>>)
        tpu.yield
      }) : () -> ()
    } else {
    }
    %add3A_24 = arith.constant 48 : i32
    %add3A_25 = arith.addi %arg1, %add3A_24 : i32
    %lt3A_26 = arith.constant 125 : i32
    %lt3A_27 = arith.cmpi slt, %add3A_25, %lt3A_26 : i32
    %convert_element_type3A_28 = arith.extui %lt3A_27 : i1 to i32
    %cond3A_29 = arith.constant 0 : i32
    %cond3A_30 = arith.cmpi ne, %convert_element_type3A_28, %cond3A_29 : i32
    scf.if %cond3A_30 {
      %mul3A = arith.constant 80 : i32
      %mul3A_156 = arith.muli %add3A_25, %mul3A : i32
      %multiple_of3A = tpu.assume_multiple %mul3A_156, 80 : i32
      "tpu.region"() ({
        %run_scoped3A = tpu.sem_alloc : memref<!tpu.dma_semaphore, #tpu.memory_space<semaphore_mem>>
        %dma_start3A_157 = arith.constant 0 : i32
        %dma_start3A_158 = arith.constant 0 : i32
        %dma_start3A_159 = tpu.memref_slice %arg8[%dma_start3A_157, %dma_start3A_158] : memref<125x64xf32, #tpu.memory_space<vmem>> -> memref<80x64xf32, #tpu.memory_space<vmem>>
        %dma_start3A_160 = arith.constant 0 : i32
        %dma_start3A_161 = tpu.memref_slice %arg12[%multiple_of3A, %dma_start3A_160] : memref<10000x64xf32, #tpu.memory_space<vmem_shared>> -> memref<80x64xf32, #tpu.memory_space<vmem_shared>>
        %dma_start3A_162 = arith.constant 0 : i32
        %dma_start3A_163 = tpu.memref_slice %arg12[%multiple_of3A, %dma_start3A_162] : memref<10000x64xf32, #tpu.memory_space<vmem_shared>> -> memref<80x64xf32, #tpu.memory_space<vmem_shared>>
        %dma_start3A_164 = arith.constant 0 : i32
        %dma_start3A_165 = arith.constant 0 : i32
        %dma_start3A_166 = tpu.memref_slice %arg8[%dma_start3A_164, %dma_start3A_165] : memref<125x64xf32, #tpu.memory_space<vmem>> -> memref<80x64xf32, #tpu.memory_space<vmem>>
        tpu.enqueue_dma source(%dma_start3A_166 : memref<80x64xf32, #tpu.memory_space<vmem>>) target(%dma_start3A_163 : memref<80x64xf32, #tpu.memory_space<vmem_shared>>) target_semaphore(%run_scoped3A : memref<!tpu.dma_semaphore, #tpu.memory_space<semaphore_mem>>)
        %dma_wait3A = arith.constant 0 : i32
        %dma_wait3A_167 = arith.constant 0 : i32
        %dma_wait3A_168 = tpu.memref_slice %arg8[%dma_wait3A, %dma_wait3A_167] : memref<125x64xf32, #tpu.memory_space<vmem>> -> memref<80x64xf32, #tpu.memory_space<vmem>>
        %dma_wait3A_169 = arith.constant 0 : i32
        %dma_wait3A_170 = tpu.memref_slice %arg12[%multiple_of3A, %dma_wait3A_169] : memref<10000x64xf32, #tpu.memory_space<vmem_shared>> -> memref<80x64xf32, #tpu.memory_space<vmem_shared>>
        %dma_wait3A_171 = arith.constant 0 : i32
        %dma_wait3A_172 = tpu.memref_slice %arg12[%multiple_of3A, %dma_wait3A_171] : memref<10000x64xf32, #tpu.memory_space<vmem_shared>> -> memref<80x64xf32, #tpu.memory_space<vmem_shared>>
        %dma_wait3A_173 = arith.constant 0 : i32
        %dma_wait3A_174 = arith.constant 0 : i32
        %dma_wait3A_175 = tpu.memref_slice %arg8[%dma_wait3A_173, %dma_wait3A_174] : memref<125x64xf32, #tpu.memory_space<vmem>> -> memref<80x64xf32, #tpu.memory_space<vmem>>
        tpu.wait_dma2 semaphore(%run_scoped3A : memref<!tpu.dma_semaphore, #tpu.memory_space<semaphore_mem>>) src(%dma_wait3A_175 : memref<80x64xf32, #tpu.memory_space<vmem>>) dst(%dma_wait3A_172 : memref<80x64xf32, #tpu.memory_space<vmem_shared>>)
        tpu.yield
      }) : () -> ()
    } else {
    }
    %add3A_31 = arith.constant 64 : i32
    %add3A_32 = arith.addi %arg1, %add3A_31 : i32
    %lt3A_33 = arith.constant 125 : i32
    %lt3A_34 = arith.cmpi slt, %add3A_32, %lt3A_33 : i32
    %convert_element_type3A_35 = arith.extui %lt3A_34 : i1 to i32
    %cond3A_36 = arith.constant 0 : i32
    %cond3A_37 = arith.cmpi ne, %convert_element_type3A_35, %cond3A_36 : i32
    scf.if %cond3A_37 {
      %mul3A = arith.constant 80 : i32
      %mul3A_156 = arith.muli %add3A_32, %mul3A : i32
      %multiple_of3A = tpu.assume_multiple %mul3A_156, 80 : i32
      "tpu.region"() ({
        %run_scoped3A = tpu.sem_alloc : memref<!tpu.dma_semaphore, #tpu.memory_space<semaphore_mem>>
        %dma_start3A_157 = arith.constant 0 : i32
        %dma_start3A_158 = arith.constant 0 : i32
        %dma_start3A_159 = tpu.memref_slice %arg8[%dma_start3A_157, %dma_start3A_158] : memref<125x64xf32, #tpu.memory_space<vmem>> -> memref<80x64xf32, #tpu.memory_space<vmem>>
        %dma_start3A_160 = arith.constant 0 : i32
        %dma_start3A_161 = tpu.memref_slice %arg12[%multiple_of3A, %dma_start3A_160] : memref<10000x64xf32, #tpu.memory_space<vmem_shared>> -> memref<80x64xf32, #tpu.memory_space<vmem_shared>>
        %dma_start3A_162 = arith.constant 0 : i32
        %dma_start3A_163 = tpu.memref_slice %arg12[%multiple_of3A, %dma_start3A_162] : memref<10000x64xf32, #tpu.memory_space<vmem_shared>> -> memref<80x64xf32, #tpu.memory_space<vmem_shared>>
        %dma_start3A_164 = arith.constant 0 : i32
        %dma_start3A_165 = arith.constant 0 : i32
        %dma_start3A_166 = tpu.memref_slice %arg8[%dma_start3A_164, %dma_start3A_165] : memref<125x64xf32, #tpu.memory_space<vmem>> -> memref<80x64xf32, #tpu.memory_space<vmem>>
        tpu.enqueue_dma source(%dma_start3A_166 : memref<80x64xf32, #tpu.memory_space<vmem>>) target(%dma_start3A_163 : memref<80x64xf32, #tpu.memory_space<vmem_shared>>) target_semaphore(%run_scoped3A : memref<!tpu.dma_semaphore, #tpu.memory_space<semaphore_mem>>)
        %dma_wait3A = arith.constant 0 : i32
        %dma_wait3A_167 = arith.constant 0 : i32
        %dma_wait3A_168 = tpu.memref_slice %arg8[%dma_wait3A, %dma_wait3A_167] : memref<125x64xf32, #tpu.memory_space<vmem>> -> memref<80x64xf32, #tpu.memory_space<vmem>>
        %dma_wait3A_169 = arith.constant 0 : i32
        %dma_wait3A_170 = tpu.memref_slice %arg12[%multiple_of3A, %dma_wait3A_169] : memref<10000x64xf32, #tpu.memory_space<vmem_shared>> -> memref<80x64xf32, #tpu.memory_space<vmem_shared>>
        %dma_wait3A_171 = arith.constant 0 : i32
        %dma_wait3A_172 = tpu.memref_slice %arg12[%multiple_of3A, %dma_wait3A_171] : memref<10000x64xf32, #tpu.memory_space<vmem_shared>> -> memref<80x64xf32, #tpu.memory_space<vmem_shared>>
        %dma_wait3A_173 = arith.constant 0 : i32
        %dma_wait3A_174 = arith.constant 0 : i32
        %dma_wait3A_175 = tpu.memref_slice %arg8[%dma_wait3A_173, %dma_wait3A_174] : memref<125x64xf32, #tpu.memory_space<vmem>> -> memref<80x64xf32, #tpu.memory_space<vmem>>
        tpu.wait_dma2 semaphore(%run_scoped3A : memref<!tpu.dma_semaphore, #tpu.memory_space<semaphore_mem>>) src(%dma_wait3A_175 : memref<80x64xf32, #tpu.memory_space<vmem>>) dst(%dma_wait3A_172 : memref<80x64xf32, #tpu.memory_space<vmem_shared>>)
        tpu.yield
      }) : () -> ()
    } else {
    }
    %add3A_38 = arith.constant 80 : i32
    %add3A_39 = arith.addi %arg1, %add3A_38 : i32
    %lt3A_40 = arith.constant 125 : i32
    %lt3A_41 = arith.cmpi slt, %add3A_39, %lt3A_40 : i32
    %convert_element_type3A_42 = arith.extui %lt3A_41 : i1 to i32
    %cond3A_43 = arith.constant 0 : i32
    %cond3A_44 = arith.cmpi ne, %convert_element_type3A_42, %cond3A_43 : i32
    scf.if %cond3A_44 {
      %mul3A = arith.constant 80 : i32
      %mul3A_156 = arith.muli %add3A_39, %mul3A : i32
      %multiple_of3A = tpu.assume_multiple %mul3A_156, 80 : i32
      "tpu.region"() ({
        %run_scoped3A = tpu.sem_alloc : memref<!tpu.dma_semaphore, #tpu.memory_space<semaphore_mem>>
        %dma_start3A_157 = arith.constant 0 : i32
        %dma_start3A_158 = arith.constant 0 : i32
        %dma_start3A_159 = tpu.memref_slice %arg8[%dma_start3A_157, %dma_start3A_158] : memref<125x64xf32, #tpu.memory_space<vmem>> -> memref<80x64xf32, #tpu.memory_space<vmem>>
        %dma_start3A_160 = arith.constant 0 : i32
        %dma_start3A_161 = tpu.memref_slice %arg12[%multiple_of3A, %dma_start3A_160] : memref<10000x64xf32, #tpu.memory_space<vmem_shared>> -> memref<80x64xf32, #tpu.memory_space<vmem_shared>>
        %dma_start3A_162 = arith.constant 0 : i32
        %dma_start3A_163 = tpu.memref_slice %arg12[%multiple_of3A, %dma_start3A_162] : memref<10000x64xf32, #tpu.memory_space<vmem_shared>> -> memref<80x64xf32, #tpu.memory_space<vmem_shared>>
        %dma_start3A_164 = arith.constant 0 : i32
        %dma_start3A_165 = arith.constant 0 : i32
        %dma_start3A_166 = tpu.memref_slice %arg8[%dma_start3A_164, %dma_start3A_165] : memref<125x64xf32, #tpu.memory_space<vmem>> -> memref<80x64xf32, #tpu.memory_space<vmem>>
        tpu.enqueue_dma source(%dma_start3A_166 : memref<80x64xf32, #tpu.memory_space<vmem>>) target(%dma_start3A_163 : memref<80x64xf32, #tpu.memory_space<vmem_shared>>) target_semaphore(%run_scoped3A : memref<!tpu.dma_semaphore, #tpu.memory_space<semaphore_mem>>)
        %dma_wait3A = arith.constant 0 : i32
        %dma_wait3A_167 = arith.constant 0 : i32
        %dma_wait3A_168 = tpu.memref_slice %arg8[%dma_wait3A, %dma_wait3A_167] : memref<125x64xf32, #tpu.memory_space<vmem>> -> memref<80x64xf32, #tpu.memory_space<vmem>>
        %dma_wait3A_169 = arith.constant 0 : i32
        %dma_wait3A_170 = tpu.memref_slice %arg12[%multiple_of3A, %dma_wait3A_169] : memref<10000x64xf32, #tpu.memory_space<vmem_shared>> -> memref<80x64xf32, #tpu.memory_space<vmem_shared>>
        %dma_wait3A_171 = arith.constant 0 : i32
        %dma_wait3A_172 = tpu.memref_slice %arg12[%multiple_of3A, %dma_wait3A_171] : memref<10000x64xf32, #tpu.memory_space<vmem_shared>> -> memref<80x64xf32, #tpu.memory_space<vmem_shared>>
        %dma_wait3A_173 = arith.constant 0 : i32
        %dma_wait3A_174 = arith.constant 0 : i32
        %dma_wait3A_175 = tpu.memref_slice %arg8[%dma_wait3A_173, %dma_wait3A_174] : memref<125x64xf32, #tpu.memory_space<vmem>> -> memref<80x64xf32, #tpu.memory_space<vmem>>
        tpu.wait_dma2 semaphore(%run_scoped3A : memref<!tpu.dma_semaphore, #tpu.memory_space<semaphore_mem>>) src(%dma_wait3A_175 : memref<80x64xf32, #tpu.memory_space<vmem>>) dst(%dma_wait3A_172 : memref<80x64xf32, #tpu.memory_space<vmem_shared>>)
        tpu.yield
      }) : () -> ()
    } else {
    }
    %add3A_45 = arith.constant 96 : i32
    %add3A_46 = arith.addi %arg1, %add3A_45 : i32
    %lt3A_47 = arith.constant 125 : i32
    %lt3A_48 = arith.cmpi slt, %add3A_46, %lt3A_47 : i32
    %convert_element_type3A_49 = arith.extui %lt3A_48 : i1 to i32
    %cond3A_50 = arith.constant 0 : i32
    %cond3A_51 = arith.cmpi ne, %convert_element_type3A_49, %cond3A_50 : i32
    scf.if %cond3A_51 {
      %mul3A = arith.constant 80 : i32
      %mul3A_156 = arith.muli %add3A_46, %mul3A : i32
      %multiple_of3A = tpu.assume_multiple %mul3A_156, 80 : i32
      "tpu.region"() ({
        %run_scoped3A = tpu.sem_alloc : memref<!tpu.dma_semaphore, #tpu.memory_space<semaphore_mem>>
        %dma_start3A_157 = arith.constant 0 : i32
        %dma_start3A_158 = arith.constant 0 : i32
        %dma_start3A_159 = tpu.memref_slice %arg8[%dma_start3A_157, %dma_start3A_158] : memref<125x64xf32, #tpu.memory_space<vmem>> -> memref<80x64xf32, #tpu.memory_space<vmem>>
        %dma_start3A_160 = arith.constant 0 : i32
        %dma_start3A_161 = tpu.memref_slice %arg12[%multiple_of3A, %dma_start3A_160] : memref<10000x64xf32, #tpu.memory_space<vmem_shared>> -> memref<80x64xf32, #tpu.memory_space<vmem_shared>>
        %dma_start3A_162 = arith.constant 0 : i32
        %dma_start3A_163 = tpu.memref_slice %arg12[%multiple_of3A, %dma_start3A_162] : memref<10000x64xf32, #tpu.memory_space<vmem_shared>> -> memref<80x64xf32, #tpu.memory_space<vmem_shared>>
        %dma_start3A_164 = arith.constant 0 : i32
        %dma_start3A_165 = arith.constant 0 : i32
        %dma_start3A_166 = tpu.memref_slice %arg8[%dma_start3A_164, %dma_start3A_165] : memref<125x64xf32, #tpu.memory_space<vmem>> -> memref<80x64xf32, #tpu.memory_space<vmem>>
        tpu.enqueue_dma source(%dma_start3A_166 : memref<80x64xf32, #tpu.memory_space<vmem>>) target(%dma_start3A_163 : memref<80x64xf32, #tpu.memory_space<vmem_shared>>) target_semaphore(%run_scoped3A : memref<!tpu.dma_semaphore, #tpu.memory_space<semaphore_mem>>)
        %dma_wait3A = arith.constant 0 : i32
        %dma_wait3A_167 = arith.constant 0 : i32
        %dma_wait3A_168 = tpu.memref_slice %arg8[%dma_wait3A, %dma_wait3A_167] : memref<125x64xf32, #tpu.memory_space<vmem>> -> memref<80x64xf32, #tpu.memory_space<vmem>>
        %dma_wait3A_169 = arith.constant 0 : i32
        %dma_wait3A_170 = tpu.memref_slice %arg12[%multiple_of3A, %dma_wait3A_169] : memref<10000x64xf32, #tpu.memory_space<vmem_shared>> -> memref<80x64xf32, #tpu.memory_space<vmem_shared>>
        %dma_wait3A_171 = arith.constant 0 : i32
        %dma_wait3A_172 = tpu.memref_slice %arg12[%multiple_of3A, %dma_wait3A_171] : memref<10000x64xf32, #tpu.memory_space<vmem_shared>> -> memref<80x64xf32, #tpu.memory_space<vmem_shared>>
        %dma_wait3A_173 = arith.constant 0 : i32
        %dma_wait3A_174 = arith.constant 0 : i32
        %dma_wait3A_175 = tpu.memref_slice %arg8[%dma_wait3A_173, %dma_wait3A_174] : memref<125x64xf32, #tpu.memory_space<vmem>> -> memref<80x64xf32, #tpu.memory_space<vmem>>
        tpu.wait_dma2 semaphore(%run_scoped3A : memref<!tpu.dma_semaphore, #tpu.memory_space<semaphore_mem>>) src(%dma_wait3A_175 : memref<80x64xf32, #tpu.memory_space<vmem>>) dst(%dma_wait3A_172 : memref<80x64xf32, #tpu.memory_space<vmem_shared>>)
        tpu.yield
      }) : () -> ()
    } else {
    }
    %add3A_52 = arith.constant 112 : i32
    %add3A_53 = arith.addi %arg1, %add3A_52 : i32
    %lt3A_54 = arith.constant 125 : i32
    %lt3A_55 = arith.cmpi slt, %add3A_53, %lt3A_54 : i32
    %convert_element_type3A_56 = arith.extui %lt3A_55 : i1 to i32
    %cond3A_57 = arith.constant 0 : i32
    %cond3A_58 = arith.cmpi ne, %convert_element_type3A_56, %cond3A_57 : i32
    scf.if %cond3A_58 {
      %mul3A = arith.constant 80 : i32
      %mul3A_156 = arith.muli %add3A_53, %mul3A : i32
      %multiple_of3A = tpu.assume_multiple %mul3A_156, 80 : i32
      "tpu.region"() ({
        %run_scoped3A = tpu.sem_alloc : memref<!tpu.dma_semaphore, #tpu.memory_space<semaphore_mem>>
        %dma_start3A_157 = arith.constant 0 : i32
        %dma_start3A_158 = arith.constant 0 : i32
        %dma_start3A_159 = tpu.memref_slice %arg8[%dma_start3A_157, %dma_start3A_158] : memref<125x64xf32, #tpu.memory_space<vmem>> -> memref<80x64xf32, #tpu.memory_space<vmem>>
        %dma_start3A_160 = arith.constant 0 : i32
        %dma_start3A_161 = tpu.memref_slice %arg12[%multiple_of3A, %dma_start3A_160] : memref<10000x64xf32, #tpu.memory_space<vmem_shared>> -> memref<80x64xf32, #tpu.memory_space<vmem_shared>>
        %dma_start3A_162 = arith.constant 0 : i32
        %dma_start3A_163 = tpu.memref_slice %arg12[%multiple_of3A, %dma_start3A_162] : memref<10000x64xf32, #tpu.memory_space<vmem_shared>> -> memref<80x64xf32, #tpu.memory_space<vmem_shared>>
        %dma_start3A_164 = arith.constant 0 : i32
        %dma_start3A_165 = arith.constant 0 : i32
        %dma_start3A_166 = tpu.memref_slice %arg8[%dma_start3A_164, %dma_start3A_165] : memref<125x64xf32, #tpu.memory_space<vmem>> -> memref<80x64xf32, #tpu.memory_space<vmem>>
        tpu.enqueue_dma source(%dma_start3A_166 : memref<80x64xf32, #tpu.memory_space<vmem>>) target(%dma_start3A_163 : memref<80x64xf32, #tpu.memory_space<vmem_shared>>) target_semaphore(%run_scoped3A : memref<!tpu.dma_semaphore, #tpu.memory_space<semaphore_mem>>)
        %dma_wait3A = arith.constant 0 : i32
        %dma_wait3A_167 = arith.constant 0 : i32
        %dma_wait3A_168 = tpu.memref_slice %arg8[%dma_wait3A, %dma_wait3A_167] : memref<125x64xf32, #tpu.memory_space<vmem>> -> memref<80x64xf32, #tpu.memory_space<vmem>>
        %dma_wait3A_169 = arith.constant 0 : i32
        %dma_wait3A_170 = tpu.memref_slice %arg12[%multiple_of3A, %dma_wait3A_169] : memref<10000x64xf32, #tpu.memory_space<vmem_shared>> -> memref<80x64xf32, #tpu.memory_space<vmem_shared>>
        %dma_wait3A_171 = arith.constant 0 : i32
        %dma_wait3A_172 = tpu.memref_slice %arg12[%multiple_of3A, %dma_wait3A_171] : memref<10000x64xf32, #tpu.memory_space<vmem_shared>> -> memref<80x64xf32, #tpu.memory_space<vmem_shared>>
        %dma_wait3A_173 = arith.constant 0 : i32
        %dma_wait3A_174 = arith.constant 0 : i32
        %dma_wait3A_175 = tpu.memref_slice %arg8[%dma_wait3A_173, %dma_wait3A_174] : memref<125x64xf32, #tpu.memory_space<vmem>> -> memref<80x64xf32, #tpu.memory_space<vmem>>
        tpu.wait_dma2 semaphore(%run_scoped3A : memref<!tpu.dma_semaphore, #tpu.memory_space<semaphore_mem>>) src(%dma_wait3A_175 : memref<80x64xf32, #tpu.memory_space<vmem>>) dst(%dma_wait3A_172 : memref<80x64xf32, #tpu.memory_space<vmem_shared>>)
        tpu.yield
      }) : () -> ()
    } else {
    }
    %barrier3A = arith.constant 0 : index
    tpu.barrier barrier_id(%barrier3A)
    "tpu.region"() ({
      %run_scoped3A = tpu.sem_alloc : memref<!tpu.dma_semaphore, #tpu.memory_space<semaphore_mem>>
      %dma_start3A_156 = arith.constant 0 : i32
      %dma_start3A_157 = arith.constant 0 : i32
      %dma_start3A_158 = tpu.memref_slice %arg3[%arg1, %dma_start3A_156, %dma_start3A_157] : memref<16x160x125xi32, #tpu.memory_space<hbm>> -> memref<1x160x125xi32, #tpu.memory_space<hbm>>
      %dma_start3A_159 = tpu.memref_squeeze %dma_start3A_158 : memref<1x160x125xi32, #tpu.memory_space<hbm>> -> memref<160x125xi32, #tpu.memory_space<hbm>>
      %dma_start3A_160 = arith.constant 0 : i32
      %dma_start3A_161 = arith.constant 0 : i32
      %dma_start3A_162 = tpu.memref_slice %arg3[%arg1, %dma_start3A_160, %dma_start3A_161] : memref<16x160x125xi32, #tpu.memory_space<hbm>> -> memref<1x160x125xi32, #tpu.memory_space<hbm>>
      %dma_start3A_163 = tpu.memref_squeeze %dma_start3A_162 : memref<1x160x125xi32, #tpu.memory_space<hbm>> -> memref<160x125xi32, #tpu.memory_space<hbm>>
      tpu.enqueue_dma source(%dma_start3A_163 : memref<160x125xi32, #tpu.memory_space<hbm>>) target(%arg6 : memref<160x125xi32, #tpu.memory_space<vmem>>) target_semaphore(%run_scoped3A : memref<!tpu.dma_semaphore, #tpu.memory_space<semaphore_mem>>)
      %dma_wait3A = arith.constant 0 : i32
      %dma_wait3A_164 = arith.constant 0 : i32
      %dma_wait3A_165 = tpu.memref_slice %arg3[%arg1, %dma_wait3A, %dma_wait3A_164] : memref<16x160x125xi32, #tpu.memory_space<hbm>> -> memref<1x160x125xi32, #tpu.memory_space<hbm>>
      %dma_wait3A_166 = tpu.memref_squeeze %dma_wait3A_165 : memref<1x160x125xi32, #tpu.memory_space<hbm>> -> memref<160x125xi32, #tpu.memory_space<hbm>>
      %dma_wait3A_167 = arith.constant 0 : i32
      %dma_wait3A_168 = arith.constant 0 : i32
      %dma_wait3A_169 = tpu.memref_slice %arg3[%arg1, %dma_wait3A_167, %dma_wait3A_168] : memref<16x160x125xi32, #tpu.memory_space<hbm>> -> memref<1x160x125xi32, #tpu.memory_space<hbm>>
      %dma_wait3A_170 = tpu.memref_squeeze %dma_wait3A_169 : memref<1x160x125xi32, #tpu.memory_space<hbm>> -> memref<160x125xi32, #tpu.memory_space<hbm>>
      tpu.wait_dma2 semaphore(%run_scoped3A : memref<!tpu.dma_semaphore, #tpu.memory_space<semaphore_mem>>) src(%dma_wait3A_170 : memref<160x125xi32, #tpu.memory_space<hbm>>) dst(%arg6 : memref<160x125xi32, #tpu.memory_space<vmem>>)
      tpu.yield
    }) : () -> ()
    "tpu.region"() ({
      %run_scoped3A = tpu.sem_alloc : memref<!tpu.dma_semaphore, #tpu.memory_space<semaphore_mem>>
      %dma_start3A_156 = arith.constant 0 : i32
      %dma_start3A_157 = arith.constant 0 : i32
      %dma_start3A_158 = tpu.memref_slice %arg4[%arg1, %dma_start3A_156, %dma_start3A_157] : memref<16x160x125xi32, #tpu.memory_space<hbm>> -> memref<1x160x125xi32, #tpu.memory_space<hbm>>
      %dma_start3A_159 = tpu.memref_squeeze %dma_start3A_158 : memref<1x160x125xi32, #tpu.memory_space<hbm>> -> memref<160x125xi32, #tpu.memory_space<hbm>>
      %dma_start3A_160 = arith.constant 0 : i32
      %dma_start3A_161 = arith.constant 0 : i32
      %dma_start3A_162 = tpu.memref_slice %arg4[%arg1, %dma_start3A_160, %dma_start3A_161] : memref<16x160x125xi32, #tpu.memory_space<hbm>> -> memref<1x160x125xi32, #tpu.memory_space<hbm>>
      %dma_start3A_163 = tpu.memref_squeeze %dma_start3A_162 : memref<1x160x125xi32, #tpu.memory_space<hbm>> -> memref<160x125xi32, #tpu.memory_space<hbm>>
      tpu.enqueue_dma source(%dma_start3A_163 : memref<160x125xi32, #tpu.memory_space<hbm>>) target(%arg7 : memref<160x125xi32, #tpu.memory_space<vmem>>) target_semaphore(%run_scoped3A : memref<!tpu.dma_semaphore, #tpu.memory_space<semaphore_mem>>)
      %dma_wait3A = arith.constant 0 : i32
      %dma_wait3A_164 = arith.constant 0 : i32
      %dma_wait3A_165 = tpu.memref_slice %arg4[%arg1, %dma_wait3A, %dma_wait3A_164] : memref<16x160x125xi32, #tpu.memory_space<hbm>> -> memref<1x160x125xi32, #tpu.memory_space<hbm>>
      %dma_wait3A_166 = tpu.memref_squeeze %dma_wait3A_165 : memref<1x160x125xi32, #tpu.memory_space<hbm>> -> memref<160x125xi32, #tpu.memory_space<hbm>>
      %dma_wait3A_167 = arith.constant 0 : i32
      %dma_wait3A_168 = arith.constant 0 : i32
      %dma_wait3A_169 = tpu.memref_slice %arg4[%arg1, %dma_wait3A_167, %dma_wait3A_168] : memref<16x160x125xi32, #tpu.memory_space<hbm>> -> memref<1x160x125xi32, #tpu.memory_space<hbm>>
      %dma_wait3A_170 = tpu.memref_squeeze %dma_wait3A_169 : memref<1x160x125xi32, #tpu.memory_space<hbm>> -> memref<160x125xi32, #tpu.memory_space<hbm>>
      tpu.wait_dma2 semaphore(%run_scoped3A : memref<!tpu.dma_semaphore, #tpu.memory_space<semaphore_mem>>) src(%dma_wait3A_170 : memref<160x125xi32, #tpu.memory_space<hbm>>) dst(%arg7 : memref<160x125xi32, #tpu.memory_space<vmem>>)
      tpu.yield
    }) : () -> ()
    %dma_start3A = arith.constant 0 : i32
    %dma_start3A_59 = arith.constant 0 : i32
    %dma_start3A_60 = tpu.memref_slice %arg6[%dma_start3A, %dma_start3A_59] : memref<160x125xi32, #tpu.memory_space<vmem>> -> memref<1x125xi32, #tpu.memory_space<vmem>>
    %dma_start3A_61 = tpu.memref_squeeze %dma_start3A_60 : memref<1x125xi32, #tpu.memory_space<vmem>> -> memref<125xi32, #tpu.memory_space<vmem>>
    %dma_start3A_62 = arith.constant 0 : i32
    %dma_start3A_63 = arith.constant 0 : i32
    %dma_start3A_64 = tpu.memref_slice %arg2[%arg0, %dma_start3A_62, %dma_start3A_63] : memref<2x10000x64xf32, #tpu.memory_space<hbm>> -> memref<1x10000x64xf32, #tpu.memory_space<hbm>>
    %dma_start3A_65 = tpu.memref_squeeze %dma_start3A_64 : memref<1x10000x64xf32, #tpu.memory_space<hbm>> -> memref<10000x64xf32, #tpu.memory_space<hbm>>
    %dma_start3A_66 = arith.constant 0 : i32
    %dma_start3A_67 = arith.constant 0 : i32
    %dma_start3A_68 = tpu.memref_slice %dma_start3A_65[%dma_start3A_66, %dma_start3A_67] : memref<10000x64xf32, #tpu.memory_space<hbm>> -> memref<10000x64xf32, #tpu.memory_space<hbm>>
    tpu.enqueue_indirect_dma source(%dma_start3A_68 : memref<10000x64xf32, #tpu.memory_space<hbm>>) target(%arg8 : memref<125x64xf32, #tpu.memory_space<vmem>>) offsets(%dma_start3A_61 : memref<125xi32, #tpu.memory_space<vmem>>) semaphore(%arg13 : memref<!tpu.dma_semaphore, #tpu.memory_space<semaphore_mem>>)
    %dma_start3A_69 = arith.constant 1 : i32
    %dma_start3A_70 = arith.constant 0 : i32
    %dma_start3A_71 = tpu.memref_slice %arg6[%dma_start3A_69, %dma_start3A_70] : memref<160x125xi32, #tpu.memory_space<vmem>> -> memref<1x125xi32, #tpu.memory_space<vmem>>
    %dma_start3A_72 = tpu.memref_squeeze %dma_start3A_71 : memref<1x125xi32, #tpu.memory_space<vmem>> -> memref<125xi32, #tpu.memory_space<vmem>>
    %dma_start3A_73 = arith.constant 0 : i32
    %dma_start3A_74 = arith.constant 0 : i32
    %dma_start3A_75 = tpu.memref_slice %arg2[%arg0, %dma_start3A_73, %dma_start3A_74] : memref<2x10000x64xf32, #tpu.memory_space<hbm>> -> memref<1x10000x64xf32, #tpu.memory_space<hbm>>
    %dma_start3A_76 = tpu.memref_squeeze %dma_start3A_75 : memref<1x10000x64xf32, #tpu.memory_space<hbm>> -> memref<10000x64xf32, #tpu.memory_space<hbm>>
    %dma_start3A_77 = arith.constant 0 : i32
    %dma_start3A_78 = arith.constant 0 : i32
    %dma_start3A_79 = tpu.memref_slice %dma_start3A_76[%dma_start3A_77, %dma_start3A_78] : memref<10000x64xf32, #tpu.memory_space<hbm>> -> memref<10000x64xf32, #tpu.memory_space<hbm>>
    tpu.enqueue_indirect_dma source(%dma_start3A_79 : memref<10000x64xf32, #tpu.memory_space<hbm>>) target(%arg9 : memref<125x64xf32, #tpu.memory_space<vmem>>) offsets(%dma_start3A_72 : memref<125xi32, #tpu.memory_space<vmem>>) semaphore(%arg14 : memref<!tpu.dma_semaphore, #tpu.memory_space<semaphore_mem>>)
    %dma_start3A_80 = arith.constant 2 : i32
    %dma_start3A_81 = arith.constant 0 : i32
    %dma_start3A_82 = tpu.memref_slice %arg6[%dma_start3A_80, %dma_start3A_81] : memref<160x125xi32, #tpu.memory_space<vmem>> -> memref<1x125xi32, #tpu.memory_space<vmem>>
    %dma_start3A_83 = tpu.memref_squeeze %dma_start3A_82 : memref<1x125xi32, #tpu.memory_space<vmem>> -> memref<125xi32, #tpu.memory_space<vmem>>
    %dma_start3A_84 = arith.constant 0 : i32
    %dma_start3A_85 = arith.constant 0 : i32
    %dma_start3A_86 = tpu.memref_slice %arg2[%arg0, %dma_start3A_84, %dma_start3A_85] : memref<2x10000x64xf32, #tpu.memory_space<hbm>> -> memref<1x10000x64xf32, #tpu.memory_space<hbm>>
    %dma_start3A_87 = tpu.memref_squeeze %dma_start3A_86 : memref<1x10000x64xf32, #tpu.memory_space<hbm>> -> memref<10000x64xf32, #tpu.memory_space<hbm>>
    %dma_start3A_88 = arith.constant 0 : i32
    %dma_start3A_89 = arith.constant 0 : i32
    %dma_start3A_90 = tpu.memref_slice %dma_start3A_87[%dma_start3A_88, %dma_start3A_89] : memref<10000x64xf32, #tpu.memory_space<hbm>> -> memref<10000x64xf32, #tpu.memory_space<hbm>>
    tpu.enqueue_indirect_dma source(%dma_start3A_90 : memref<10000x64xf32, #tpu.memory_space<hbm>>) target(%arg10 : memref<125x64xf32, #tpu.memory_space<vmem>>) offsets(%dma_start3A_83 : memref<125xi32, #tpu.memory_space<vmem>>) semaphore(%arg15 : memref<!tpu.dma_semaphore, #tpu.memory_space<semaphore_mem>>)
    %scan3A_91 = arith.constant 0 : i32
    %scan3A_92 = arith.constant 0 : i32
    %scan3A_93 = arith.constant 40 : i32
    %scan3A_94 = arith.addi %scan3A_92, %scan3A_93 : i32
    %scan3A_95 = arith.constant 1 : i32
    %scan3A_96 = scf.for %scan3A_156 = %scan3A_92 to %scan3A_94 step %scan3A_95 iter_args(%scan3A_157 = %scan3A_91) -> (i32)  : i32 {
      %mul3A = arith.constant 4 : i32
      %mul3A_158 = arith.muli %mul3A, %scan3A_156 : i32
      %add3A_159 = arith.constant 0 : i32
      %add3A_160 = arith.addi %mul3A_158, %add3A_159 : i32
      %add3A_161 = arith.constant 4 : i32
      %add3A_162 = arith.addi %add3A_160, %add3A_161 : i32
      %sub3A = arith.constant 1 : i32
      %sub3A_163 = arith.subi %add3A_162, %sub3A : i32
      %lt3A_164 = arith.constant 160 : i32
      %lt3A_165 = arith.cmpi slt, %sub3A_163, %lt3A_164 : i32
      %convert_element_type3A_166 = arith.extui %lt3A_165 : i1 to i32
      %cond3A_167 = arith.constant 0 : i32
      %cond3A_168 = arith.cmpi ne, %convert_element_type3A_166, %cond3A_167 : i32
      scf.if %cond3A_168 {
        %add3A_248 = arith.constant 4 : i32
        %add3A_249 = arith.addi %add3A_160, %add3A_248 : i32
        %sub3A_250 = arith.constant 1 : i32
        %sub3A_251 = arith.subi %add3A_249, %sub3A_250 : i32
        %dma_start3A_252 = arith.constant 0 : i32
        %dma_start3A_253 = tpu.memref_slice %arg6[%sub3A_251, %dma_start3A_252] : memref<160x125xi32, #tpu.memory_space<vmem>> -> memref<1x125xi32, #tpu.memory_space<vmem>>
        %dma_start3A_254 = tpu.memref_squeeze %dma_start3A_253 : memref<1x125xi32, #tpu.memory_space<vmem>> -> memref<125xi32, #tpu.memory_space<vmem>>
        %dma_start3A_255 = arith.constant 0 : i32
        %dma_start3A_256 = arith.constant 0 : i32
        %dma_start3A_257 = tpu.memref_slice %arg2[%arg0, %dma_start3A_255, %dma_start3A_256] : memref<2x10000x64xf32, #tpu.memory_space<hbm>> -> memref<1x10000x64xf32, #tpu.memory_space<hbm>>
        %dma_start3A_258 = tpu.memref_squeeze %dma_start3A_257 : memref<1x10000x64xf32, #tpu.memory_space<hbm>> -> memref<10000x64xf32, #tpu.memory_space<hbm>>
        %dma_start3A_259 = arith.constant 0 : i32
        %dma_start3A_260 = arith.constant 0 : i32
        %dma_start3A_261 = tpu.memref_slice %dma_start3A_258[%dma_start3A_259, %dma_start3A_260] : memref<10000x64xf32, #tpu.memory_space<hbm>> -> memref<10000x64xf32, #tpu.memory_space<hbm>>
        tpu.enqueue_indirect_dma source(%dma_start3A_261 : memref<10000x64xf32, #tpu.memory_space<hbm>>) target(%arg11 : memref<125x64xf32, #tpu.memory_space<vmem>>) offsets(%dma_start3A_254 : memref<125xi32, #tpu.memory_space<vmem>>) semaphore(%arg16 : memref<!tpu.dma_semaphore, #tpu.memory_space<semaphore_mem>>)
      } else {
      }
      %dma_wait3A = arith.constant 0 : i32
      %dma_wait3A_169 = tpu.memref_slice %arg6[%add3A_160, %dma_wait3A] : memref<160x125xi32, #tpu.memory_space<vmem>> -> memref<1x125xi32, #tpu.memory_space<vmem>>
      %dma_wait3A_170 = tpu.memref_squeeze %dma_wait3A_169 : memref<1x125xi32, #tpu.memory_space<vmem>> -> memref<125xi32, #tpu.memory_space<vmem>>
      %dma_wait3A_171 = arith.constant 0 : i32
      %dma_wait3A_172 = arith.constant 0 : i32
      %dma_wait3A_173 = tpu.memref_slice %arg2[%arg0, %dma_wait3A_171, %dma_wait3A_172] : memref<2x10000x64xf32, #tpu.memory_space<hbm>> -> memref<1x10000x64xf32, #tpu.memory_space<hbm>>
      %dma_wait3A_174 = tpu.memref_squeeze %dma_wait3A_173 : memref<1x10000x64xf32, #tpu.memory_space<hbm>> -> memref<10000x64xf32, #tpu.memory_space<hbm>>
      %dma_wait3A_175 = arith.constant 0 : i32
      %dma_wait3A_176 = arith.constant 0 : i32
      %dma_wait3A_177 = tpu.memref_slice %dma_wait3A_174[%dma_wait3A_175, %dma_wait3A_176] : memref<10000x64xf32, #tpu.memory_space<hbm>> -> memref<10000x64xf32, #tpu.memory_space<hbm>>
      tpu.wait_indirect_dma semaphore(%arg13 : memref<!tpu.dma_semaphore, #tpu.memory_space<semaphore_mem>>) src(%dma_wait3A_177 : memref<10000x64xf32, #tpu.memory_space<hbm>>) dst(%arg8 : memref<125x64xf32, #tpu.memory_space<vmem>>)
      "tpu.region"() ({
        %run_scoped3A = tpu.sem_alloc : memref<!tpu.dma_semaphore, #tpu.memory_space<semaphore_mem>>
        %dma_start3A_248 = arith.constant 0 : i32
        %dma_start3A_249 = tpu.memref_slice %arg7[%add3A_160, %dma_start3A_248] : memref<160x125xi32, #tpu.memory_space<vmem>> -> memref<1x125xi32, #tpu.memory_space<vmem>>
        %dma_start3A_250 = tpu.memref_squeeze %dma_start3A_249 : memref<1x125xi32, #tpu.memory_space<vmem>> -> memref<125xi32, #tpu.memory_space<vmem>>
        %dma_start3A_251 = arith.constant 0 : i32
        %dma_start3A_252 = arith.constant 0 : i32
        %dma_start3A_253 = tpu.memref_slice %arg12[%dma_start3A_251, %dma_start3A_252] : memref<10000x64xf32, #tpu.memory_space<vmem_shared>> -> memref<10000x64xf32, #tpu.memory_space<vmem_shared>>
        tpu.enqueue_indirect_dma source(%arg8 : memref<125x64xf32, #tpu.memory_space<vmem>>) target(%dma_start3A_253 : memref<10000x64xf32, #tpu.memory_space<vmem_shared>>) offsets(%dma_start3A_250 : memref<125xi32, #tpu.memory_space<vmem>>) semaphore(%run_scoped3A : memref<!tpu.dma_semaphore, #tpu.memory_space<semaphore_mem>>) {add = true}
        %dma_wait3A_254 = arith.constant 0 : i32
        %dma_wait3A_255 = tpu.memref_slice %arg7[%add3A_160, %dma_wait3A_254] : memref<160x125xi32, #tpu.memory_space<vmem>> -> memref<1x125xi32, #tpu.memory_space<vmem>>
        %dma_wait3A_256 = tpu.memref_squeeze %dma_wait3A_255 : memref<1x125xi32, #tpu.memory_space<vmem>> -> memref<125xi32, #tpu.memory_space<vmem>>
        %dma_wait3A_257 = arith.constant 0 : i32
        %dma_wait3A_258 = arith.constant 0 : i32
        %dma_wait3A_259 = tpu.memref_slice %arg12[%dma_wait3A_257, %dma_wait3A_258] : memref<10000x64xf32, #tpu.memory_space<vmem_shared>> -> memref<10000x64xf32, #tpu.memory_space<vmem_shared>>
        tpu.wait_indirect_dma semaphore(%run_scoped3A : memref<!tpu.dma_semaphore, #tpu.memory_space<semaphore_mem>>) src(%arg8 : memref<125x64xf32, #tpu.memory_space<vmem>>) dst(%dma_wait3A_259 : memref<10000x64xf32, #tpu.memory_space<vmem_shared>>)
        tpu.yield
      }) : () -> ()
      %mul3A_178 = arith.constant 4 : i32
      %mul3A_179 = arith.muli %mul3A_178, %scan3A_156 : i32
      %add3A_180 = arith.constant 1 : i32
      %add3A_181 = arith.addi %mul3A_179, %add3A_180 : i32
      %add3A_182 = arith.constant 4 : i32
      %add3A_183 = arith.addi %add3A_181, %add3A_182 : i32
      %sub3A_184 = arith.constant 1 : i32
      %sub3A_185 = arith.subi %add3A_183, %sub3A_184 : i32
      %lt3A_186 = arith.constant 160 : i32
      %lt3A_187 = arith.cmpi slt, %sub3A_185, %lt3A_186 : i32
      %convert_element_type3A_188 = arith.extui %lt3A_187 : i1 to i32
      %cond3A_189 = arith.constant 0 : i32
      %cond3A_190 = arith.cmpi ne, %convert_element_type3A_188, %cond3A_189 : i32
      scf.if %cond3A_190 {
        %add3A_248 = arith.constant 4 : i32
        %add3A_249 = arith.addi %add3A_181, %add3A_248 : i32
        %sub3A_250 = arith.constant 1 : i32
        %sub3A_251 = arith.subi %add3A_249, %sub3A_250 : i32
        %dma_start3A_252 = arith.constant 0 : i32
        %dma_start3A_253 = tpu.memref_slice %arg6[%sub3A_251, %dma_start3A_252] : memref<160x125xi32, #tpu.memory_space<vmem>> -> memref<1x125xi32, #tpu.memory_space<vmem>>
        %dma_start3A_254 = tpu.memref_squeeze %dma_start3A_253 : memref<1x125xi32, #tpu.memory_space<vmem>> -> memref<125xi32, #tpu.memory_space<vmem>>
        %dma_start3A_255 = arith.constant 0 : i32
        %dma_start3A_256 = arith.constant 0 : i32
        %dma_start3A_257 = tpu.memref_slice %arg2[%arg0, %dma_start3A_255, %dma_start3A_256] : memref<2x10000x64xf32, #tpu.memory_space<hbm>> -> memref<1x10000x64xf32, #tpu.memory_space<hbm>>
        %dma_start3A_258 = tpu.memref_squeeze %dma_start3A_257 : memref<1x10000x64xf32, #tpu.memory_space<hbm>> -> memref<10000x64xf32, #tpu.memory_space<hbm>>
        %dma_start3A_259 = arith.constant 0 : i32
        %dma_start3A_260 = arith.constant 0 : i32
        %dma_start3A_261 = tpu.memref_slice %dma_start3A_258[%dma_start3A_259, %dma_start3A_260] : memref<10000x64xf32, #tpu.memory_space<hbm>> -> memref<10000x64xf32, #tpu.memory_space<hbm>>
        tpu.enqueue_indirect_dma source(%dma_start3A_261 : memref<10000x64xf32, #tpu.memory_space<hbm>>) target(%arg8 : memref<125x64xf32, #tpu.memory_space<vmem>>) offsets(%dma_start3A_254 : memref<125xi32, #tpu.memory_space<vmem>>) semaphore(%arg13 : memref<!tpu.dma_semaphore, #tpu.memory_space<semaphore_mem>>)
      } else {
      }
      %dma_wait3A_191 = arith.constant 0 : i32
      %dma_wait3A_192 = tpu.memref_slice %arg6[%add3A_181, %dma_wait3A_191] : memref<160x125xi32, #tpu.memory_space<vmem>> -> memref<1x125xi32, #tpu.memory_space<vmem>>
      %dma_wait3A_193 = tpu.memref_squeeze %dma_wait3A_192 : memref<1x125xi32, #tpu.memory_space<vmem>> -> memref<125xi32, #tpu.memory_space<vmem>>
      %dma_wait3A_194 = arith.constant 0 : i32
      %dma_wait3A_195 = arith.constant 0 : i32
      %dma_wait3A_196 = tpu.memref_slice %arg2[%arg0, %dma_wait3A_194, %dma_wait3A_195] : memref<2x10000x64xf32, #tpu.memory_space<hbm>> -> memref<1x10000x64xf32, #tpu.memory_space<hbm>>
      %dma_wait3A_197 = tpu.memref_squeeze %dma_wait3A_196 : memref<1x10000x64xf32, #tpu.memory_space<hbm>> -> memref<10000x64xf32, #tpu.memory_space<hbm>>
      %dma_wait3A_198 = arith.constant 0 : i32
      %dma_wait3A_199 = arith.constant 0 : i32
      %dma_wait3A_200 = tpu.memref_slice %dma_wait3A_197[%dma_wait3A_198, %dma_wait3A_199] : memref<10000x64xf32, #tpu.memory_space<hbm>> -> memref<10000x64xf32, #tpu.memory_space<hbm>>
      tpu.wait_indirect_dma semaphore(%arg14 : memref<!tpu.dma_semaphore, #tpu.memory_space<semaphore_mem>>) src(%dma_wait3A_200 : memref<10000x64xf32, #tpu.memory_space<hbm>>) dst(%arg9 : memref<125x64xf32, #tpu.memory_space<vmem>>)
      "tpu.region"() ({
        %run_scoped3A = tpu.sem_alloc : memref<!tpu.dma_semaphore, #tpu.memory_space<semaphore_mem>>
        %dma_start3A_248 = arith.constant 0 : i32
        %dma_start3A_249 = tpu.memref_slice %arg7[%add3A_181, %dma_start3A_248] : memref<160x125xi32, #tpu.memory_space<vmem>> -> memref<1x125xi32, #tpu.memory_space<vmem>>
        %dma_start3A_250 = tpu.memref_squeeze %dma_start3A_249 : memref<1x125xi32, #tpu.memory_space<vmem>> -> memref<125xi32, #tpu.memory_space<vmem>>
        %dma_start3A_251 = arith.constant 0 : i32
        %dma_start3A_252 = arith.constant 0 : i32
        %dma_start3A_253 = tpu.memref_slice %arg12[%dma_start3A_251, %dma_start3A_252] : memref<10000x64xf32, #tpu.memory_space<vmem_shared>> -> memref<10000x64xf32, #tpu.memory_space<vmem_shared>>
        tpu.enqueue_indirect_dma source(%arg9 : memref<125x64xf32, #tpu.memory_space<vmem>>) target(%dma_start3A_253 : memref<10000x64xf32, #tpu.memory_space<vmem_shared>>) offsets(%dma_start3A_250 : memref<125xi32, #tpu.memory_space<vmem>>) semaphore(%run_scoped3A : memref<!tpu.dma_semaphore, #tpu.memory_space<semaphore_mem>>) {add = true}
        %dma_wait3A_254 = arith.constant 0 : i32
        %dma_wait3A_255 = tpu.memref_slice %arg7[%add3A_181, %dma_wait3A_254] : memref<160x125xi32, #tpu.memory_space<vmem>> -> memref<1x125xi32, #tpu.memory_space<vmem>>
        %dma_wait3A_256 = tpu.memref_squeeze %dma_wait3A_255 : memref<1x125xi32, #tpu.memory_space<vmem>> -> memref<125xi32, #tpu.memory_space<vmem>>
        %dma_wait3A_257 = arith.constant 0 : i32
        %dma_wait3A_258 = arith.constant 0 : i32
        %dma_wait3A_259 = tpu.memref_slice %arg12[%dma_wait3A_257, %dma_wait3A_258] : memref<10000x64xf32, #tpu.memory_space<vmem_shared>> -> memref<10000x64xf32, #tpu.memory_space<vmem_shared>>
        tpu.wait_indirect_dma semaphore(%run_scoped3A : memref<!tpu.dma_semaphore, #tpu.memory_space<semaphore_mem>>) src(%arg9 : memref<125x64xf32, #tpu.memory_space<vmem>>) dst(%dma_wait3A_259 : memref<10000x64xf32, #tpu.memory_space<vmem_shared>>)
        tpu.yield
      }) : () -> ()
      %mul3A_201 = arith.constant 4 : i32
      %mul3A_202 = arith.muli %mul3A_201, %scan3A_156 : i32
      %add3A_203 = arith.constant 2 : i32
      %add3A_204 = arith.addi %mul3A_202, %add3A_203 : i32
      %add3A_205 = arith.constant 4 : i32
      %add3A_206 = arith.addi %add3A_204, %add3A_205 : i32
      %sub3A_207 = arith.constant 1 : i32
      %sub3A_208 = arith.subi %add3A_206, %sub3A_207 : i32
      %lt3A_209 = arith.constant 160 : i32
      %lt3A_210 = arith.cmpi slt, %sub3A_208, %lt3A_209 : i32
      %convert_element_type3A_211 = arith.extui %lt3A_210 : i1 to i32
      %cond3A_212 = arith.constant 0 : i32
      %cond3A_213 = arith.cmpi ne, %convert_element_type3A_211, %cond3A_212 : i32
      scf.if %cond3A_213 {
        %add3A_248 = arith.constant 4 : i32
        %add3A_249 = arith.addi %add3A_204, %add3A_248 : i32
        %sub3A_250 = arith.constant 1 : i32
        %sub3A_251 = arith.subi %add3A_249, %sub3A_250 : i32
        %dma_start3A_252 = arith.constant 0 : i32
        %dma_start3A_253 = tpu.memref_slice %arg6[%sub3A_251, %dma_start3A_252] : memref<160x125xi32, #tpu.memory_space<vmem>> -> memref<1x125xi32, #tpu.memory_space<vmem>>
        %dma_start3A_254 = tpu.memref_squeeze %dma_start3A_253 : memref<1x125xi32, #tpu.memory_space<vmem>> -> memref<125xi32, #tpu.memory_space<vmem>>
        %dma_start3A_255 = arith.constant 0 : i32
        %dma_start3A_256 = arith.constant 0 : i32
        %dma_start3A_257 = tpu.memref_slice %arg2[%arg0, %dma_start3A_255, %dma_start3A_256] : memref<2x10000x64xf32, #tpu.memory_space<hbm>> -> memref<1x10000x64xf32, #tpu.memory_space<hbm>>
        %dma_start3A_258 = tpu.memref_squeeze %dma_start3A_257 : memref<1x10000x64xf32, #tpu.memory_space<hbm>> -> memref<10000x64xf32, #tpu.memory_space<hbm>>
        %dma_start3A_259 = arith.constant 0 : i32
        %dma_start3A_260 = arith.constant 0 : i32
        %dma_start3A_261 = tpu.memref_slice %dma_start3A_258[%dma_start3A_259, %dma_start3A_260] : memref<10000x64xf32, #tpu.memory_space<hbm>> -> memref<10000x64xf32, #tpu.memory_space<hbm>>
        tpu.enqueue_indirect_dma source(%dma_start3A_261 : memref<10000x64xf32, #tpu.memory_space<hbm>>) target(%arg9 : memref<125x64xf32, #tpu.memory_space<vmem>>) offsets(%dma_start3A_254 : memref<125xi32, #tpu.memory_space<vmem>>) semaphore(%arg14 : memref<!tpu.dma_semaphore, #tpu.memory_space<semaphore_mem>>)
      } else {
      }
      %dma_wait3A_214 = arith.constant 0 : i32
      %dma_wait3A_215 = tpu.memref_slice %arg6[%add3A_204, %dma_wait3A_214] : memref<160x125xi32, #tpu.memory_space<vmem>> -> memref<1x125xi32, #tpu.memory_space<vmem>>
      %dma_wait3A_216 = tpu.memref_squeeze %dma_wait3A_215 : memref<1x125xi32, #tpu.memory_space<vmem>> -> memref<125xi32, #tpu.memory_space<vmem>>
      %dma_wait3A_217 = arith.constant 0 : i32
      %dma_wait3A_218 = arith.constant 0 : i32
      %dma_wait3A_219 = tpu.memref_slice %arg2[%arg0, %dma_wait3A_217, %dma_wait3A_218] : memref<2x10000x64xf32, #tpu.memory_space<hbm>> -> memref<1x10000x64xf32, #tpu.memory_space<hbm>>
      %dma_wait3A_220 = tpu.memref_squeeze %dma_wait3A_219 : memref<1x10000x64xf32, #tpu.memory_space<hbm>> -> memref<10000x64xf32, #tpu.memory_space<hbm>>
      %dma_wait3A_221 = arith.constant 0 : i32
      %dma_wait3A_222 = arith.constant 0 : i32
      %dma_wait3A_223 = tpu.memref_slice %dma_wait3A_220[%dma_wait3A_221, %dma_wait3A_222] : memref<10000x64xf32, #tpu.memory_space<hbm>> -> memref<10000x64xf32, #tpu.memory_space<hbm>>
      tpu.wait_indirect_dma semaphore(%arg15 : memref<!tpu.dma_semaphore, #tpu.memory_space<semaphore_mem>>) src(%dma_wait3A_223 : memref<10000x64xf32, #tpu.memory_space<hbm>>) dst(%arg10 : memref<125x64xf32, #tpu.memory_space<vmem>>)
      "tpu.region"() ({
        %run_scoped3A = tpu.sem_alloc : memref<!tpu.dma_semaphore, #tpu.memory_space<semaphore_mem>>
        %dma_start3A_248 = arith.constant 0 : i32
        %dma_start3A_249 = tpu.memref_slice %arg7[%add3A_204, %dma_start3A_248] : memref<160x125xi32, #tpu.memory_space<vmem>> -> memref<1x125xi32, #tpu.memory_space<vmem>>
        %dma_start3A_250 = tpu.memref_squeeze %dma_start3A_249 : memref<1x125xi32, #tpu.memory_space<vmem>> -> memref<125xi32, #tpu.memory_space<vmem>>
        %dma_start3A_251 = arith.constant 0 : i32
        %dma_start3A_252 = arith.constant 0 : i32
        %dma_start3A_253 = tpu.memref_slice %arg12[%dma_start3A_251, %dma_start3A_252] : memref<10000x64xf32, #tpu.memory_space<vmem_shared>> -> memref<10000x64xf32, #tpu.memory_space<vmem_shared>>
        tpu.enqueue_indirect_dma source(%arg10 : memref<125x64xf32, #tpu.memory_space<vmem>>) target(%dma_start3A_253 : memref<10000x64xf32, #tpu.memory_space<vmem_shared>>) offsets(%dma_start3A_250 : memref<125xi32, #tpu.memory_space<vmem>>) semaphore(%run_scoped3A : memref<!tpu.dma_semaphore, #tpu.memory_space<semaphore_mem>>) {add = true}
        %dma_wait3A_254 = arith.constant 0 : i32
        %dma_wait3A_255 = tpu.memref_slice %arg7[%add3A_204, %dma_wait3A_254] : memref<160x125xi32, #tpu.memory_space<vmem>> -> memref<1x125xi32, #tpu.memory_space<vmem>>
        %dma_wait3A_256 = tpu.memref_squeeze %dma_wait3A_255 : memref<1x125xi32, #tpu.memory_space<vmem>> -> memref<125xi32, #tpu.memory_space<vmem>>
        %dma_wait3A_257 = arith.constant 0 : i32
        %dma_wait3A_258 = arith.constant 0 : i32
        %dma_wait3A_259 = tpu.memref_slice %arg12[%dma_wait3A_257, %dma_wait3A_258] : memref<10000x64xf32, #tpu.memory_space<vmem_shared>> -> memref<10000x64xf32, #tpu.memory_space<vmem_shared>>
        tpu.wait_indirect_dma semaphore(%run_scoped3A : memref<!tpu.dma_semaphore, #tpu.memory_space<semaphore_mem>>) src(%arg10 : memref<125x64xf32, #tpu.memory_space<vmem>>) dst(%dma_wait3A_259 : memref<10000x64xf32, #tpu.memory_space<vmem_shared>>)
        tpu.yield
      }) : () -> ()
      %mul3A_224 = arith.constant 4 : i32
      %mul3A_225 = arith.muli %mul3A_224, %scan3A_156 : i32
      %add3A_226 = arith.constant 3 : i32
      %add3A_227 = arith.addi %mul3A_225, %add3A_226 : i32
      %add3A_228 = arith.constant 4 : i32
      %add3A_229 = arith.addi %add3A_227, %add3A_228 : i32
      %sub3A_230 = arith.constant 1 : i32
      %sub3A_231 = arith.subi %add3A_229, %sub3A_230 : i32
      %lt3A_232 = arith.constant 160 : i32
      %lt3A_233 = arith.cmpi slt, %sub3A_231, %lt3A_232 : i32
      %convert_element_type3A_234 = arith.extui %lt3A_233 : i1 to i32
      %cond3A_235 = arith.constant 0 : i32
      %cond3A_236 = arith.cmpi ne, %convert_element_type3A_234, %cond3A_235 : i32
      scf.if %cond3A_236 {
        %add3A_248 = arith.constant 4 : i32
        %add3A_249 = arith.addi %add3A_227, %add3A_248 : i32
        %sub3A_250 = arith.constant 1 : i32
        %sub3A_251 = arith.subi %add3A_249, %sub3A_250 : i32
        %dma_start3A_252 = arith.constant 0 : i32
        %dma_start3A_253 = tpu.memref_slice %arg6[%sub3A_251, %dma_start3A_252] : memref<160x125xi32, #tpu.memory_space<vmem>> -> memref<1x125xi32, #tpu.memory_space<vmem>>
        %dma_start3A_254 = tpu.memref_squeeze %dma_start3A_253 : memref<1x125xi32, #tpu.memory_space<vmem>> -> memref<125xi32, #tpu.memory_space<vmem>>
        %dma_start3A_255 = arith.constant 0 : i32
        %dma_start3A_256 = arith.constant 0 : i32
        %dma_start3A_257 = tpu.memref_slice %arg2[%arg0, %dma_start3A_255, %dma_start3A_256] : memref<2x10000x64xf32, #tpu.memory_space<hbm>> -> memref<1x10000x64xf32, #tpu.memory_space<hbm>>
        %dma_start3A_258 = tpu.memref_squeeze %dma_start3A_257 : memref<1x10000x64xf32, #tpu.memory_space<hbm>> -> memref<10000x64xf32, #tpu.memory_space<hbm>>
        %dma_start3A_259 = arith.constant 0 : i32
        %dma_start3A_260 = arith.constant 0 : i32
        %dma_start3A_261 = tpu.memref_slice %dma_start3A_258[%dma_start3A_259, %dma_start3A_260] : memref<10000x64xf32, #tpu.memory_space<hbm>> -> memref<10000x64xf32, #tpu.memory_space<hbm>>
        tpu.enqueue_indirect_dma source(%dma_start3A_261 : memref<10000x64xf32, #tpu.memory_space<hbm>>) target(%arg10 : memref<125x64xf32, #tpu.memory_space<vmem>>) offsets(%dma_start3A_254 : memref<125xi32, #tpu.memory_space<vmem>>) semaphore(%arg15 : memref<!tpu.dma_semaphore, #tpu.memory_space<semaphore_mem>>)
      } else {
      }
      %dma_wait3A_237 = arith.constant 0 : i32
      %dma_wait3A_238 = tpu.memref_slice %arg6[%add3A_227, %dma_wait3A_237] : memref<160x125xi32, #tpu.memory_space<vmem>> -> memref<1x125xi32, #tpu.memory_space<vmem>>
      %dma_wait3A_239 = tpu.memref_squeeze %dma_wait3A_238 : memref<1x125xi32, #tpu.memory_space<vmem>> -> memref<125xi32, #tpu.memory_space<vmem>>
      %dma_wait3A_240 = arith.constant 0 : i32
      %dma_wait3A_241 = arith.constant 0 : i32
      %dma_wait3A_242 = tpu.memref_slice %arg2[%arg0, %dma_wait3A_240, %dma_wait3A_241] : memref<2x10000x64xf32, #tpu.memory_space<hbm>> -> memref<1x10000x64xf32, #tpu.memory_space<hbm>>
      %dma_wait3A_243 = tpu.memref_squeeze %dma_wait3A_242 : memref<1x10000x64xf32, #tpu.memory_space<hbm>> -> memref<10000x64xf32, #tpu.memory_space<hbm>>
      %dma_wait3A_244 = arith.constant 0 : i32
      %dma_wait3A_245 = arith.constant 0 : i32
      %dma_wait3A_246 = tpu.memref_slice %dma_wait3A_243[%dma_wait3A_244, %dma_wait3A_245] : memref<10000x64xf32, #tpu.memory_space<hbm>> -> memref<10000x64xf32, #tpu.memory_space<hbm>>
      tpu.wait_indirect_dma semaphore(%arg16 : memref<!tpu.dma_semaphore, #tpu.memory_space<semaphore_mem>>) src(%dma_wait3A_246 : memref<10000x64xf32, #tpu.memory_space<hbm>>) dst(%arg11 : memref<125x64xf32, #tpu.memory_space<vmem>>)
      "tpu.region"() ({
        %run_scoped3A = tpu.sem_alloc : memref<!tpu.dma_semaphore, #tpu.memory_space<semaphore_mem>>
        %dma_start3A_248 = arith.constant 0 : i32
        %dma_start3A_249 = tpu.memref_slice %arg7[%add3A_227, %dma_start3A_248] : memref<160x125xi32, #tpu.memory_space<vmem>> -> memref<1x125xi32, #tpu.memory_space<vmem>>
        %dma_start3A_250 = tpu.memref_squeeze %dma_start3A_249 : memref<1x125xi32, #tpu.memory_space<vmem>> -> memref<125xi32, #tpu.memory_space<vmem>>
        %dma_start3A_251 = arith.constant 0 : i32
        %dma_start3A_252 = arith.constant 0 : i32
        %dma_start3A_253 = tpu.memref_slice %arg12[%dma_start3A_251, %dma_start3A_252] : memref<10000x64xf32, #tpu.memory_space<vmem_shared>> -> memref<10000x64xf32, #tpu.memory_space<vmem_shared>>
        tpu.enqueue_indirect_dma source(%arg11 : memref<125x64xf32, #tpu.memory_space<vmem>>) target(%dma_start3A_253 : memref<10000x64xf32, #tpu.memory_space<vmem_shared>>) offsets(%dma_start3A_250 : memref<125xi32, #tpu.memory_space<vmem>>) semaphore(%run_scoped3A : memref<!tpu.dma_semaphore, #tpu.memory_space<semaphore_mem>>) {add = true}
        %dma_wait3A_254 = arith.constant 0 : i32
        %dma_wait3A_255 = tpu.memref_slice %arg7[%add3A_227, %dma_wait3A_254] : memref<160x125xi32, #tpu.memory_space<vmem>> -> memref<1x125xi32, #tpu.memory_space<vmem>>
        %dma_wait3A_256 = tpu.memref_squeeze %dma_wait3A_255 : memref<1x125xi32, #tpu.memory_space<vmem>> -> memref<125xi32, #tpu.memory_space<vmem>>
        %dma_wait3A_257 = arith.constant 0 : i32
        %dma_wait3A_258 = arith.constant 0 : i32
        %dma_wait3A_259 = tpu.memref_slice %arg12[%dma_wait3A_257, %dma_wait3A_258] : memref<10000x64xf32, #tpu.memory_space<vmem_shared>> -> memref<10000x64xf32, #tpu.memory_space<vmem_shared>>
        tpu.wait_indirect_dma semaphore(%run_scoped3A : memref<!tpu.dma_semaphore, #tpu.memory_space<semaphore_mem>>) src(%arg11 : memref<125x64xf32, #tpu.memory_space<vmem>>) dst(%dma_wait3A_259 : memref<10000x64xf32, #tpu.memory_space<vmem_shared>>)
        tpu.yield
      }) : () -> ()
      %scan3A_247 = arith.constant 0 : i32
      scf.yield %scan3A_247 : i32
    }
    %scan3A_97 = arith.constant 40 : i32
    %barrier3A_98 = arith.constant 0 : index
    tpu.barrier barrier_id(%barrier3A_98)
    %add3A_99 = arith.constant 0 : i32
    %add3A_100 = arith.addi %arg1, %add3A_99 : i32
    %lt3A_101 = arith.constant 125 : i32
    %lt3A_102 = arith.cmpi slt, %add3A_100, %lt3A_101 : i32
    %convert_element_type3A_103 = arith.extui %lt3A_102 : i1 to i32
    %cond3A_104 = arith.constant 0 : i32
    %cond3A_105 = arith.cmpi ne, %convert_element_type3A_103, %cond3A_104 : i32
    scf.if %cond3A_105 {
      %mul3A = arith.constant 80 : i32
      %mul3A_156 = arith.muli %add3A_100, %mul3A : i32
      %multiple_of3A = tpu.assume_multiple %mul3A_156, 80 : i32
      "tpu.region"() ({
        %run_scoped3A = tpu.sem_alloc : memref<!tpu.dma_semaphore, #tpu.memory_space<semaphore_mem>>
        %dma_start3A_157 = arith.constant 0 : i32
        %dma_start3A_158 = tpu.memref_slice %arg5[%arg0, %multiple_of3A, %dma_start3A_157] : memref<2x10000x64xf32, #tpu.memory_space<hbm>> -> memref<1x80x64xf32, #tpu.memory_space<hbm>>
        %dma_start3A_159 = tpu.memref_squeeze %dma_start3A_158 : memref<1x80x64xf32, #tpu.memory_space<hbm>> -> memref<80x64xf32, #tpu.memory_space<hbm>>
        %dma_start3A_160 = arith.constant 0 : i32
        %dma_start3A_161 = tpu.memref_slice %arg12[%multiple_of3A, %dma_start3A_160] : memref<10000x64xf32, #tpu.memory_space<vmem_shared>> -> memref<80x64xf32, #tpu.memory_space<vmem_shared>>
        tpu.enqueue_dma source(%dma_start3A_161 : memref<80x64xf32, #tpu.memory_space<vmem_shared>>) target(%dma_start3A_159 : memref<80x64xf32, #tpu.memory_space<hbm>>) target_semaphore(%run_scoped3A : memref<!tpu.dma_semaphore, #tpu.memory_space<semaphore_mem>>)
        %dma_wait3A = arith.constant 0 : i32
        %dma_wait3A_162 = tpu.memref_slice %arg5[%arg0, %multiple_of3A, %dma_wait3A] : memref<2x10000x64xf32, #tpu.memory_space<hbm>> -> memref<1x80x64xf32, #tpu.memory_space<hbm>>
        %dma_wait3A_163 = tpu.memref_squeeze %dma_wait3A_162 : memref<1x80x64xf32, #tpu.memory_space<hbm>> -> memref<80x64xf32, #tpu.memory_space<hbm>>
        %dma_wait3A_164 = arith.constant 0 : i32
        %dma_wait3A_165 = tpu.memref_slice %arg12[%multiple_of3A, %dma_wait3A_164] : memref<10000x64xf32, #tpu.memory_space<vmem_shared>> -> memref<80x64xf32, #tpu.memory_space<vmem_shared>>
        tpu.wait_dma2 semaphore(%run_scoped3A : memref<!tpu.dma_semaphore, #tpu.memory_space<semaphore_mem>>) src(%dma_wait3A_165 : memref<80x64xf32, #tpu.memory_space<vmem_shared>>) dst(%dma_wait3A_163 : memref<80x64xf32, #tpu.memory_space<hbm>>)
        tpu.yield
      }) : () -> ()
    } else {
    }
    %add3A_106 = arith.constant 16 : i32
    %add3A_107 = arith.addi %arg1, %add3A_106 : i32
    %lt3A_108 = arith.constant 125 : i32
    %lt3A_109 = arith.cmpi slt, %add3A_107, %lt3A_108 : i32
    %convert_element_type3A_110 = arith.extui %lt3A_109 : i1 to i32
    %cond3A_111 = arith.constant 0 : i32
    %cond3A_112 = arith.cmpi ne, %convert_element_type3A_110, %cond3A_111 : i32
    scf.if %cond3A_112 {
      %mul3A = arith.constant 80 : i32
      %mul3A_156 = arith.muli %add3A_107, %mul3A : i32
      %multiple_of3A = tpu.assume_multiple %mul3A_156, 80 : i32
      "tpu.region"() ({
        %run_scoped3A = tpu.sem_alloc : memref<!tpu.dma_semaphore, #tpu.memory_space<semaphore_mem>>
        %dma_start3A_157 = arith.constant 0 : i32
        %dma_start3A_158 = tpu.memref_slice %arg5[%arg0, %multiple_of3A, %dma_start3A_157] : memref<2x10000x64xf32, #tpu.memory_space<hbm>> -> memref<1x80x64xf32, #tpu.memory_space<hbm>>
        %dma_start3A_159 = tpu.memref_squeeze %dma_start3A_158 : memref<1x80x64xf32, #tpu.memory_space<hbm>> -> memref<80x64xf32, #tpu.memory_space<hbm>>
        %dma_start3A_160 = arith.constant 0 : i32
        %dma_start3A_161 = tpu.memref_slice %arg12[%multiple_of3A, %dma_start3A_160] : memref<10000x64xf32, #tpu.memory_space<vmem_shared>> -> memref<80x64xf32, #tpu.memory_space<vmem_shared>>
        tpu.enqueue_dma source(%dma_start3A_161 : memref<80x64xf32, #tpu.memory_space<vmem_shared>>) target(%dma_start3A_159 : memref<80x64xf32, #tpu.memory_space<hbm>>) target_semaphore(%run_scoped3A : memref<!tpu.dma_semaphore, #tpu.memory_space<semaphore_mem>>)
        %dma_wait3A = arith.constant 0 : i32
        %dma_wait3A_162 = tpu.memref_slice %arg5[%arg0, %multiple_of3A, %dma_wait3A] : memref<2x10000x64xf32, #tpu.memory_space<hbm>> -> memref<1x80x64xf32, #tpu.memory_space<hbm>>
        %dma_wait3A_163 = tpu.memref_squeeze %dma_wait3A_162 : memref<1x80x64xf32, #tpu.memory_space<hbm>> -> memref<80x64xf32, #tpu.memory_space<hbm>>
        %dma_wait3A_164 = arith.constant 0 : i32
        %dma_wait3A_165 = tpu.memref_slice %arg12[%multiple_of3A, %dma_wait3A_164] : memref<10000x64xf32, #tpu.memory_space<vmem_shared>> -> memref<80x64xf32, #tpu.memory_space<vmem_shared>>
        tpu.wait_dma2 semaphore(%run_scoped3A : memref<!tpu.dma_semaphore, #tpu.memory_space<semaphore_mem>>) src(%dma_wait3A_165 : memref<80x64xf32, #tpu.memory_space<vmem_shared>>) dst(%dma_wait3A_163 : memref<80x64xf32, #tpu.memory_space<hbm>>)
        tpu.yield
      }) : () -> ()
    } else {
    }
    %add3A_113 = arith.constant 32 : i32
    %add3A_114 = arith.addi %arg1, %add3A_113 : i32
    %lt3A_115 = arith.constant 125 : i32
    %lt3A_116 = arith.cmpi slt, %add3A_114, %lt3A_115 : i32
    %convert_element_type3A_117 = arith.extui %lt3A_116 : i1 to i32
    %cond3A_118 = arith.constant 0 : i32
    %cond3A_119 = arith.cmpi ne, %convert_element_type3A_117, %cond3A_118 : i32
    scf.if %cond3A_119 {
      %mul3A = arith.constant 80 : i32
      %mul3A_156 = arith.muli %add3A_114, %mul3A : i32
      %multiple_of3A = tpu.assume_multiple %mul3A_156, 80 : i32
      "tpu.region"() ({
        %run_scoped3A = tpu.sem_alloc : memref<!tpu.dma_semaphore, #tpu.memory_space<semaphore_mem>>
        %dma_start3A_157 = arith.constant 0 : i32
        %dma_start3A_158 = tpu.memref_slice %arg5[%arg0, %multiple_of3A, %dma_start3A_157] : memref<2x10000x64xf32, #tpu.memory_space<hbm>> -> memref<1x80x64xf32, #tpu.memory_space<hbm>>
        %dma_start3A_159 = tpu.memref_squeeze %dma_start3A_158 : memref<1x80x64xf32, #tpu.memory_space<hbm>> -> memref<80x64xf32, #tpu.memory_space<hbm>>
        %dma_start3A_160 = arith.constant 0 : i32
        %dma_start3A_161 = tpu.memref_slice %arg12[%multiple_of3A, %dma_start3A_160] : memref<10000x64xf32, #tpu.memory_space<vmem_shared>> -> memref<80x64xf32, #tpu.memory_space<vmem_shared>>
        tpu.enqueue_dma source(%dma_start3A_161 : memref<80x64xf32, #tpu.memory_space<vmem_shared>>) target(%dma_start3A_159 : memref<80x64xf32, #tpu.memory_space<hbm>>) target_semaphore(%run_scoped3A : memref<!tpu.dma_semaphore, #tpu.memory_space<semaphore_mem>>)
        %dma_wait3A = arith.constant 0 : i32
        %dma_wait3A_162 = tpu.memref_slice %arg5[%arg0, %multiple_of3A, %dma_wait3A] : memref<2x10000x64xf32, #tpu.memory_space<hbm>> -> memref<1x80x64xf32, #tpu.memory_space<hbm>>
        %dma_wait3A_163 = tpu.memref_squeeze %dma_wait3A_162 : memref<1x80x64xf32, #tpu.memory_space<hbm>> -> memref<80x64xf32, #tpu.memory_space<hbm>>
        %dma_wait3A_164 = arith.constant 0 : i32
        %dma_wait3A_165 = tpu.memref_slice %arg12[%multiple_of3A, %dma_wait3A_164] : memref<10000x64xf32, #tpu.memory_space<vmem_shared>> -> memref<80x64xf32, #tpu.memory_space<vmem_shared>>
        tpu.wait_dma2 semaphore(%run_scoped3A : memref<!tpu.dma_semaphore, #tpu.memory_space<semaphore_mem>>) src(%dma_wait3A_165 : memref<80x64xf32, #tpu.memory_space<vmem_shared>>) dst(%dma_wait3A_163 : memref<80x64xf32, #tpu.memory_space<hbm>>)
        tpu.yield
      }) : () -> ()
    } else {
    }
    %add3A_120 = arith.constant 48 : i32
    %add3A_121 = arith.addi %arg1, %add3A_120 : i32
    %lt3A_122 = arith.constant 125 : i32
    %lt3A_123 = arith.cmpi slt, %add3A_121, %lt3A_122 : i32
    %convert_element_type3A_124 = arith.extui %lt3A_123 : i1 to i32
    %cond3A_125 = arith.constant 0 : i32
    %cond3A_126 = arith.cmpi ne, %convert_element_type3A_124, %cond3A_125 : i32
    scf.if %cond3A_126 {
      %mul3A = arith.constant 80 : i32
      %mul3A_156 = arith.muli %add3A_121, %mul3A : i32
      %multiple_of3A = tpu.assume_multiple %mul3A_156, 80 : i32
      "tpu.region"() ({
        %run_scoped3A = tpu.sem_alloc : memref<!tpu.dma_semaphore, #tpu.memory_space<semaphore_mem>>
        %dma_start3A_157 = arith.constant 0 : i32
        %dma_start3A_158 = tpu.memref_slice %arg5[%arg0, %multiple_of3A, %dma_start3A_157] : memref<2x10000x64xf32, #tpu.memory_space<hbm>> -> memref<1x80x64xf32, #tpu.memory_space<hbm>>
        %dma_start3A_159 = tpu.memref_squeeze %dma_start3A_158 : memref<1x80x64xf32, #tpu.memory_space<hbm>> -> memref<80x64xf32, #tpu.memory_space<hbm>>
        %dma_start3A_160 = arith.constant 0 : i32
        %dma_start3A_161 = tpu.memref_slice %arg12[%multiple_of3A, %dma_start3A_160] : memref<10000x64xf32, #tpu.memory_space<vmem_shared>> -> memref<80x64xf32, #tpu.memory_space<vmem_shared>>
        tpu.enqueue_dma source(%dma_start3A_161 : memref<80x64xf32, #tpu.memory_space<vmem_shared>>) target(%dma_start3A_159 : memref<80x64xf32, #tpu.memory_space<hbm>>) target_semaphore(%run_scoped3A : memref<!tpu.dma_semaphore, #tpu.memory_space<semaphore_mem>>)
        %dma_wait3A = arith.constant 0 : i32
        %dma_wait3A_162 = tpu.memref_slice %arg5[%arg0, %multiple_of3A, %dma_wait3A] : memref<2x10000x64xf32, #tpu.memory_space<hbm>> -> memref<1x80x64xf32, #tpu.memory_space<hbm>>
        %dma_wait3A_163 = tpu.memref_squeeze %dma_wait3A_162 : memref<1x80x64xf32, #tpu.memory_space<hbm>> -> memref<80x64xf32, #tpu.memory_space<hbm>>
        %dma_wait3A_164 = arith.constant 0 : i32
        %dma_wait3A_165 = tpu.memref_slice %arg12[%multiple_of3A, %dma_wait3A_164] : memref<10000x64xf32, #tpu.memory_space<vmem_shared>> -> memref<80x64xf32, #tpu.memory_space<vmem_shared>>
        tpu.wait_dma2 semaphore(%run_scoped3A : memref<!tpu.dma_semaphore, #tpu.memory_space<semaphore_mem>>) src(%dma_wait3A_165 : memref<80x64xf32, #tpu.memory_space<vmem_shared>>) dst(%dma_wait3A_163 : memref<80x64xf32, #tpu.memory_space<hbm>>)
        tpu.yield
      }) : () -> ()
    } else {
    }
    %add3A_127 = arith.constant 64 : i32
    %add3A_128 = arith.addi %arg1, %add3A_127 : i32
    %lt3A_129 = arith.constant 125 : i32
    %lt3A_130 = arith.cmpi slt, %add3A_128, %lt3A_129 : i32
    %convert_element_type3A_131 = arith.extui %lt3A_130 : i1 to i32
    %cond3A_132 = arith.constant 0 : i32
    %cond3A_133 = arith.cmpi ne, %convert_element_type3A_131, %cond3A_132 : i32
    scf.if %cond3A_133 {
      %mul3A = arith.constant 80 : i32
      %mul3A_156 = arith.muli %add3A_128, %mul3A : i32
      %multiple_of3A = tpu.assume_multiple %mul3A_156, 80 : i32
      "tpu.region"() ({
        %run_scoped3A = tpu.sem_alloc : memref<!tpu.dma_semaphore, #tpu.memory_space<semaphore_mem>>
        %dma_start3A_157 = arith.constant 0 : i32
        %dma_start3A_158 = tpu.memref_slice %arg5[%arg0, %multiple_of3A, %dma_start3A_157] : memref<2x10000x64xf32, #tpu.memory_space<hbm>> -> memref<1x80x64xf32, #tpu.memory_space<hbm>>
        %dma_start3A_159 = tpu.memref_squeeze %dma_start3A_158 : memref<1x80x64xf32, #tpu.memory_space<hbm>> -> memref<80x64xf32, #tpu.memory_space<hbm>>
        %dma_start3A_160 = arith.constant 0 : i32
        %dma_start3A_161 = tpu.memref_slice %arg12[%multiple_of3A, %dma_start3A_160] : memref<10000x64xf32, #tpu.memory_space<vmem_shared>> -> memref<80x64xf32, #tpu.memory_space<vmem_shared>>
        tpu.enqueue_dma source(%dma_start3A_161 : memref<80x64xf32, #tpu.memory_space<vmem_shared>>) target(%dma_start3A_159 : memref<80x64xf32, #tpu.memory_space<hbm>>) target_semaphore(%run_scoped3A : memref<!tpu.dma_semaphore, #tpu.memory_space<semaphore_mem>>)
        %dma_wait3A = arith.constant 0 : i32
        %dma_wait3A_162 = tpu.memref_slice %arg5[%arg0, %multiple_of3A, %dma_wait3A] : memref<2x10000x64xf32, #tpu.memory_space<hbm>> -> memref<1x80x64xf32, #tpu.memory_space<hbm>>
        %dma_wait3A_163 = tpu.memref_squeeze %dma_wait3A_162 : memref<1x80x64xf32, #tpu.memory_space<hbm>> -> memref<80x64xf32, #tpu.memory_space<hbm>>
        %dma_wait3A_164 = arith.constant 0 : i32
        %dma_wait3A_165 = tpu.memref_slice %arg12[%multiple_of3A, %dma_wait3A_164] : memref<10000x64xf32, #tpu.memory_space<vmem_shared>> -> memref<80x64xf32, #tpu.memory_space<vmem_shared>>
        tpu.wait_dma2 semaphore(%run_scoped3A : memref<!tpu.dma_semaphore, #tpu.memory_space<semaphore_mem>>) src(%dma_wait3A_165 : memref<80x64xf32, #tpu.memory_space<vmem_shared>>) dst(%dma_wait3A_163 : memref<80x64xf32, #tpu.memory_space<hbm>>)
        tpu.yield
      }) : () -> ()
    } else {
    }
    %add3A_134 = arith.constant 80 : i32
    %add3A_135 = arith.addi %arg1, %add3A_134 : i32
    %lt3A_136 = arith.constant 125 : i32
    %lt3A_137 = arith.cmpi slt, %add3A_135, %lt3A_136 : i32
    %convert_element_type3A_138 = arith.extui %lt3A_137 : i1 to i32
    %cond3A_139 = arith.constant 0 : i32
    %cond3A_140 = arith.cmpi ne, %convert_element_type3A_138, %cond3A_139 : i32
    scf.if %cond3A_140 {
      %mul3A = arith.constant 80 : i32
      %mul3A_156 = arith.muli %add3A_135, %mul3A : i32
      %multiple_of3A = tpu.assume_multiple %mul3A_156, 80 : i32
      "tpu.region"() ({
        %run_scoped3A = tpu.sem_alloc : memref<!tpu.dma_semaphore, #tpu.memory_space<semaphore_mem>>
        %dma_start3A_157 = arith.constant 0 : i32
        %dma_start3A_158 = tpu.memref_slice %arg5[%arg0, %multiple_of3A, %dma_start3A_157] : memref<2x10000x64xf32, #tpu.memory_space<hbm>> -> memref<1x80x64xf32, #tpu.memory_space<hbm>>
        %dma_start3A_159 = tpu.memref_squeeze %dma_start3A_158 : memref<1x80x64xf32, #tpu.memory_space<hbm>> -> memref<80x64xf32, #tpu.memory_space<hbm>>
        %dma_start3A_160 = arith.constant 0 : i32
        %dma_start3A_161 = tpu.memref_slice %arg12[%multiple_of3A, %dma_start3A_160] : memref<10000x64xf32, #tpu.memory_space<vmem_shared>> -> memref<80x64xf32, #tpu.memory_space<vmem_shared>>
        tpu.enqueue_dma source(%dma_start3A_161 : memref<80x64xf32, #tpu.memory_space<vmem_shared>>) target(%dma_start3A_159 : memref<80x64xf32, #tpu.memory_space<hbm>>) target_semaphore(%run_scoped3A : memref<!tpu.dma_semaphore, #tpu.memory_space<semaphore_mem>>)
        %dma_wait3A = arith.constant 0 : i32
        %dma_wait3A_162 = tpu.memref_slice %arg5[%arg0, %multiple_of3A, %dma_wait3A] : memref<2x10000x64xf32, #tpu.memory_space<hbm>> -> memref<1x80x64xf32, #tpu.memory_space<hbm>>
        %dma_wait3A_163 = tpu.memref_squeeze %dma_wait3A_162 : memref<1x80x64xf32, #tpu.memory_space<hbm>> -> memref<80x64xf32, #tpu.memory_space<hbm>>
        %dma_wait3A_164 = arith.constant 0 : i32
        %dma_wait3A_165 = tpu.memref_slice %arg12[%multiple_of3A, %dma_wait3A_164] : memref<10000x64xf32, #tpu.memory_space<vmem_shared>> -> memref<80x64xf32, #tpu.memory_space<vmem_shared>>
        tpu.wait_dma2 semaphore(%run_scoped3A : memref<!tpu.dma_semaphore, #tpu.memory_space<semaphore_mem>>) src(%dma_wait3A_165 : memref<80x64xf32, #tpu.memory_space<vmem_shared>>) dst(%dma_wait3A_163 : memref<80x64xf32, #tpu.memory_space<hbm>>)
        tpu.yield
      }) : () -> ()
    } else {
    }
    %add3A_141 = arith.constant 96 : i32
    %add3A_142 = arith.addi %arg1, %add3A_141 : i32
    %lt3A_143 = arith.constant 125 : i32
    %lt3A_144 = arith.cmpi slt, %add3A_142, %lt3A_143 : i32
    %convert_element_type3A_145 = arith.extui %lt3A_144 : i1 to i32
    %cond3A_146 = arith.constant 0 : i32
    %cond3A_147 = arith.cmpi ne, %convert_element_type3A_145, %cond3A_146 : i32
    scf.if %cond3A_147 {
      %mul3A = arith.constant 80 : i32
      %mul3A_156 = arith.muli %add3A_142, %mul3A : i32
      %multiple_of3A = tpu.assume_multiple %mul3A_156, 80 : i32
      "tpu.region"() ({
        %run_scoped3A = tpu.sem_alloc : memref<!tpu.dma_semaphore, #tpu.memory_space<semaphore_mem>>
        %dma_start3A_157 = arith.constant 0 : i32
        %dma_start3A_158 = tpu.memref_slice %arg5[%arg0, %multiple_of3A, %dma_start3A_157] : memref<2x10000x64xf32, #tpu.memory_space<hbm>> -> memref<1x80x64xf32, #tpu.memory_space<hbm>>
        %dma_start3A_159 = tpu.memref_squeeze %dma_start3A_158 : memref<1x80x64xf32, #tpu.memory_space<hbm>> -> memref<80x64xf32, #tpu.memory_space<hbm>>
        %dma_start3A_160 = arith.constant 0 : i32
        %dma_start3A_161 = tpu.memref_slice %arg12[%multiple_of3A, %dma_start3A_160] : memref<10000x64xf32, #tpu.memory_space<vmem_shared>> -> memref<80x64xf32, #tpu.memory_space<vmem_shared>>
        tpu.enqueue_dma source(%dma_start3A_161 : memref<80x64xf32, #tpu.memory_space<vmem_shared>>) target(%dma_start3A_159 : memref<80x64xf32, #tpu.memory_space<hbm>>) target_semaphore(%run_scoped3A : memref<!tpu.dma_semaphore, #tpu.memory_space<semaphore_mem>>)
        %dma_wait3A = arith.constant 0 : i32
        %dma_wait3A_162 = tpu.memref_slice %arg5[%arg0, %multiple_of3A, %dma_wait3A] : memref<2x10000x64xf32, #tpu.memory_space<hbm>> -> memref<1x80x64xf32, #tpu.memory_space<hbm>>
        %dma_wait3A_163 = tpu.memref_squeeze %dma_wait3A_162 : memref<1x80x64xf32, #tpu.memory_space<hbm>> -> memref<80x64xf32, #tpu.memory_space<hbm>>
        %dma_wait3A_164 = arith.constant 0 : i32
        %dma_wait3A_165 = tpu.memref_slice %arg12[%multiple_of3A, %dma_wait3A_164] : memref<10000x64xf32, #tpu.memory_space<vmem_shared>> -> memref<80x64xf32, #tpu.memory_space<vmem_shared>>
        tpu.wait_dma2 semaphore(%run_scoped3A : memref<!tpu.dma_semaphore, #tpu.memory_space<semaphore_mem>>) src(%dma_wait3A_165 : memref<80x64xf32, #tpu.memory_space<vmem_shared>>) dst(%dma_wait3A_163 : memref<80x64xf32, #tpu.memory_space<hbm>>)
        tpu.yield
      }) : () -> ()
    } else {
    }
    %add3A_148 = arith.constant 112 : i32
    %add3A_149 = arith.addi %arg1, %add3A_148 : i32
    %lt3A_150 = arith.constant 125 : i32
    %lt3A_151 = arith.cmpi slt, %add3A_149, %lt3A_150 : i32
    %convert_element_type3A_152 = arith.extui %lt3A_151 : i1 to i32
    %cond3A_153 = arith.constant 0 : i32
    %cond3A_154 = arith.cmpi ne, %convert_element_type3A_152, %cond3A_153 : i32
    scf.if %cond3A_154 {
      %mul3A = arith.constant 80 : i32
      %mul3A_156 = arith.muli %add3A_149, %mul3A : i32
      %multiple_of3A = tpu.assume_multiple %mul3A_156, 80 : i32
      "tpu.region"() ({
        %run_scoped3A = tpu.sem_alloc : memref<!tpu.dma_semaphore, #tpu.memory_space<semaphore_mem>>
        %dma_start3A_157 = arith.constant 0 : i32
        %dma_start3A_158 = tpu.memref_slice %arg5[%arg0, %multiple_of3A, %dma_start3A_157] : memref<2x10000x64xf32, #tpu.memory_space<hbm>> -> memref<1x80x64xf32, #tpu.memory_space<hbm>>
        %dma_start3A_159 = tpu.memref_squeeze %dma_start3A_158 : memref<1x80x64xf32, #tpu.memory_space<hbm>> -> memref<80x64xf32, #tpu.memory_space<hbm>>
        %dma_start3A_160 = arith.constant 0 : i32
        %dma_start3A_161 = tpu.memref_slice %arg12[%multiple_of3A, %dma_start3A_160] : memref<10000x64xf32, #tpu.memory_space<vmem_shared>> -> memref<80x64xf32, #tpu.memory_space<vmem_shared>>
        tpu.enqueue_dma source(%dma_start3A_161 : memref<80x64xf32, #tpu.memory_space<vmem_shared>>) target(%dma_start3A_159 : memref<80x64xf32, #tpu.memory_space<hbm>>) target_semaphore(%run_scoped3A : memref<!tpu.dma_semaphore, #tpu.memory_space<semaphore_mem>>)
        %dma_wait3A = arith.constant 0 : i32
        %dma_wait3A_162 = tpu.memref_slice %arg5[%arg0, %multiple_of3A, %dma_wait3A] : memref<2x10000x64xf32, #tpu.memory_space<hbm>> -> memref<1x80x64xf32, #tpu.memory_space<hbm>>
        %dma_wait3A_163 = tpu.memref_squeeze %dma_wait3A_162 : memref<1x80x64xf32, #tpu.memory_space<hbm>> -> memref<80x64xf32, #tpu.memory_space<hbm>>
        %dma_wait3A_164 = arith.constant 0 : i32
        %dma_wait3A_165 = tpu.memref_slice %arg12[%multiple_of3A, %dma_wait3A_164] : memref<10000x64xf32, #tpu.memory_space<vmem_shared>> -> memref<80x64xf32, #tpu.memory_space<vmem_shared>>
        tpu.wait_dma2 semaphore(%run_scoped3A : memref<!tpu.dma_semaphore, #tpu.memory_space<semaphore_mem>>) src(%dma_wait3A_165 : memref<80x64xf32, #tpu.memory_space<vmem_shared>>) dst(%dma_wait3A_163 : memref<80x64xf32, #tpu.memory_space<hbm>>)
        tpu.yield
      }) : () -> ()
    } else {
    }
    %barrier3A_155 = arith.constant 0 : index
    tpu.barrier barrier_id(%barrier3A_155)
    return
  }
}

#map = affine_map<(d0, d1) -> (0, 0)>
#map1 = affine_map<(d0, d1) -> (0, 0, 0)>
module attributes {stable_mosaic.version = 14 : i64} {
  func.func @deg_k(%arg0: i32, %arg1: i32, %arg2: memref<32x10000xi32, #tpu.memory_space<hbm>>, %arg3: memref<1x79xi32, #tpu.memory_space<hbm>>, %arg4: memref<2x79x128xf32, #tpu.memory_space<hbm>>, %arg5: memref<10000xi32, #tpu.memory_space<vmem>>, %arg6: memref<1x79xi32, #tpu.memory_space<vmem>>, %arg7: memref<10112xf32, #tpu.memory_space<vmem>>, %arg8: memref<79x128xf32, #tpu.memory_space<vmem>>, %arg9: memref<79x128xf32, #tpu.memory_space<vmem_shared>>) attributes {dimension_semantics = [#tpu.dimension_semantics<core_parallel>, #tpu.dimension_semantics<subcore_parallel>], iteration_bounds = array<i64: 2, 16>, scalar_prefetch = 0 : i64, scratch_operands = 5 : i64, tpu.core_type = #tpu.core_type<sc_vector_subcore>, window_params = [{transform_indices = #map}, {transform_indices = #map}, {transform_indices = #map1}]} {
    %mul3A = arith.constant 2 : i32
    %mul3A_0 = arith.muli %arg1, %mul3A : i32
    %add3A = arith.addi %mul3A_0, %arg0 : i32
    %broadcast_in_dim3A = arith.constant 0.000000e+00 : f32
    %broadcast_in_dim3A_1 = vector.broadcast %broadcast_in_dim3A : f32 to vector<16xf32>
    %scan3A = arith.constant 0 : i32
    %scan3A_2 = arith.constant 0 : i32
    %scan3A_3 = arith.constant 632 : i32
    %scan3A_4 = arith.addi %scan3A_2, %scan3A_3 : i32
    %scan3A_5 = arith.constant 1 : i32
    %scan3A_6 = scf.for %scan3A_39 = %scan3A_2 to %scan3A_4 step %scan3A_5 iter_args(%scan3A_40 = %scan3A) -> (i32)  : i32 {
      %mul3A_41 = arith.constant 16 : i32
      %mul3A_42 = arith.muli %scan3A_39, %mul3A_41 : i32
      %swap3A = arith.index_cast %mul3A_42 : i32 to index
      %swap3A_43 = tpu.vector_load %arg7[%swap3A] {strides = array<i32>} : memref<10112xf32, #tpu.memory_space<vmem>>, vector<16xf32>,
      tpu.vector_store %arg7[%swap3A], %broadcast_in_dim3A_1 {strides = array<i32>} : memref<10112xf32, #tpu.memory_space<vmem>>, vector<16xf32>,
      %scan3A_44 = arith.constant 0 : i32
      scf.yield %scan3A_44 : i32
    }
    %scan3A_7 = arith.constant 632 : i32
    %scan3A_8 = arith.constant 0 : i32
    %scan3A_9 = arith.constant 0 : i32
    %scan3A_10 = arith.constant 79 : i32
    %scan3A_11 = arith.addi %scan3A_9, %scan3A_10 : i32
    %scan3A_12 = arith.constant 1 : i32
    %scan3A_13 = scf.for %scan3A_39 = %scan3A_9 to %scan3A_11 step %scan3A_12 iter_args(%scan3A_40 = %scan3A_8) -> (i32)  : i32 {
      %swap3A = arith.index_cast %scan3A_39 : i32 to index
      %swap3A_41 = arith.constant 0 : index
      %swap3A_42 = tpu.vector_load %arg8[%swap3A, %swap3A_41] {strides = array<i32>} : memref<79x128xf32, #tpu.memory_space<vmem>>, vector<16xf32>,
      tpu.vector_store %arg8[%swap3A, %swap3A_41], %broadcast_in_dim3A_1 {strides = array<i32>} : memref<79x128xf32, #tpu.memory_space<vmem>>, vector<16xf32>,
      %swap3A_43 = arith.index_cast %scan3A_39 : i32 to index
      %swap3A_44 = arith.constant 16 : index
      %swap3A_45 = tpu.vector_load %arg8[%swap3A_43, %swap3A_44] {strides = array<i32>} : memref<79x128xf32, #tpu.memory_space<vmem>>, vector<16xf32>,
      tpu.vector_store %arg8[%swap3A_43, %swap3A_44], %broadcast_in_dim3A_1 {strides = array<i32>} : memref<79x128xf32, #tpu.memory_space<vmem>>, vector<16xf32>,
      %swap3A_46 = arith.index_cast %scan3A_39 : i32 to index
      %swap3A_47 = arith.constant 32 : index
      %swap3A_48 = tpu.vector_load %arg8[%swap3A_46, %swap3A_47] {strides = array<i32>} : memref<79x128xf32, #tpu.memory_space<vmem>>, vector<16xf32>,
      tpu.vector_store %arg8[%swap3A_46, %swap3A_47], %broadcast_in_dim3A_1 {strides = array<i32>} : memref<79x128xf32, #tpu.memory_space<vmem>>, vector<16xf32>,
      %swap3A_49 = arith.index_cast %scan3A_39 : i32 to index
      %swap3A_50 = arith.constant 48 : index
      %swap3A_51 = tpu.vector_load %arg8[%swap3A_49, %swap3A_50] {strides = array<i32>} : memref<79x128xf32, #tpu.memory_space<vmem>>, vector<16xf32>,
      tpu.vector_store %arg8[%swap3A_49, %swap3A_50], %broadcast_in_dim3A_1 {strides = array<i32>} : memref<79x128xf32, #tpu.memory_space<vmem>>, vector<16xf32>,
      %swap3A_52 = arith.index_cast %scan3A_39 : i32 to index
      %swap3A_53 = arith.constant 64 : index
      %swap3A_54 = tpu.vector_load %arg8[%swap3A_52, %swap3A_53] {strides = array<i32>} : memref<79x128xf32, #tpu.memory_space<vmem>>, vector<16xf32>,
      tpu.vector_store %arg8[%swap3A_52, %swap3A_53], %broadcast_in_dim3A_1 {strides = array<i32>} : memref<79x128xf32, #tpu.memory_space<vmem>>, vector<16xf32>,
      %swap3A_55 = arith.index_cast %scan3A_39 : i32 to index
      %swap3A_56 = arith.constant 80 : index
      %swap3A_57 = tpu.vector_load %arg8[%swap3A_55, %swap3A_56] {strides = array<i32>} : memref<79x128xf32, #tpu.memory_space<vmem>>, vector<16xf32>,
      tpu.vector_store %arg8[%swap3A_55, %swap3A_56], %broadcast_in_dim3A_1 {strides = array<i32>} : memref<79x128xf32, #tpu.memory_space<vmem>>, vector<16xf32>,
      %swap3A_58 = arith.index_cast %scan3A_39 : i32 to index
      %swap3A_59 = arith.constant 96 : index
      %swap3A_60 = tpu.vector_load %arg8[%swap3A_58, %swap3A_59] {strides = array<i32>} : memref<79x128xf32, #tpu.memory_space<vmem>>, vector<16xf32>,
      tpu.vector_store %arg8[%swap3A_58, %swap3A_59], %broadcast_in_dim3A_1 {strides = array<i32>} : memref<79x128xf32, #tpu.memory_space<vmem>>, vector<16xf32>,
      %swap3A_61 = arith.index_cast %scan3A_39 : i32 to index
      %swap3A_62 = arith.constant 112 : index
      %swap3A_63 = tpu.vector_load %arg8[%swap3A_61, %swap3A_62] {strides = array<i32>} : memref<79x128xf32, #tpu.memory_space<vmem>>, vector<16xf32>,
      tpu.vector_store %arg8[%swap3A_61, %swap3A_62], %broadcast_in_dim3A_1 {strides = array<i32>} : memref<79x128xf32, #tpu.memory_space<vmem>>, vector<16xf32>,
      %scan3A_64 = arith.constant 0 : i32
      scf.yield %scan3A_64 : i32
    }
    %scan3A_14 = arith.constant 79 : i32
    %eq3A = arith.constant 0 : i32
    %eq3A_15 = arith.cmpi eq, %arg1, %eq3A : i32
    %convert_element_type3A = arith.extui %eq3A_15 : i1 to i32
    %cond3A = arith.constant 0 : i32
    %cond3A_16 = arith.cmpi ne, %convert_element_type3A, %cond3A : i32
    scf.if %cond3A_16 {
      "tpu.region"() ({
        %run_scoped3A_39 = tpu.sem_alloc : memref<!tpu.dma_semaphore, #tpu.memory_space<semaphore_mem>>
        tpu.enqueue_dma source(%arg8 : memref<79x128xf32, #tpu.memory_space<vmem>>) target(%arg9 : memref<79x128xf32, #tpu.memory_space<vmem_shared>>) target_semaphore(%run_scoped3A_39 : memref<!tpu.dma_semaphore, #tpu.memory_space<semaphore_mem>>)
        tpu.wait_dma2 semaphore(%run_scoped3A_39 : memref<!tpu.dma_semaphore, #tpu.memory_space<semaphore_mem>>) src(%arg8 : memref<79x128xf32, #tpu.memory_space<vmem>>) dst(%arg9 : memref<79x128xf32, #tpu.memory_space<vmem_shared>>)
        tpu.yield
      }) : () -> ()
    } else {
    }
    %barrier3A = arith.constant 0 : index
    tpu.barrier barrier_id(%barrier3A)
    "tpu.region"() ({
      %run_scoped3A_39 = tpu.sem_alloc : memref<!tpu.dma_semaphore, #tpu.memory_space<semaphore_mem>>
      %dma_start3A = arith.constant 0 : i32
      %dma_start3A_40 = tpu.memref_slice %arg2[%add3A, %dma_start3A] : memref<32x10000xi32, #tpu.memory_space<hbm>> -> memref<1x10000xi32, #tpu.memory_space<hbm>>
      %dma_start3A_41 = tpu.memref_squeeze %dma_start3A_40 : memref<1x10000xi32, #tpu.memory_space<hbm>> -> memref<10000xi32, #tpu.memory_space<hbm>>
      %dma_start3A_42 = arith.constant 0 : i32
      %dma_start3A_43 = tpu.memref_slice %arg2[%add3A, %dma_start3A_42] : memref<32x10000xi32, #tpu.memory_space<hbm>> -> memref<1x10000xi32, #tpu.memory_space<hbm>>
      %dma_start3A_44 = tpu.memref_squeeze %dma_start3A_43 : memref<1x10000xi32, #tpu.memory_space<hbm>> -> memref<10000xi32, #tpu.memory_space<hbm>>
      tpu.enqueue_dma source(%dma_start3A_44 : memref<10000xi32, #tpu.memory_space<hbm>>) target(%arg5 : memref<10000xi32, #tpu.memory_space<vmem>>) target_semaphore(%run_scoped3A_39 : memref<!tpu.dma_semaphore, #tpu.memory_space<semaphore_mem>>)
      %dma_wait3A = arith.constant 0 : i32
      %dma_wait3A_45 = tpu.memref_slice %arg2[%add3A, %dma_wait3A] : memref<32x10000xi32, #tpu.memory_space<hbm>> -> memref<1x10000xi32, #tpu.memory_space<hbm>>
      %dma_wait3A_46 = tpu.memref_squeeze %dma_wait3A_45 : memref<1x10000xi32, #tpu.memory_space<hbm>> -> memref<10000xi32, #tpu.memory_space<hbm>>
      %dma_wait3A_47 = arith.constant 0 : i32
      %dma_wait3A_48 = tpu.memref_slice %arg2[%add3A, %dma_wait3A_47] : memref<32x10000xi32, #tpu.memory_space<hbm>> -> memref<1x10000xi32, #tpu.memory_space<hbm>>
      %dma_wait3A_49 = tpu.memref_squeeze %dma_wait3A_48 : memref<1x10000xi32, #tpu.memory_space<hbm>> -> memref<10000xi32, #tpu.memory_space<hbm>>
      tpu.wait_dma2 semaphore(%run_scoped3A_39 : memref<!tpu.dma_semaphore, #tpu.memory_space<semaphore_mem>>) src(%dma_wait3A_49 : memref<10000xi32, #tpu.memory_space<hbm>>) dst(%arg5 : memref<10000xi32, #tpu.memory_space<vmem>>)
      tpu.yield
    }) : () -> ()
    "tpu.region"() ({
      %run_scoped3A_39 = tpu.sem_alloc : memref<!tpu.dma_semaphore, #tpu.memory_space<semaphore_mem>>
      tpu.enqueue_dma source(%arg3 : memref<1x79xi32, #tpu.memory_space<hbm>>) target(%arg6 : memref<1x79xi32, #tpu.memory_space<vmem>>) target_semaphore(%run_scoped3A_39 : memref<!tpu.dma_semaphore, #tpu.memory_space<semaphore_mem>>)
      tpu.wait_dma2 semaphore(%run_scoped3A_39 : memref<!tpu.dma_semaphore, #tpu.memory_space<semaphore_mem>>) src(%arg3 : memref<1x79xi32, #tpu.memory_space<hbm>>) dst(%arg6 : memref<1x79xi32, #tpu.memory_space<vmem>>)
      tpu.yield
    }) : () -> ()
    %broadcast_in_dim3A_17 = arith.constant 1.000000e+00 : f32
    %broadcast_in_dim3A_18 = vector.broadcast %broadcast_in_dim3A_17 : f32 to vector<16xf32>
    %scan3A_19 = arith.constant 0 : i32
    %scan3A_20 = arith.constant 0 : i32
    %scan3A_21 = arith.constant 625 : i32
    %scan3A_22 = arith.addi %scan3A_20, %scan3A_21 : i32
    %scan3A_23 = arith.constant 1 : i32
    %scan3A_24 = scf.for %scan3A_39 = %scan3A_20 to %scan3A_22 step %scan3A_23 iter_args(%scan3A_40 = %scan3A_19) -> (i32)  : i32 {
      %mul3A_41 = arith.constant 16 : i32
      %mul3A_42 = arith.muli %scan3A_39, %mul3A_41 : i32
      %get3A = arith.index_cast %mul3A_42 : i32 to index
      %get3A_43 = tpu.vector_load %arg5[%get3A] {strides = array<i32>} : memref<10000xi32, #tpu.memory_space<vmem>>, vector<16xi32>,
      tpu.vector_store_idx %arg7[%get3A_43], %broadcast_in_dim3A_18 {add = true} : memref<10112xf32, #tpu.memory_space<vmem>>[vector<16xi32>], vector<16xf32>,
      %scan3A_44 = arith.constant 0 : i32
      scf.yield %scan3A_44 : i32
    }
    %scan3A_25 = arith.constant 625 : i32
    %scan3A_26 = arith.constant 0 : i32
    %scan3A_27 = arith.constant 0 : i32
    %scan3A_28 = arith.constant 79 : i32
    %scan3A_29 = arith.addi %scan3A_27, %scan3A_28 : i32
    %scan3A_30 = arith.constant 1 : i32
    %scan3A_31 = scf.for %scan3A_39 = %scan3A_27 to %scan3A_29 step %scan3A_30 iter_args(%scan3A_40 = %scan3A_26) -> (i32)  : i32 {
      %mul3A_41 = arith.constant 128 : i32
      %mul3A_42 = arith.muli %scan3A_39, %mul3A_41 : i32
      %add3A_43 = arith.constant 0 : i32
      %add3A_44 = arith.addi %mul3A_42, %add3A_43 : i32
      %get3A = arith.index_cast %add3A_44 : i32 to index
      %get3A_45 = tpu.vector_load %arg7[%get3A] {strides = array<i32>} : memref<10112xf32, #tpu.memory_space<vmem>>, vector<16xf32>,
      %swap3A = arith.index_cast %scan3A_39 : i32 to index
      %swap3A_46 = arith.constant 0 : index
      %swap3A_47 = tpu.vector_load %arg8[%swap3A, %swap3A_46] {strides = array<i32>} : memref<79x128xf32, #tpu.memory_space<vmem>>, vector<16xf32>,
      tpu.vector_store %arg8[%swap3A, %swap3A_46], %get3A_45 {strides = array<i32>} : memref<79x128xf32, #tpu.memory_space<vmem>>, vector<16xf32>,
      %mul3A_48 = arith.constant 128 : i32
      %mul3A_49 = arith.muli %scan3A_39, %mul3A_48 : i32
      %add3A_50 = arith.constant 16 : i32
      %add3A_51 = arith.addi %mul3A_49, %add3A_50 : i32
      %get3A_52 = arith.index_cast %add3A_51 : i32 to index
      %get3A_53 = tpu.vector_load %arg7[%get3A_52] {strides = array<i32>} : memref<10112xf32, #tpu.memory_space<vmem>>, vector<16xf32>,
      %swap3A_54 = arith.index_cast %scan3A_39 : i32 to index
      %swap3A_55 = arith.constant 16 : index
      %swap3A_56 = tpu.vector_load %arg8[%swap3A_54, %swap3A_55] {strides = array<i32>} : memref<79x128xf32, #tpu.memory_space<vmem>>, vector<16xf32>,
      tpu.vector_store %arg8[%swap3A_54, %swap3A_55], %get3A_53 {strides = array<i32>} : memref<79x128xf32, #tpu.memory_space<vmem>>, vector<16xf32>,
      %mul3A_57 = arith.constant 128 : i32
      %mul3A_58 = arith.muli %scan3A_39, %mul3A_57 : i32
      %add3A_59 = arith.constant 32 : i32
      %add3A_60 = arith.addi %mul3A_58, %add3A_59 : i32
      %get3A_61 = arith.index_cast %add3A_60 : i32 to index
      %get3A_62 = tpu.vector_load %arg7[%get3A_61] {strides = array<i32>} : memref<10112xf32, #tpu.memory_space<vmem>>, vector<16xf32>,
      %swap3A_63 = arith.index_cast %scan3A_39 : i32 to index
      %swap3A_64 = arith.constant 32 : index
      %swap3A_65 = tpu.vector_load %arg8[%swap3A_63, %swap3A_64] {strides = array<i32>} : memref<79x128xf32, #tpu.memory_space<vmem>>, vector<16xf32>,
      tpu.vector_store %arg8[%swap3A_63, %swap3A_64], %get3A_62 {strides = array<i32>} : memref<79x128xf32, #tpu.memory_space<vmem>>, vector<16xf32>,
      %mul3A_66 = arith.constant 128 : i32
      %mul3A_67 = arith.muli %scan3A_39, %mul3A_66 : i32
      %add3A_68 = arith.constant 48 : i32
      %add3A_69 = arith.addi %mul3A_67, %add3A_68 : i32
      %get3A_70 = arith.index_cast %add3A_69 : i32 to index
      %get3A_71 = tpu.vector_load %arg7[%get3A_70] {strides = array<i32>} : memref<10112xf32, #tpu.memory_space<vmem>>, vector<16xf32>,
      %swap3A_72 = arith.index_cast %scan3A_39 : i32 to index
      %swap3A_73 = arith.constant 48 : index
      %swap3A_74 = tpu.vector_load %arg8[%swap3A_72, %swap3A_73] {strides = array<i32>} : memref<79x128xf32, #tpu.memory_space<vmem>>, vector<16xf32>,
      tpu.vector_store %arg8[%swap3A_72, %swap3A_73], %get3A_71 {strides = array<i32>} : memref<79x128xf32, #tpu.memory_space<vmem>>, vector<16xf32>,
      %mul3A_75 = arith.constant 128 : i32
      %mul3A_76 = arith.muli %scan3A_39, %mul3A_75 : i32
      %add3A_77 = arith.constant 64 : i32
      %add3A_78 = arith.addi %mul3A_76, %add3A_77 : i32
      %get3A_79 = arith.index_cast %add3A_78 : i32 to index
      %get3A_80 = tpu.vector_load %arg7[%get3A_79] {strides = array<i32>} : memref<10112xf32, #tpu.memory_space<vmem>>, vector<16xf32>,
      %swap3A_81 = arith.index_cast %scan3A_39 : i32 to index
      %swap3A_82 = arith.constant 64 : index
      %swap3A_83 = tpu.vector_load %arg8[%swap3A_81, %swap3A_82] {strides = array<i32>} : memref<79x128xf32, #tpu.memory_space<vmem>>, vector<16xf32>,
      tpu.vector_store %arg8[%swap3A_81, %swap3A_82], %get3A_80 {strides = array<i32>} : memref<79x128xf32, #tpu.memory_space<vmem>>, vector<16xf32>,
      %mul3A_84 = arith.constant 128 : i32
      %mul3A_85 = arith.muli %scan3A_39, %mul3A_84 : i32
      %add3A_86 = arith.constant 80 : i32
      %add3A_87 = arith.addi %mul3A_85, %add3A_86 : i32
      %get3A_88 = arith.index_cast %add3A_87 : i32 to index
      %get3A_89 = tpu.vector_load %arg7[%get3A_88] {strides = array<i32>} : memref<10112xf32, #tpu.memory_space<vmem>>, vector<16xf32>,
      %swap3A_90 = arith.index_cast %scan3A_39 : i32 to index
      %swap3A_91 = arith.constant 80 : index
      %swap3A_92 = tpu.vector_load %arg8[%swap3A_90, %swap3A_91] {strides = array<i32>} : memref<79x128xf32, #tpu.memory_space<vmem>>, vector<16xf32>,
      tpu.vector_store %arg8[%swap3A_90, %swap3A_91], %get3A_89 {strides = array<i32>} : memref<79x128xf32, #tpu.memory_space<vmem>>, vector<16xf32>,
      %mul3A_93 = arith.constant 128 : i32
      %mul3A_94 = arith.muli %scan3A_39, %mul3A_93 : i32
      %add3A_95 = arith.constant 96 : i32
      %add3A_96 = arith.addi %mul3A_94, %add3A_95 : i32
      %get3A_97 = arith.index_cast %add3A_96 : i32 to index
      %get3A_98 = tpu.vector_load %arg7[%get3A_97] {strides = array<i32>} : memref<10112xf32, #tpu.memory_space<vmem>>, vector<16xf32>,
      %swap3A_99 = arith.index_cast %scan3A_39 : i32 to index
      %swap3A_100 = arith.constant 96 : index
      %swap3A_101 = tpu.vector_load %arg8[%swap3A_99, %swap3A_100] {strides = array<i32>} : memref<79x128xf32, #tpu.memory_space<vmem>>, vector<16xf32>,
      tpu.vector_store %arg8[%swap3A_99, %swap3A_100], %get3A_98 {strides = array<i32>} : memref<79x128xf32, #tpu.memory_space<vmem>>, vector<16xf32>,
      %mul3A_102 = arith.constant 128 : i32
      %mul3A_103 = arith.muli %scan3A_39, %mul3A_102 : i32
      %add3A_104 = arith.constant 112 : i32
      %add3A_105 = arith.addi %mul3A_103, %add3A_104 : i32
      %get3A_106 = arith.index_cast %add3A_105 : i32 to index
      %get3A_107 = tpu.vector_load %arg7[%get3A_106] {strides = array<i32>} : memref<10112xf32, #tpu.memory_space<vmem>>, vector<16xf32>,
      %swap3A_108 = arith.index_cast %scan3A_39 : i32 to index
      %swap3A_109 = arith.constant 112 : index
      %swap3A_110 = tpu.vector_load %arg8[%swap3A_108, %swap3A_109] {strides = array<i32>} : memref<79x128xf32, #tpu.memory_space<vmem>>, vector<16xf32>,
      tpu.vector_store %arg8[%swap3A_108, %swap3A_109], %get3A_107 {strides = array<i32>} : memref<79x128xf32, #tpu.memory_space<vmem>>, vector<16xf32>,
      %scan3A_111 = arith.constant 0 : i32
      scf.yield %scan3A_111 : i32
    }
    %scan3A_32 = arith.constant 79 : i32
    %run_scoped3A = arith.constant 0 : i32
    "tpu.region"() ({
      %run_scoped3A_39 = tpu.sem_alloc : memref<!tpu.dma_semaphore, #tpu.memory_space<semaphore_mem>>
      %dma_start3A = arith.constant 0 : i32
      %dma_start3A_40 = tpu.memref_slice %arg6[%run_scoped3A, %dma_start3A] : memref<1x79xi32, #tpu.memory_space<vmem>> -> memref<1x79xi32, #tpu.memory_space<vmem>>
      %dma_start3A_41 = tpu.memref_squeeze %dma_start3A_40 : memref<1x79xi32, #tpu.memory_space<vmem>> -> memref<79xi32, #tpu.memory_space<vmem>>
      %dma_start3A_42 = arith.constant 0 : i32
      %dma_start3A_43 = arith.constant 0 : i32
      %dma_start3A_44 = tpu.memref_slice %arg9[%dma_start3A_42, %dma_start3A_43] : memref<79x128xf32, #tpu.memory_space<vmem_shared>> -> memref<79x128xf32, #tpu.memory_space<vmem_shared>>
      tpu.enqueue_indirect_dma source(%arg8 : memref<79x128xf32, #tpu.memory_space<vmem>>) target(%dma_start3A_44 : memref<79x128xf32, #tpu.memory_space<vmem_shared>>) offsets(%dma_start3A_41 : memref<79xi32, #tpu.memory_space<vmem>>) semaphore(%run_scoped3A_39 : memref<!tpu.dma_semaphore, #tpu.memory_space<semaphore_mem>>) {add = true}
      %dma_wait3A = arith.constant 0 : i32
      %dma_wait3A_45 = tpu.memref_slice %arg6[%run_scoped3A, %dma_wait3A] : memref<1x79xi32, #tpu.memory_space<vmem>> -> memref<1x79xi32, #tpu.memory_space<vmem>>
      %dma_wait3A_46 = tpu.memref_squeeze %dma_wait3A_45 : memref<1x79xi32, #tpu.memory_space<vmem>> -> memref<79xi32, #tpu.memory_space<vmem>>
      %dma_wait3A_47 = arith.constant 0 : i32
      %dma_wait3A_48 = arith.constant 0 : i32
      %dma_wait3A_49 = tpu.memref_slice %arg9[%dma_wait3A_47, %dma_wait3A_48] : memref<79x128xf32, #tpu.memory_space<vmem_shared>> -> memref<79x128xf32, #tpu.memory_space<vmem_shared>>
      tpu.wait_indirect_dma semaphore(%run_scoped3A_39 : memref<!tpu.dma_semaphore, #tpu.memory_space<semaphore_mem>>) src(%arg8 : memref<79x128xf32, #tpu.memory_space<vmem>>) dst(%dma_wait3A_49 : memref<79x128xf32, #tpu.memory_space<vmem_shared>>)
      tpu.yield
    }) : () -> ()
    %barrier3A_33 = arith.constant 0 : index
    tpu.barrier barrier_id(%barrier3A_33)
    %eq3A_34 = arith.constant 0 : i32
    %eq3A_35 = arith.cmpi eq, %arg1, %eq3A_34 : i32
    %convert_element_type3A_36 = arith.extui %eq3A_35 : i1 to i32
    %cond3A_37 = arith.constant 0 : i32
    %cond3A_38 = arith.cmpi ne, %convert_element_type3A_36, %cond3A_37 : i32
    scf.if %cond3A_38 {
      "tpu.region"() ({
        %run_scoped3A_39 = tpu.sem_alloc : memref<!tpu.dma_semaphore, #tpu.memory_space<semaphore_mem>>
        %dma_start3A = arith.constant 0 : i32
        %dma_start3A_40 = arith.constant 0 : i32
        %dma_start3A_41 = tpu.memref_slice %arg4[%arg0, %dma_start3A, %dma_start3A_40] : memref<2x79x128xf32, #tpu.memory_space<hbm>> -> memref<1x79x128xf32, #tpu.memory_space<hbm>>
        %dma_start3A_42 = tpu.memref_squeeze %dma_start3A_41 : memref<1x79x128xf32, #tpu.memory_space<hbm>> -> memref<79x128xf32, #tpu.memory_space<hbm>>
        tpu.enqueue_dma source(%arg9 : memref<79x128xf32, #tpu.memory_space<vmem_shared>>) target(%dma_start3A_42 : memref<79x128xf32, #tpu.memory_space<hbm>>) target_semaphore(%run_scoped3A_39 : memref<!tpu.dma_semaphore, #tpu.memory_space<semaphore_mem>>)
        %dma_wait3A = arith.constant 0 : i32
        %dma_wait3A_43 = arith.constant 0 : i32
        %dma_wait3A_44 = tpu.memref_slice %arg4[%arg0, %dma_wait3A, %dma_wait3A_43] : memref<2x79x128xf32, #tpu.memory_space<hbm>> -> memref<1x79x128xf32, #tpu.memory_space<hbm>>
        %dma_wait3A_45 = tpu.memref_squeeze %dma_wait3A_44 : memref<1x79x128xf32, #tpu.memory_space<hbm>> -> memref<79x128xf32, #tpu.memory_space<hbm>>
        tpu.wait_dma2 semaphore(%run_scoped3A_39 : memref<!tpu.dma_semaphore, #tpu.memory_space<semaphore_mem>>) src(%arg9 : memref<79x128xf32, #tpu.memory_space<vmem_shared>>) dst(%dma_wait3A_45 : memref<79x128xf32, #tpu.memory_space<hbm>>)
        tpu.yield
      }) : () -> ()
    } else {
    }
    return
  }
}

module attributes {stable_mosaic.version = 14 : i64} {
  func.func @_normxn_body(%arg0: i32, %arg1: memref<2x2000x1xf32, #tpu.memory_space<vmem>>, %arg2: memref<2000x128xf32, #tpu.memory_space<vmem>>, %arg3: memref<2x2000x64xf32, #tpu.memory_space<vmem>>, %arg4: memref<2000x1xf32, #tpu.memory_space<vmem>>) attributes {dimension_semantics = [#tpu.dimension_semantics<arbitrary>], iteration_bounds = array<i64: 5>, scalar_prefetch = 0 : i64, scratch_operands = 0 : i64, tpu.core_type = #tpu.core_type<tc>, window_params = [{transform_indices = @transform_0, window_bounds = array<i64: 2, 2000, 1>}, {transform_indices = @transform_1, window_bounds = array<i64: 2000, 128>}, {transform_indices = @transform_2, window_bounds = array<i64: 2, 2000, 64>}, {transform_indices = @transform_3, window_bounds = array<i64: 2000, 1>}]} {
    %get3A = arith.constant 0 : index
    %get3A_0 = arith.constant 0 : index
    %get3A_1 = arith.constant 0 : index
    %get3A_2 = vector.load %arg1[%get3A, %get3A_0, %get3A_1] : memref<2x2000x1xf32, #tpu.memory_space<vmem>>, vector<2x2000x1xf32>
    %slice3A = vector.extract_strided_slice %get3A_2 {offsets = [0, 0, 0], sizes = [1, 2000, 1], strides = [1, 1, 1]} : vector<2x2000x1xf32> to vector<1x2000x1xf32>
    %squeeze3A = vector.shape_cast %slice3A : vector<1x2000x1xf32> to vector<2000x1xf32>
    %slice3A_3 = vector.extract_strided_slice %get3A_2 {offsets = [1, 0, 0], sizes = [1, 2000, 1], strides = [1, 1, 1]} : vector<2x2000x1xf32> to vector<1x2000x1xf32>
    %squeeze3A_4 = vector.shape_cast %slice3A_3 : vector<1x2000x1xf32> to vector<2000x1xf32>
    %add3A = arith.addf %squeeze3A, %squeeze3A_4 : vector<2000x1xf32>
    %gt3A = arith.constant 0.000000e+00 : f32
    %gt3A_5 = vector.broadcast %gt3A : f32 to vector<2000x1xf32>
    %gt3A_6 = arith.cmpf ogt, %add3A, %gt3A_5 : vector<2000x1xf32>
    %max3A = arith.constant 1.000000e+00 : f32
    %max3A_7 = vector.broadcast %max3A : f32 to vector<2000x1xf32>
    %max3A_8 = arith.maximumf %add3A, %max3A_7 : vector<2000x1xf32>
    %rsqrt3A = math.rsqrt %max3A_8 : vector<2000x1xf32>
    %jit3A = arith.constant 0.000000e+00 : f32
    %broadcast_in_dim3A = vector.broadcast %jit3A : f32 to vector<2000x1xf32>
    %select_n3A = arith.select %gt3A_6, %rsqrt3A, %broadcast_in_dim3A : vector<2000x1xi1>, vector<2000x1xf32>
    %swap3A = arith.constant 0 : index
    %swap3A_9 = arith.constant 0 : index
    %swap3A_10 = vector.load %arg4[%swap3A, %swap3A_9] : memref<2000x1xf32, #tpu.memory_space<vmem>>, vector<2000x1xf32>
    tpu.vector_store %arg4[%swap3A, %swap3A_9], %select_n3A {strides = array<i32>} : memref<2000x1xf32, #tpu.memory_space<vmem>>, vector<2000x1xf32>,
    %get3A_11 = arith.constant 0 : index
    %get3A_12 = arith.constant 0 : index
    %get3A_13 = vector.load %arg2[%get3A_11, %get3A_12] : memref<2000x128xf32, #tpu.memory_space<vmem>>, vector<2000x128xf32>
    %mul3A = vector.broadcast %select_n3A : vector<2000x1xf32> to vector<2000x128xf32>
    %mul3A_14 = arith.mulf %get3A_13, %mul3A : vector<2000x128xf32>
    %slice3A_15 = vector.extract_strided_slice %mul3A_14 {offsets = [0, 0], sizes = [2000, 64], strides = [1, 1]} : vector<2000x128xf32> to vector<2000x64xf32>
    %swap3A_16 = arith.constant 0 : index
    %swap3A_17 = arith.constant 0 : index
    %swap3A_18 = arith.constant 0 : index
    %swap3A_19 = vector.load %arg3[%swap3A_16, %swap3A_17, %swap3A_18] : memref<2x2000x64xf32, #tpu.memory_space<vmem>>, vector<1x2000x64xf32>
    %swap3A_20 = vector.shape_cast %swap3A_19 : vector<1x2000x64xf32> to vector<2000x64xf32>
    %swap3A_21 = vector.shape_cast %slice3A_15 : vector<2000x64xf32> to vector<1x2000x64xf32>
    tpu.vector_store %arg3[%swap3A_16, %swap3A_17, %swap3A_18], %swap3A_21 {strides = array<i32>} : memref<2x2000x64xf32, #tpu.memory_space<vmem>>, vector<1x2000x64xf32>,
    %slice3A_22 = vector.extract_strided_slice %mul3A_14 {offsets = [0, 64], sizes = [2000, 64], strides = [1, 1]} : vector<2000x128xf32> to vector<2000x64xf32>
    %swap3A_23 = arith.constant 1 : index
    %swap3A_24 = arith.constant 0 : index
    %swap3A_25 = arith.constant 0 : index
    %swap3A_26 = vector.load %arg3[%swap3A_23, %swap3A_24, %swap3A_25] : memref<2x2000x64xf32, #tpu.memory_space<vmem>>, vector<1x2000x64xf32>
    %swap3A_27 = vector.shape_cast %swap3A_26 : vector<1x2000x64xf32> to vector<2000x64xf32>
    %swap3A_28 = vector.shape_cast %slice3A_22 : vector<2000x64xf32> to vector<1x2000x64xf32>
    tpu.vector_store %arg3[%swap3A_23, %swap3A_24, %swap3A_25], %swap3A_28 {strides = array<i32>} : memref<2x2000x64xf32, #tpu.memory_space<vmem>>, vector<1x2000x64xf32>,
    return
  }
  func.func @transform_0(%arg0: i32) -> (i32, i32, i32) {
    %c0_i32 = arith.constant 0 : i32
    %c0_i32_0 = arith.constant 0 : i32
    %c0_i32_1 = arith.constant 0 : i32
    return %c0_i32, %arg0, %c0_i32_0 : i32, i32, i32
  }
  func.func @transform_1(%arg0: i32) -> (i32, i32) {
    %c0_i32 = arith.constant 0 : i32
    %c0_i32_0 = arith.constant 0 : i32
    return %arg0, %c0_i32 : i32, i32
  }
  func.func @transform_2(%arg0: i32) -> (i32, i32, i32) {
    %c0_i32 = arith.constant 0 : i32
    %c0_i32_0 = arith.constant 0 : i32
    %c0_i32_1 = arith.constant 0 : i32
    return %c0_i32, %arg0, %c0_i32_0 : i32, i32, i32
  }
  func.func @transform_3(%arg0: i32) -> (i32, i32) {
    %c0_i32 = arith.constant 0 : i32
    %c0_i32_0 = arith.constant 0 : i32
    return %arg0, %c0_i32 : i32, i32
  }
}

module attributes {stable_mosaic.version = 14 : i64} {
  func.func @_head_body(%arg0: i32, %arg1: memref<2x2000x64xf32, #tpu.memory_space<vmem>>, %arg2: memref<2000x1xf32, #tpu.memory_space<vmem>>, %arg3: memref<2000x1xi32, #tpu.memory_space<vmem>>, %arg4: memref<128x128xf32, #tpu.memory_space<vmem>>, %arg5: memref<1x128xf32, #tpu.memory_space<vmem>>, %arg6: memref<384x256xf32, #tpu.memory_space<vmem>>, %arg7: memref<1x256xf32, #tpu.memory_space<vmem>>, %arg8: memref<256x256xf32, #tpu.memory_space<vmem>>, %arg9: memref<1x256xf32, #tpu.memory_space<vmem>>, %arg10: memref<256x10xf32, #tpu.memory_space<vmem>>, %arg11: memref<1x10xf32, #tpu.memory_space<vmem>>, %arg12: memref<64x10xf32, #tpu.memory_space<vmem>>, %arg13: memref<64x128xf32, #tpu.memory_space<vmem>>, %arg14: memref<64x128xf32, #tpu.memory_space<vmem>>, %arg15: memref<64x1xf32, #tpu.memory_space<vmem>>, %arg16: memref<1x128xf32, #tpu.memory_space<vmem>>, %arg17: memref<1x1xi32, #tpu.memory_space<vmem>>) attributes {dimension_semantics = [#tpu.dimension_semantics<arbitrary>], iteration_bounds = array<i64: 5>, scalar_prefetch = 0 : i64, scratch_operands = 5 : i64, tpu.core_type = #tpu.core_type<tc>, window_params = [{transform_indices = @transform_0, window_bounds = array<i64: 2, 2000, 64>}, {transform_indices = @transform_1, window_bounds = array<i64: 2000, 1>}, {transform_indices = @transform_2, window_bounds = array<i64: 2000, 1>}, {pipeline_mode = #tpu.pipeline_mode<synchronous>, transform_indices = @transform_3, window_bounds = array<i64: 128, 128>}, {pipeline_mode = #tpu.pipeline_mode<synchronous>, transform_indices = @transform_4, window_bounds = array<i64: 1, 128>}, {pipeline_mode = #tpu.pipeline_mode<synchronous>, transform_indices = @transform_5, window_bounds = array<i64: 384, 256>}, {pipeline_mode = #tpu.pipeline_mode<synchronous>, transform_indices = @transform_6, window_bounds = array<i64: 1, 256>}, {pipeline_mode = #tpu.pipeline_mode<synchronous>, transform_indices = @transform_7, window_bounds = array<i64: 256, 256>}, {pipeline_mode = #tpu.pipeline_mode<synchronous>, transform_indices = @transform_8, window_bounds = array<i64: 1, 256>}, {pipeline_mode = #tpu.pipeline_mode<synchronous>, transform_indices = @transform_9, window_bounds = array<i64: 256, 10>}, {pipeline_mode = #tpu.pipeline_mode<synchronous>, transform_indices = @transform_10, window_bounds = array<i64: 1, 10>}, {pipeline_mode = #tpu.pipeline_mode<synchronous>, transform_indices = @transform_11, window_bounds = array<i64: 64, 10>}]} {
    %eq3A = arith.constant 0 : i32
    %eq3A_0 = arith.cmpi eq, %arg0, %eq3A : i32
    %convert_element_type3A = arith.extui %eq3A_0 : i1 to i32
    %cond3A = arith.constant 0 : i32
    %cond3A_1 = arith.cmpi ne, %convert_element_type3A, %cond3A : i32
    scf.if %cond3A_1 {
      %broadcast_in_dim3A_268 = arith.constant 0.000000e+00 : f32
      %broadcast_in_dim3A_269 = vector.broadcast %broadcast_in_dim3A_268 : f32 to vector<64x128xf32>
      %swap3A_270 = arith.constant 0 : index
      %swap3A_271 = arith.constant 0 : index
      %swap3A_272 = vector.load %arg13[%swap3A_270, %swap3A_271] : memref<64x128xf32, #tpu.memory_space<vmem>>, vector<64x128xf32>
      tpu.vector_store %arg13[%swap3A_270, %swap3A_271], %broadcast_in_dim3A_269 {strides = array<i32>} : memref<64x128xf32, #tpu.memory_space<vmem>>, vector<64x128xf32>,
      %broadcast_in_dim3A_273 = arith.constant -1.000000e+30 : f32
      %broadcast_in_dim3A_274 = vector.broadcast %broadcast_in_dim3A_273 : f32 to vector<64x128xf32>
      %swap3A_275 = arith.constant 0 : index
      %swap3A_276 = arith.constant 0 : index
      %swap3A_277 = vector.load %arg14[%swap3A_275, %swap3A_276] : memref<64x128xf32, #tpu.memory_space<vmem>>, vector<64x128xf32>
      tpu.vector_store %arg14[%swap3A_275, %swap3A_276], %broadcast_in_dim3A_274 {strides = array<i32>} : memref<64x128xf32, #tpu.memory_space<vmem>>, vector<64x128xf32>,
      %broadcast_in_dim3A_278 = arith.constant 0.000000e+00 : f32
      %broadcast_in_dim3A_279 = vector.broadcast %broadcast_in_dim3A_278 : f32 to vector<64x1xf32>
      %swap3A_280 = arith.constant 0 : index
      %swap3A_281 = arith.constant 0 : index
      %swap3A_282 = vector.load %arg15[%swap3A_280, %swap3A_281] : memref<64x1xf32, #tpu.memory_space<vmem>>, vector<64x1xf32>
      tpu.vector_store %arg15[%swap3A_280, %swap3A_281], %broadcast_in_dim3A_279 {strides = array<i32>} : memref<64x1xf32, #tpu.memory_space<vmem>>, vector<64x1xf32>,
      %broadcast_in_dim3A_283 = arith.constant -1.000000e+30 : f32
      %broadcast_in_dim3A_284 = vector.broadcast %broadcast_in_dim3A_283 : f32 to vector<1x128xf32>
      %swap3A_285 = arith.constant 0 : index
      %swap3A_286 = arith.constant 0 : index
      %swap3A_287 = vector.load %arg16[%swap3A_285, %swap3A_286] : memref<1x128xf32, #tpu.memory_space<vmem>>, vector<1x128xf32>
      tpu.vector_store %arg16[%swap3A_285, %swap3A_286], %broadcast_in_dim3A_284 {strides = array<i32>} : memref<1x128xf32, #tpu.memory_space<vmem>>, vector<1x128xf32>,
      %broadcast_in_dim3A_288 = arith.constant -1 : i32
      %broadcast_in_dim3A_289 = vector.broadcast %broadcast_in_dim3A_288 : i32 to vector<1x1xi32>
      %swap3A_290 = arith.constant 0 : index
      %swap3A_291 = arith.constant 0 : index
      %swap3A_292 = vector.load %arg17[%swap3A_290, %swap3A_291] : memref<1x1xi32, #tpu.memory_space<vmem>>, vector<1x1xi32>
      tpu.vector_store %arg17[%swap3A_290, %swap3A_291], %broadcast_in_dim3A_289 {strides = array<i32>} : memref<1x1xi32, #tpu.memory_space<vmem>>, vector<1x1xi32>,
    } else {
    }
    %get3A = arith.constant 0 : index
    %get3A_2 = arith.constant 0 : index
    %get3A_3 = arith.constant 0 : index
    %get3A_4 = vector.load %arg1[%get3A, %get3A_2, %get3A_3] : memref<2x2000x64xf32, #tpu.memory_space<vmem>>, vector<2x2000x64xf32>
    %slice3A = vector.extract_strided_slice %get3A_4 {offsets = [0, 0, 0], sizes = [1, 2000, 64], strides = [1, 1, 1]} : vector<2x2000x64xf32> to vector<1x2000x64xf32>
    %squeeze3A = vector.shape_cast %slice3A : vector<1x2000x64xf32> to vector<2000x64xf32>
    %slice3A_5 = vector.extract_strided_slice %get3A_4 {offsets = [1, 0, 0], sizes = [1, 2000, 64], strides = [1, 1, 1]} : vector<2x2000x64xf32> to vector<1x2000x64xf32>
    %squeeze3A_6 = vector.shape_cast %slice3A_5 : vector<1x2000x64xf32> to vector<2000x64xf32>
    %concatenate3A = tpu.concatenate %squeeze3A, %squeeze3A_6 in 1 : vector<2000x64xf32>, vector<2000x64xf32> -> vector<2000x128xf32>
    %get3A_7 = arith.constant 0 : index
    %get3A_8 = arith.constant 0 : index
    %get3A_9 = vector.load %arg2[%get3A_7, %get3A_8] : memref<2000x1xf32, #tpu.memory_space<vmem>>, vector<2000x1xf32>
    %mul3A = vector.broadcast %get3A_9 : vector<2000x1xf32> to vector<2000x128xf32>
    %mul3A_10 = arith.mulf %concatenate3A, %mul3A : vector<2000x128xf32>
    %get3A_11 = arith.constant 0 : index
    %get3A_12 = arith.constant 0 : index
    %get3A_13 = vector.load %arg4[%get3A_11, %get3A_12] : memref<128x128xf32, #tpu.memory_space<vmem>>, vector<128x128xf32>
    %dot_general3A = arith.constant dense<0.000000e+00> : vector<2000x128xf32>
    %dot_general3A_14 = tpu.matmul %mul3A_10, %get3A_13, %dot_general3A {dimension_numbers = #tpu.dot_dimension_numbers<[1], [0], [0], [1], [0, 0, 1, 1], [], []>, transpose_lhs_hint = false} : vector<2000x128xf32>, vector<128x128xf32>, vector<2000x128xf32> -> vector<2000x128xf32>
    %get3A_15 = arith.constant 0 : index
    %get3A_16 = arith.constant 0 : index
    %get3A_17 = vector.load %arg5[%get3A_15, %get3A_16] : memref<1x128xf32, #tpu.memory_space<vmem>>, vector<1x128xf32>
    %add3A = vector.broadcast %get3A_17 : vector<1x128xf32> to vector<2000x128xf32>
    %add3A_18 = arith.addf %dot_general3A_14, %add3A : vector<2000x128xf32>
    %gt3A = arith.constant 0.000000e+00 : f32
    %gt3A_19 = vector.broadcast %gt3A : f32 to vector<2000x128xf32>
    %gt3A_20 = arith.cmpf ogt, %add3A_18, %gt3A_19 : vector<2000x128xf32>
    %exp3A = math.exp %add3A_18 : vector<2000x128xf32>
    %sub3A = arith.constant 1.000000e+00 : f32
    %sub3A_21 = vector.broadcast %sub3A : f32 to vector<2000x128xf32>
    %sub3A_22 = arith.subf %exp3A, %sub3A_21 : vector<2000x128xf32>
    %select_n3A = arith.select %gt3A_20, %add3A_18, %sub3A_22 : vector<2000x128xi1>, vector<2000x128xf32>
    %get3A_23 = arith.constant 0 : index
    %get3A_24 = arith.constant 0 : index
    %get3A_25 = vector.load %arg3[%get3A_23, %get3A_24] : memref<2000x1xi32, #tpu.memory_space<vmem>>, vector<2000x1xi32>
    %iota3A = tpu.iota {dimensions = array<i32: 1>} : vector<1x64xi32>
    %eq3A_26 = vector.broadcast %get3A_25 : vector<2000x1xi32> to vector<2000x64xi32>
    %eq3A_27 = vector.broadcast %iota3A : vector<1x64xi32> to vector<2000x64xi32>
    %eq3A_28 = arith.cmpi eq, %eq3A_26, %eq3A_27 : vector<2000x64xi32>
    %convert_element_type3A_29 = arith.extui %eq3A_28 : vector<2000x64xi1> to vector<2000x64xi32>
    %convert_element_type3A_30 = arith.sitofp %convert_element_type3A_29 : vector<2000x64xi32> to vector<2000x64xf32>
    %get3A_31 = arith.constant 0 : index
    %get3A_32 = arith.constant 0 : index
    %get3A_33 = vector.load %arg13[%get3A_31, %get3A_32] : memref<64x128xf32, #tpu.memory_space<vmem>>, vector<64x128xf32>
    %dot_general3A_34 = arith.constant dense<0.000000e+00> : vector<64x128xf32>
    %dot_general3A_35 = tpu.matmul %convert_element_type3A_30, %select_n3A, %dot_general3A_34 {dimension_numbers = #tpu.dot_dimension_numbers<[0], [0], [1], [1], [0, 1, 1, 1], [], []>, transpose_lhs_hint = false} : vector<2000x64xf32>, vector<2000x128xf32>, vector<64x128xf32> -> vector<64x128xf32>
    %add3A_36 = arith.addf %get3A_33, %dot_general3A_35 : vector<64x128xf32>
    %swap3A = arith.constant 0 : index
    %swap3A_37 = arith.constant 0 : index
    %swap3A_38 = vector.load %arg13[%swap3A, %swap3A_37] : memref<64x128xf32, #tpu.memory_space<vmem>>, vector<64x128xf32>
    tpu.vector_store %arg13[%swap3A, %swap3A_37], %add3A_36 {strides = array<i32>} : memref<64x128xf32, #tpu.memory_space<vmem>>, vector<64x128xf32>,
    %get3A_39 = arith.constant 0 : index
    %get3A_40 = arith.constant 0 : index
    %get3A_41 = vector.load %arg15[%get3A_39, %get3A_40] : memref<64x1xf32, #tpu.memory_space<vmem>>, vector<64x1xf32>
    %broadcast_in_dim3A = arith.constant 1.000000e+00 : f32
    %broadcast_in_dim3A_42 = vector.broadcast %broadcast_in_dim3A : f32 to vector<2000x1xf32>
    %dot_general3A_43 = arith.constant dense<0.000000e+00> : vector<64x1xf32>
    %dot_general3A_44 = tpu.matmul %convert_element_type3A_30, %broadcast_in_dim3A_42, %dot_general3A_43 {dimension_numbers = #tpu.dot_dimension_numbers<[0], [0], [1], [1], [0, 1, 1, 1], [], []>, transpose_lhs_hint = false} : vector<2000x64xf32>, vector<2000x1xf32>, vector<64x1xf32> -> vector<64x1xf32>
    %add3A_45 = arith.addf %get3A_41, %dot_general3A_44 : vector<64x1xf32>
    %swap3A_46 = arith.constant 0 : index
    %swap3A_47 = arith.constant 0 : index
    %swap3A_48 = vector.load %arg15[%swap3A_46, %swap3A_47] : memref<64x1xf32, #tpu.memory_space<vmem>>, vector<64x1xf32>
    tpu.vector_store %arg15[%swap3A_46, %swap3A_47], %add3A_45 {strides = array<i32>} : memref<64x1xf32, #tpu.memory_space<vmem>>, vector<64x1xf32>,
    %get3A_49 = arith.constant 0 : index
    %get3A_50 = arith.constant 0 : index
    %get3A_51 = vector.load %arg17[%get3A_49, %get3A_50] : memref<1x1xi32, #tpu.memory_space<vmem>>, vector<1x1xi32>
    %eq3A_52 = vector.broadcast %get3A_51 : vector<1x1xi32> to vector<2000x1xi32>
    %eq3A_53 = arith.cmpi eq, %get3A_25, %eq3A_52 : vector<2000x1xi32>
    %get3A_54 = arith.constant 0 : index
    %get3A_55 = arith.constant 0 : index
    %get3A_56 = vector.load %arg16[%get3A_54, %get3A_55] : memref<1x128xf32, #tpu.memory_space<vmem>>, vector<1x128xf32>
    %max3A = vector.broadcast %get3A_56 : vector<1x128xf32> to vector<2000x128xf32>
    %max3A_57 = arith.maximumf %select_n3A, %max3A : vector<2000x128xf32>
    %broadcast_in_dim3A_58 = vector.shape_cast %eq3A_53 : vector<2000x1xi1> to vector<2000x1xi1>
    %broadcast_in_dim3A_59 = vector.broadcast %broadcast_in_dim3A_58 : vector<2000x1xi1> to vector<2000x128xi1>
    %select_n3A_60 = arith.select %broadcast_in_dim3A_59, %max3A_57, %select_n3A : vector<2000x128xi1>, vector<2000x128xf32>
    %reshape3A = vector.shape_cast %select_n3A_60 : vector<2000x128xf32> to vector<250x8x128xf32>
    %reshape3A_61 = vector.shape_cast %get3A_25 : vector<2000x1xi32> to vector<250x8x1xi32>
    %broadcast_in_dim3A_62 = arith.constant -1.000000e+30 : f32
    %broadcast_in_dim3A_63 = vector.broadcast %broadcast_in_dim3A_62 : f32 to vector<250x1x128xf32>
    %slice3A_64 = vector.extract_strided_slice %reshape3A {offsets = [0, 0, 0], sizes = [250, 7, 128], strides = [1, 1, 1]} : vector<250x8x128xf32> to vector<250x7x128xf32>
    %concatenate3A_65 = tpu.concatenate %broadcast_in_dim3A_63, %slice3A_64 in 1 : vector<250x1x128xf32>, vector<250x7x128xf32> -> vector<250x8x128xf32>
    %broadcast_in_dim3A_66 = arith.constant -1 : i32
    %broadcast_in_dim3A_67 = vector.broadcast %broadcast_in_dim3A_66 : i32 to vector<250x1x1xi32>
    %slice3A_68 = vector.extract_strided_slice %reshape3A_61 {offsets = [0, 0, 0], sizes = [250, 7, 1], strides = [1, 1, 1]} : vector<250x8x1xi32> to vector<250x7x1xi32>
    %concatenate3A_69 = tpu.concatenate %broadcast_in_dim3A_67, %slice3A_68 in 1 : vector<250x1x1xi32>, vector<250x7x1xi32> -> vector<250x8x1xi32>
    %eq3A_70 = arith.cmpi eq, %concatenate3A_69, %reshape3A_61 : vector<250x8x1xi32>
    %max3A_71 = arith.maximumf %reshape3A, %concatenate3A_65 : vector<250x8x128xf32>
    %broadcast_in_dim3A_72 = vector.shape_cast %eq3A_70 : vector<250x8x1xi1> to vector<250x8x1xi1>
    %broadcast_in_dim3A_73 = vector.broadcast %broadcast_in_dim3A_72 : vector<250x8x1xi1> to vector<250x8x128xi1>
    %select_n3A_74 = arith.select %broadcast_in_dim3A_73, %max3A_71, %reshape3A : vector<250x8x128xi1>, vector<250x8x128xf32>
    %broadcast_in_dim3A_75 = arith.constant -1.000000e+30 : f32
    %broadcast_in_dim3A_76 = vector.broadcast %broadcast_in_dim3A_75 : f32 to vector<250x2x128xf32>
    %slice3A_77 = vector.extract_strided_slice %select_n3A_74 {offsets = [0, 0, 0], sizes = [250, 6, 128], strides = [1, 1, 1]} : vector<250x8x128xf32> to vector<250x6x128xf32>
    %concatenate3A_78 = tpu.concatenate %broadcast_in_dim3A_76, %slice3A_77 in 1 : vector<250x2x128xf32>, vector<250x6x128xf32> -> vector<250x8x128xf32>
    %broadcast_in_dim3A_79 = arith.constant -1 : i32
    %broadcast_in_dim3A_80 = vector.broadcast %broadcast_in_dim3A_79 : i32 to vector<250x2x1xi32>
    %slice3A_81 = vector.extract_strided_slice %reshape3A_61 {offsets = [0, 0, 0], sizes = [250, 6, 1], strides = [1, 1, 1]} : vector<250x8x1xi32> to vector<250x6x1xi32>
    %concatenate3A_82 = tpu.concatenate %broadcast_in_dim3A_80, %slice3A_81 in 1 : vector<250x2x1xi32>, vector<250x6x1xi32> -> vector<250x8x1xi32>
    %eq3A_83 = arith.cmpi eq, %concatenate3A_82, %reshape3A_61 : vector<250x8x1xi32>
    %max3A_84 = arith.maximumf %select_n3A_74, %concatenate3A_78 : vector<250x8x128xf32>
    %broadcast_in_dim3A_85 = vector.shape_cast %eq3A_83 : vector<250x8x1xi1> to vector<250x8x1xi1>
    %broadcast_in_dim3A_86 = vector.broadcast %broadcast_in_dim3A_85 : vector<250x8x1xi1> to vector<250x8x128xi1>
    %select_n3A_87 = arith.select %broadcast_in_dim3A_86, %max3A_84, %select_n3A_74 : vector<250x8x128xi1>, vector<250x8x128xf32>
    %broadcast_in_dim3A_88 = arith.constant -1.000000e+30 : f32
    %broadcast_in_dim3A_89 = vector.broadcast %broadcast_in_dim3A_88 : f32 to vector<250x4x128xf32>
    %slice3A_90 = vector.extract_strided_slice %select_n3A_87 {offsets = [0, 0, 0], sizes = [250, 4, 128], strides = [1, 1, 1]} : vector<250x8x128xf32> to vector<250x4x128xf32>
    %concatenate3A_91 = tpu.concatenate %broadcast_in_dim3A_89, %slice3A_90 in 1 : vector<250x4x128xf32>, vector<250x4x128xf32> -> vector<250x8x128xf32>
    %broadcast_in_dim3A_92 = arith.constant -1 : i32
    %broadcast_in_dim3A_93 = vector.broadcast %broadcast_in_dim3A_92 : i32 to vector<250x4x1xi32>
    %slice3A_94 = vector.extract_strided_slice %reshape3A_61 {offsets = [0, 0, 0], sizes = [250, 4, 1], strides = [1, 1, 1]} : vector<250x8x1xi32> to vector<250x4x1xi32>
    %concatenate3A_95 = tpu.concatenate %broadcast_in_dim3A_93, %slice3A_94 in 1 : vector<250x4x1xi32>, vector<250x4x1xi32> -> vector<250x8x1xi32>
    %eq3A_96 = arith.cmpi eq, %concatenate3A_95, %reshape3A_61 : vector<250x8x1xi32>
    %max3A_97 = arith.maximumf %select_n3A_87, %concatenate3A_91 : vector<250x8x128xf32>
    %broadcast_in_dim3A_98 = vector.shape_cast %eq3A_96 : vector<250x8x1xi1> to vector<250x8x1xi1>
    %broadcast_in_dim3A_99 = vector.broadcast %broadcast_in_dim3A_98 : vector<250x8x1xi1> to vector<250x8x128xi1>
    %select_n3A_100 = arith.select %broadcast_in_dim3A_99, %max3A_97, %select_n3A_87 : vector<250x8x128xi1>, vector<250x8x128xf32>
    %slice3A_101 = vector.extract_strided_slice %select_n3A_100 {offsets = [0, 7, 0], sizes = [250, 1, 128], strides = [1, 1, 1]} : vector<250x8x128xf32> to vector<250x1x128xf32>
    %squeeze3A_102 = vector.shape_cast %slice3A_101 : vector<250x1x128xf32> to vector<250x128xf32>
    %slice3A_103 = vector.extract_strided_slice %reshape3A_61 {offsets = [0, 7, 0], sizes = [250, 1, 1], strides = [1, 1, 1]} : vector<250x8x1xi32> to vector<250x1x1xi32>
    %squeeze3A_104 = vector.shape_cast %slice3A_103 : vector<250x1x1xi32> to vector<250x1xi32>
    %broadcast_in_dim3A_105 = arith.constant -1.000000e+30 : f32
    %broadcast_in_dim3A_106 = vector.broadcast %broadcast_in_dim3A_105 : f32 to vector<1x128xf32>
    %slice3A_107 = vector.extract_strided_slice %squeeze3A_102 {offsets = [0, 0], sizes = [249, 128], strides = [1, 1]} : vector<250x128xf32> to vector<249x128xf32>
    %concatenate3A_108 = tpu.concatenate %broadcast_in_dim3A_106, %slice3A_107 in 0 : vector<1x128xf32>, vector<249x128xf32> -> vector<250x128xf32>
    %broadcast_in_dim3A_109 = arith.constant -1 : i32
    %broadcast_in_dim3A_110 = vector.broadcast %broadcast_in_dim3A_109 : i32 to vector<1x1xi32>
    %slice3A_111 = vector.extract_strided_slice %squeeze3A_104 {offsets = [0, 0], sizes = [249, 1], strides = [1, 1]} : vector<250x1xi32> to vector<249x1xi32>
    %concatenate3A_112 = tpu.concatenate %broadcast_in_dim3A_110, %slice3A_111 in 0 : vector<1x1xi32>, vector<249x1xi32> -> vector<250x1xi32>
    %eq3A_113 = arith.cmpi eq, %concatenate3A_112, %squeeze3A_104 : vector<250x1xi32>
    %max3A_114 = arith.maximumf %squeeze3A_102, %concatenate3A_108 : vector<250x128xf32>
    %broadcast_in_dim3A_115 = vector.shape_cast %eq3A_113 : vector<250x1xi1> to vector<250x1xi1>
    %broadcast_in_dim3A_116 = vector.broadcast %broadcast_in_dim3A_115 : vector<250x1xi1> to vector<250x128xi1>
    %select_n3A_117 = arith.select %broadcast_in_dim3A_116, %max3A_114, %squeeze3A_102 : vector<250x128xi1>, vector<250x128xf32>
    %broadcast_in_dim3A_118 = arith.constant -1.000000e+30 : f32
    %broadcast_in_dim3A_119 = vector.broadcast %broadcast_in_dim3A_118 : f32 to vector<2x128xf32>
    %slice3A_120 = vector.extract_strided_slice %select_n3A_117 {offsets = [0, 0], sizes = [248, 128], strides = [1, 1]} : vector<250x128xf32> to vector<248x128xf32>
    %concatenate3A_121 = tpu.concatenate %broadcast_in_dim3A_119, %slice3A_120 in 0 : vector<2x128xf32>, vector<248x128xf32> -> vector<250x128xf32>
    %broadcast_in_dim3A_122 = arith.constant -1 : i32
    %broadcast_in_dim3A_123 = vector.broadcast %broadcast_in_dim3A_122 : i32 to vector<2x1xi32>
    %slice3A_124 = vector.extract_strided_slice %squeeze3A_104 {offsets = [0, 0], sizes = [248, 1], strides = [1, 1]} : vector<250x1xi32> to vector<248x1xi32>
    %concatenate3A_125 = tpu.concatenate %broadcast_in_dim3A_123, %slice3A_124 in 0 : vector<2x1xi32>, vector<248x1xi32> -> vector<250x1xi32>
    %eq3A_126 = arith.cmpi eq, %concatenate3A_125, %squeeze3A_104 : vector<250x1xi32>
    %max3A_127 = arith.maximumf %select_n3A_117, %concatenate3A_121 : vector<250x128xf32>
    %broadcast_in_dim3A_128 = vector.shape_cast %eq3A_126 : vector<250x1xi1> to vector<250x1xi1>
    %broadcast_in_dim3A_129 = vector.broadcast %broadcast_in_dim3A_128 : vector<250x1xi1> to vector<250x128xi1>
    %select_n3A_130 = arith.select %broadcast_in_dim3A_129, %max3A_127, %select_n3A_117 : vector<250x128xi1>, vector<250x128xf32>
    %broadcast_in_dim3A_131 = arith.constant -1.000000e+30 : f32
    %broadcast_in_dim3A_132 = vector.broadcast %broadcast_in_dim3A_131 : f32 to vector<4x128xf32>
    %slice3A_133 = vector.extract_strided_slice %select_n3A_130 {offsets = [0, 0], sizes = [246, 128], strides = [1, 1]} : vector<250x128xf32> to vector<246x128xf32>
    %concatenate3A_134 = tpu.concatenate %broadcast_in_dim3A_132, %slice3A_133 in 0 : vector<4x128xf32>, vector<246x128xf32> -> vector<250x128xf32>
    %broadcast_in_dim3A_135 = arith.constant -1 : i32
    %broadcast_in_dim3A_136 = vector.broadcast %broadcast_in_dim3A_135 : i32 to vector<4x1xi32>
    %slice3A_137 = vector.extract_strided_slice %squeeze3A_104 {offsets = [0, 0], sizes = [246, 1], strides = [1, 1]} : vector<250x1xi32> to vector<246x1xi32>
    %concatenate3A_138 = tpu.concatenate %broadcast_in_dim3A_136, %slice3A_137 in 0 : vector<4x1xi32>, vector<246x1xi32> -> vector<250x1xi32>
    %eq3A_139 = arith.cmpi eq, %concatenate3A_138, %squeeze3A_104 : vector<250x1xi32>
    %max3A_140 = arith.maximumf %select_n3A_130, %concatenate3A_134 : vector<250x128xf32>
    %broadcast_in_dim3A_141 = vector.shape_cast %eq3A_139 : vector<250x1xi1> to vector<250x1xi1>
    %broadcast_in_dim3A_142 = vector.broadcast %broadcast_in_dim3A_141 : vector<250x1xi1> to vector<250x128xi1>
    %select_n3A_143 = arith.select %broadcast_in_dim3A_142, %max3A_140, %select_n3A_130 : vector<250x128xi1>, vector<250x128xf32>
    %broadcast_in_dim3A_144 = arith.constant -1.000000e+30 : f32
    %broadcast_in_dim3A_145 = vector.broadcast %broadcast_in_dim3A_144 : f32 to vector<8x128xf32>
    %slice3A_146 = vector.extract_strided_slice %select_n3A_143 {offsets = [0, 0], sizes = [242, 128], strides = [1, 1]} : vector<250x128xf32> to vector<242x128xf32>
    %concatenate3A_147 = tpu.concatenate %broadcast_in_dim3A_145, %slice3A_146 in 0 : vector<8x128xf32>, vector<242x128xf32> -> vector<250x128xf32>
    %broadcast_in_dim3A_148 = arith.constant -1 : i32
    %broadcast_in_dim3A_149 = vector.broadcast %broadcast_in_dim3A_148 : i32 to vector<8x1xi32>
    %slice3A_150 = vector.extract_strided_slice %squeeze3A_104 {offsets = [0, 0], sizes = [242, 1], strides = [1, 1]} : vector<250x1xi32> to vector<242x1xi32>
    %concatenate3A_151 = tpu.concatenate %broadcast_in_dim3A_149, %slice3A_150 in 0 : vector<8x1xi32>, vector<242x1xi32> -> vector<250x1xi32>
    %eq3A_152 = arith.cmpi eq, %concatenate3A_151, %squeeze3A_104 : vector<250x1xi32>
    %max3A_153 = arith.maximumf %select_n3A_143, %concatenate3A_147 : vector<250x128xf32>
    %broadcast_in_dim3A_154 = vector.shape_cast %eq3A_152 : vector<250x1xi1> to vector<250x1xi1>
    %broadcast_in_dim3A_155 = vector.broadcast %broadcast_in_dim3A_154 : vector<250x1xi1> to vector<250x128xi1>
    %select_n3A_156 = arith.select %broadcast_in_dim3A_155, %max3A_153, %select_n3A_143 : vector<250x128xi1>, vector<250x128xf32>
    %broadcast_in_dim3A_157 = arith.constant -1.000000e+30 : f32
    %broadcast_in_dim3A_158 = vector.broadcast %broadcast_in_dim3A_157 : f32 to vector<16x128xf32>
    %slice3A_159 = vector.extract_strided_slice %select_n3A_156 {offsets = [0, 0], sizes = [234, 128], strides = [1, 1]} : vector<250x128xf32> to vector<234x128xf32>
    %concatenate3A_160 = tpu.concatenate %broadcast_in_dim3A_158, %slice3A_159 in 0 : vector<16x128xf32>, vector<234x128xf32> -> vector<250x128xf32>
    %broadcast_in_dim3A_161 = arith.constant -1 : i32
    %broadcast_in_dim3A_162 = vector.broadcast %broadcast_in_dim3A_161 : i32 to vector<16x1xi32>
    %slice3A_163 = vector.extract_strided_slice %squeeze3A_104 {offsets = [0, 0], sizes = [234, 1], strides = [1, 1]} : vector<250x1xi32> to vector<234x1xi32>
    %concatenate3A_164 = tpu.concatenate %broadcast_in_dim3A_162, %slice3A_163 in 0 : vector<16x1xi32>, vector<234x1xi32> -> vector<250x1xi32>
    %eq3A_165 = arith.cmpi eq, %concatenate3A_164, %squeeze3A_104 : vector<250x1xi32>
    %max3A_166 = arith.maximumf %select_n3A_156, %concatenate3A_160 : vector<250x128xf32>
    %broadcast_in_dim3A_167 = vector.shape_cast %eq3A_165 : vector<250x1xi1> to vector<250x1xi1>
    %broadcast_in_dim3A_168 = vector.broadcast %broadcast_in_dim3A_167 : vector<250x1xi1> to vector<250x128xi1>
    %select_n3A_169 = arith.select %broadcast_in_dim3A_168, %max3A_166, %select_n3A_156 : vector<250x128xi1>, vector<250x128xf32>
    %broadcast_in_dim3A_170 = arith.constant -1.000000e+30 : f32
    %broadcast_in_dim3A_171 = vector.broadcast %broadcast_in_dim3A_170 : f32 to vector<32x128xf32>
    %slice3A_172 = vector.extract_strided_slice %select_n3A_169 {offsets = [0, 0], sizes = [218, 128], strides = [1, 1]} : vector<250x128xf32> to vector<218x128xf32>
    %concatenate3A_173 = tpu.concatenate %broadcast_in_dim3A_171, %slice3A_172 in 0 : vector<32x128xf32>, vector<218x128xf32> -> vector<250x128xf32>
    %broadcast_in_dim3A_174 = arith.constant -1 : i32
    %broadcast_in_dim3A_175 = vector.broadcast %broadcast_in_dim3A_174 : i32 to vector<32x1xi32>
    %slice3A_176 = vector.extract_strided_slice %squeeze3A_104 {offsets = [0, 0], sizes = [218, 1], strides = [1, 1]} : vector<250x1xi32> to vector<218x1xi32>
    %concatenate3A_177 = tpu.concatenate %broadcast_in_dim3A_175, %slice3A_176 in 0 : vector<32x1xi32>, vector<218x1xi32> -> vector<250x1xi32>
    %eq3A_178 = arith.cmpi eq, %concatenate3A_177, %squeeze3A_104 : vector<250x1xi32>
    %max3A_179 = arith.maximumf %select_n3A_169, %concatenate3A_173 : vector<250x128xf32>
    %broadcast_in_dim3A_180 = vector.shape_cast %eq3A_178 : vector<250x1xi1> to vector<250x1xi1>
    %broadcast_in_dim3A_181 = vector.broadcast %broadcast_in_dim3A_180 : vector<250x1xi1> to vector<250x128xi1>
    %select_n3A_182 = arith.select %broadcast_in_dim3A_181, %max3A_179, %select_n3A_169 : vector<250x128xi1>, vector<250x128xf32>
    %broadcast_in_dim3A_183 = arith.constant -1.000000e+30 : f32
    %broadcast_in_dim3A_184 = vector.broadcast %broadcast_in_dim3A_183 : f32 to vector<64x128xf32>
    %slice3A_185 = vector.extract_strided_slice %select_n3A_182 {offsets = [0, 0], sizes = [186, 128], strides = [1, 1]} : vector<250x128xf32> to vector<186x128xf32>
    %concatenate3A_186 = tpu.concatenate %broadcast_in_dim3A_184, %slice3A_185 in 0 : vector<64x128xf32>, vector<186x128xf32> -> vector<250x128xf32>
    %broadcast_in_dim3A_187 = arith.constant -1 : i32
    %broadcast_in_dim3A_188 = vector.broadcast %broadcast_in_dim3A_187 : i32 to vector<64x1xi32>
    %slice3A_189 = vector.extract_strided_slice %squeeze3A_104 {offsets = [0, 0], sizes = [186, 1], strides = [1, 1]} : vector<250x1xi32> to vector<186x1xi32>
    %concatenate3A_190 = tpu.concatenate %broadcast_in_dim3A_188, %slice3A_189 in 0 : vector<64x1xi32>, vector<186x1xi32> -> vector<250x1xi32>
    %eq3A_191 = arith.cmpi eq, %concatenate3A_190, %squeeze3A_104 : vector<250x1xi32>
    %max3A_192 = arith.maximumf %select_n3A_182, %concatenate3A_186 : vector<250x128xf32>
    %broadcast_in_dim3A_193 = vector.shape_cast %eq3A_191 : vector<250x1xi1> to vector<250x1xi1>
    %broadcast_in_dim3A_194 = vector.broadcast %broadcast_in_dim3A_193 : vector<250x1xi1> to vector<250x128xi1>
    %select_n3A_195 = arith.select %broadcast_in_dim3A_194, %max3A_192, %select_n3A_182 : vector<250x128xi1>, vector<250x128xf32>
    %broadcast_in_dim3A_196 = arith.constant -1.000000e+30 : f32
    %broadcast_in_dim3A_197 = vector.broadcast %broadcast_in_dim3A_196 : f32 to vector<128x128xf32>
    %slice3A_198 = vector.extract_strided_slice %select_n3A_195 {offsets = [0, 0], sizes = [122, 128], strides = [1, 1]} : vector<250x128xf32> to vector<122x128xf32>
    %concatenate3A_199 = tpu.concatenate %broadcast_in_dim3A_197, %slice3A_198 in 0 : vector<128x128xf32>, vector<122x128xf32> -> vector<250x128xf32>
    %broadcast_in_dim3A_200 = arith.constant -1 : i32
    %broadcast_in_dim3A_201 = vector.broadcast %broadcast_in_dim3A_200 : i32 to vector<128x1xi32>
    %slice3A_202 = vector.extract_strided_slice %squeeze3A_104 {offsets = [0, 0], sizes = [122, 1], strides = [1, 1]} : vector<250x1xi32> to vector<122x1xi32>
    %concatenate3A_203 = tpu.concatenate %broadcast_in_dim3A_201, %slice3A_202 in 0 : vector<128x1xi32>, vector<122x1xi32> -> vector<250x1xi32>
    %eq3A_204 = arith.cmpi eq, %concatenate3A_203, %squeeze3A_104 : vector<250x1xi32>
    %max3A_205 = arith.maximumf %select_n3A_195, %concatenate3A_199 : vector<250x128xf32>
    %broadcast_in_dim3A_206 = vector.shape_cast %eq3A_204 : vector<250x1xi1> to vector<250x1xi1>
    %broadcast_in_dim3A_207 = vector.broadcast %broadcast_in_dim3A_206 : vector<250x1xi1> to vector<250x128xi1>
    %select_n3A_208 = arith.select %broadcast_in_dim3A_207, %max3A_205, %select_n3A_195 : vector<250x128xi1>, vector<250x128xf32>
    %broadcast_in_dim3A_209 = arith.constant -1.000000e+30 : f32
    %broadcast_in_dim3A_210 = vector.broadcast %broadcast_in_dim3A_209 : f32 to vector<1x128xf32>
    %slice3A_211 = vector.extract_strided_slice %select_n3A_208 {offsets = [0, 0], sizes = [249, 128], strides = [1, 1]} : vector<250x128xf32> to vector<249x128xf32>
    %concatenate3A_212 = tpu.concatenate %broadcast_in_dim3A_210, %slice3A_211 in 0 : vector<1x128xf32>, vector<249x128xf32> -> vector<250x128xf32>
    %broadcast_in_dim3A_213 = arith.constant -1 : i32
    %broadcast_in_dim3A_214 = vector.broadcast %broadcast_in_dim3A_213 : i32 to vector<1x1xi32>
    %slice3A_215 = vector.extract_strided_slice %squeeze3A_104 {offsets = [0, 0], sizes = [249, 1], strides = [1, 1]} : vector<250x1xi32> to vector<249x1xi32>
    %concatenate3A_216 = tpu.concatenate %broadcast_in_dim3A_214, %slice3A_215 in 0 : vector<1x1xi32>, vector<249x1xi32> -> vector<250x1xi32>
    %broadcast_in_dim3A_217 = vector.shape_cast %concatenate3A_216 : vector<250x1xi32> to vector<250x1x1xi32>
    %eq3A_218 = vector.broadcast %broadcast_in_dim3A_217 : vector<250x1x1xi32> to vector<250x8x1xi32>
    %eq3A_219 = arith.cmpi eq, %reshape3A_61, %eq3A_218 : vector<250x8x1xi32>
    %broadcast_in_dim3A_220 = vector.shape_cast %concatenate3A_212 : vector<250x128xf32> to vector<250x1x128xf32>
    %max3A_221 = vector.broadcast %broadcast_in_dim3A_220 : vector<250x1x128xf32> to vector<250x8x128xf32>
    %max3A_222 = arith.maximumf %select_n3A_100, %max3A_221 : vector<250x8x128xf32>
    %broadcast_in_dim3A_223 = vector.shape_cast %eq3A_219 : vector<250x8x1xi1> to vector<250x8x1xi1>
    %broadcast_in_dim3A_224 = vector.broadcast %broadcast_in_dim3A_223 : vector<250x8x1xi1> to vector<250x8x128xi1>
    %select_n3A_225 = arith.select %broadcast_in_dim3A_224, %max3A_222, %select_n3A_100 : vector<250x8x128xi1>, vector<250x8x128xf32>
    %reshape3A_226 = vector.shape_cast %select_n3A_225 : vector<250x8x128xf32> to vector<2000x128xf32>
    %slice3A_227 = vector.extract_strided_slice %get3A_25 {offsets = [1, 0], sizes = [1999, 1], strides = [1, 1]} : vector<2000x1xi32> to vector<1999x1xi32>
    %broadcast_in_dim3A_228 = arith.constant -2 : i32
    %broadcast_in_dim3A_229 = vector.broadcast %broadcast_in_dim3A_228 : i32 to vector<1x1xi32>
    %concatenate3A_230 = tpu.concatenate %slice3A_227, %broadcast_in_dim3A_229 in 0 : vector<1999x1xi32>, vector<1x1xi32> -> vector<2000x1xi32>
    %ne3A = arith.cmpi ne, %get3A_25, %concatenate3A_230 : vector<2000x1xi32>
    %convert_element_type3A_231 = arith.extui %ne3A : vector<2000x1xi1> to vector<2000x1xi32>
    %convert_element_type3A_232 = arith.sitofp %convert_element_type3A_231 : vector<2000x1xi32> to vector<2000x1xf32>
    %mul3A_233 = vector.broadcast %convert_element_type3A_232 : vector<2000x1xf32> to vector<2000x128xf32>
    %mul3A_234 = arith.mulf %reshape3A_226, %mul3A_233 : vector<2000x128xf32>
    %dot_general3A_235 = arith.constant dense<0.000000e+00> : vector<64x128xf32>
    %dot_general3A_236 = tpu.matmul %convert_element_type3A_30, %mul3A_234, %dot_general3A_235 {dimension_numbers = #tpu.dot_dimension_numbers<[0], [0], [1], [1], [0, 1, 1, 1], [], []>, transpose_lhs_hint = false} : vector<2000x64xf32>, vector<2000x128xf32>, vector<64x128xf32> -> vector<64x128xf32>
    %dot_general3A_237 = arith.constant dense<0.000000e+00> : vector<64x1xf32>
    %dot_general3A_238 = tpu.matmul %convert_element_type3A_30, %convert_element_type3A_232, %dot_general3A_237 {dimension_numbers = #tpu.dot_dimension_numbers<[0], [0], [1], [1], [0, 1, 1, 1], [], []>, transpose_lhs_hint = false} : vector<2000x64xf32>, vector<2000x1xf32>, vector<64x1xf32> -> vector<64x1xf32>
    %gt3A_239 = arith.constant 0.000000e+00 : f32
    %gt3A_240 = vector.broadcast %gt3A_239 : f32 to vector<64x1xf32>
    %gt3A_241 = arith.cmpf ogt, %dot_general3A_238, %gt3A_240 : vector<64x1xf32>
    %get3A_242 = arith.constant 0 : index
    %get3A_243 = arith.constant 0 : index
    %get3A_244 = vector.load %arg14[%get3A_242, %get3A_243] : memref<64x128xf32, #tpu.memory_space<vmem>>, vector<64x128xf32>
    %max3A_245 = arith.maximumf %get3A_244, %dot_general3A_236 : vector<64x128xf32>
    %get3A_246 = arith.constant 0 : index
    %get3A_247 = arith.constant 0 : index
    %get3A_248 = vector.load %arg14[%get3A_246, %get3A_247] : memref<64x128xf32, #tpu.memory_space<vmem>>, vector<64x128xf32>
    %broadcast_in_dim3A_249 = vector.shape_cast %gt3A_241 : vector<64x1xi1> to vector<64x1xi1>
    %broadcast_in_dim3A_250 = vector.broadcast %broadcast_in_dim3A_249 : vector<64x1xi1> to vector<64x128xi1>
    %select_n3A_251 = arith.select %broadcast_in_dim3A_250, %max3A_245, %get3A_248 : vector<64x128xi1>, vector<64x128xf32>
    %swap3A_252 = arith.constant 0 : index
    %swap3A_253 = arith.constant 0 : index
    %swap3A_254 = vector.load %arg14[%swap3A_252, %swap3A_253] : memref<64x128xf32, #tpu.memory_space<vmem>>, vector<64x128xf32>
    tpu.vector_store %arg14[%swap3A_252, %swap3A_253], %select_n3A_251 {strides = array<i32>} : memref<64x128xf32, #tpu.memory_space<vmem>>, vector<64x128xf32>,
    %slice3A_255 = vector.extract_strided_slice %reshape3A_226 {offsets = [1999, 0], sizes = [1, 128], strides = [1, 1]} : vector<2000x128xf32> to vector<1x128xf32>
    %swap3A_256 = arith.constant 0 : index
    %swap3A_257 = arith.constant 0 : index
    %swap3A_258 = vector.load %arg16[%swap3A_256, %swap3A_257] : memref<1x128xf32, #tpu.memory_space<vmem>>, vector<1x128xf32>
    tpu.vector_store %arg16[%swap3A_256, %swap3A_257], %slice3A_255 {strides = array<i32>} : memref<1x128xf32, #tpu.memory_space<vmem>>, vector<1x128xf32>,
    %slice3A_259 = vector.extract_strided_slice %get3A_25 {offsets = [1999, 0], sizes = [1, 1], strides = [1, 1]} : vector<2000x1xi32> to vector<1x1xi32>
    %swap3A_260 = arith.constant 0 : index
    %swap3A_261 = arith.constant 0 : index
    %swap3A_262 = vector.load %arg17[%swap3A_260, %swap3A_261] : memref<1x1xi32, #tpu.memory_space<vmem>>, vector<1x1xi32>
    tpu.vector_store %arg17[%swap3A_260, %swap3A_261], %slice3A_259 {strides = array<i32>} : memref<1x1xi32, #tpu.memory_space<vmem>>, vector<1x1xi32>,
    %eq3A_263 = arith.constant 4 : i32
    %eq3A_264 = arith.cmpi eq, %arg0, %eq3A_263 : i32
    %convert_element_type3A_265 = arith.extui %eq3A_264 : i1 to i32
    %cond3A_266 = arith.constant 0 : i32
    %cond3A_267 = arith.cmpi ne, %convert_element_type3A_265, %cond3A_266 : i32
    scf.if %cond3A_267 {
      %get3A_268 = arith.constant 0 : index
      %get3A_269 = arith.constant 0 : index
      %get3A_270 = vector.load %arg15[%get3A_268, %get3A_269] : memref<64x1xf32, #tpu.memory_space<vmem>>, vector<64x1xf32>
      %get3A_271 = arith.constant 0 : index
      %get3A_272 = arith.constant 0 : index
      %get3A_273 = vector.load %arg13[%get3A_271, %get3A_272] : memref<64x128xf32, #tpu.memory_space<vmem>>, vector<64x128xf32>
      %max3A_274 = arith.constant 1.000000e+00 : f32
      %max3A_275 = vector.broadcast %max3A_274 : f32 to vector<64x1xf32>
      %max3A_276 = arith.maximumf %get3A_270, %max3A_275 : vector<64x1xf32>
      %div3A = vector.broadcast %max3A_276 : vector<64x1xf32> to vector<64x128xf32>
      %div3A_277 = arith.divf %get3A_273, %div3A : vector<64x128xf32>
      %gt3A_278 = arith.constant 0.000000e+00 : f32
      %gt3A_279 = vector.broadcast %gt3A_278 : f32 to vector<64x1xf32>
      %gt3A_280 = arith.cmpf ogt, %get3A_270, %gt3A_279 : vector<64x1xf32>
      %get3A_281 = arith.constant 0 : index
      %get3A_282 = arith.constant 0 : index
      %get3A_283 = vector.load %arg14[%get3A_281, %get3A_282] : memref<64x128xf32, #tpu.memory_space<vmem>>, vector<64x128xf32>
      %jit3A = arith.constant 0.000000e+00 : f32
      %broadcast_in_dim3A_284 = vector.shape_cast %gt3A_280 : vector<64x1xi1> to vector<64x1xi1>
      %broadcast_in_dim3A_285 = vector.broadcast %broadcast_in_dim3A_284 : vector<64x1xi1> to vector<64x128xi1>
      %broadcast_in_dim3A_286 = vector.broadcast %jit3A : f32 to vector<64x128xf32>
      %select_n3A_287 = arith.select %broadcast_in_dim3A_285, %get3A_283, %broadcast_in_dim3A_286 : vector<64x128xi1>, vector<64x128xf32>
      %get3A_288 = arith.constant 0 : index
      %get3A_289 = arith.constant 0 : index
      %get3A_290 = vector.load %arg13[%get3A_288, %get3A_289] : memref<64x128xf32, #tpu.memory_space<vmem>>, vector<64x128xf32>
      %concatenate3A_291 = tpu.concatenate %div3A_277, %select_n3A_287, %get3A_290 in 1 : vector<64x128xf32>, vector<64x128xf32>, vector<64x128xf32> -> vector<64x384xf32>
      %get3A_292 = arith.constant 0 : index
      %get3A_293 = arith.constant 0 : index
      %get3A_294 = vector.load %arg6[%get3A_292, %get3A_293] : memref<384x256xf32, #tpu.memory_space<vmem>>, vector<384x256xf32>
      %dot_general3A_295 = arith.constant dense<0.000000e+00> : vector<64x256xf32>
      %dot_general3A_296 = tpu.matmul %concatenate3A_291, %get3A_294, %dot_general3A_295 {dimension_numbers = #tpu.dot_dimension_numbers<[1], [0], [0], [1], [0, 0, 1, 1], [], []>, transpose_lhs_hint = false} : vector<64x384xf32>, vector<384x256xf32>, vector<64x256xf32> -> vector<64x256xf32>
      %get3A_297 = arith.constant 0 : index
      %get3A_298 = arith.constant 0 : index
      %get3A_299 = vector.load %arg7[%get3A_297, %get3A_298] : memref<1x256xf32, #tpu.memory_space<vmem>>, vector<1x256xf32>
      %add3A_300 = vector.broadcast %get3A_299 : vector<1x256xf32> to vector<64x256xf32>
      %add3A_301 = arith.addf %dot_general3A_296, %add3A_300 : vector<64x256xf32>
      %gt3A_302 = arith.constant 0.000000e+00 : f32
      %gt3A_303 = vector.broadcast %gt3A_302 : f32 to vector<64x256xf32>
      %gt3A_304 = arith.cmpf ogt, %add3A_301, %gt3A_303 : vector<64x256xf32>
      %exp3A_305 = math.exp %add3A_301 : vector<64x256xf32>
      %sub3A_306 = arith.constant 1.000000e+00 : f32
      %sub3A_307 = vector.broadcast %sub3A_306 : f32 to vector<64x256xf32>
      %sub3A_308 = arith.subf %exp3A_305, %sub3A_307 : vector<64x256xf32>
      %select_n3A_309 = arith.select %gt3A_304, %add3A_301, %sub3A_308 : vector<64x256xi1>, vector<64x256xf32>
      %get3A_310 = arith.constant 0 : index
      %get3A_311 = arith.constant 0 : index
      %get3A_312 = vector.load %arg8[%get3A_310, %get3A_311] : memref<256x256xf32, #tpu.memory_space<vmem>>, vector<256x256xf32>
      %dot_general3A_313 = arith.constant dense<0.000000e+00> : vector<64x256xf32>
      %dot_general3A_314 = tpu.matmul %select_n3A_309, %get3A_312, %dot_general3A_313 {dimension_numbers = #tpu.dot_dimension_numbers<[1], [0], [0], [1], [0, 0, 1, 1], [], []>, transpose_lhs_hint = false} : vector<64x256xf32>, vector<256x256xf32>, vector<64x256xf32> -> vector<64x256xf32>
      %get3A_315 = arith.constant 0 : index
      %get3A_316 = arith.constant 0 : index
      %get3A_317 = vector.load %arg9[%get3A_315, %get3A_316] : memref<1x256xf32, #tpu.memory_space<vmem>>, vector<1x256xf32>
      %add3A_318 = vector.broadcast %get3A_317 : vector<1x256xf32> to vector<64x256xf32>
      %add3A_319 = arith.addf %dot_general3A_314, %add3A_318 : vector<64x256xf32>
      %gt3A_320 = arith.constant 0.000000e+00 : f32
      %gt3A_321 = vector.broadcast %gt3A_320 : f32 to vector<64x256xf32>
      %gt3A_322 = arith.cmpf ogt, %add3A_319, %gt3A_321 : vector<64x256xf32>
      %exp3A_323 = math.exp %add3A_319 : vector<64x256xf32>
      %sub3A_324 = arith.constant 1.000000e+00 : f32
      %sub3A_325 = vector.broadcast %sub3A_324 : f32 to vector<64x256xf32>
      %sub3A_326 = arith.subf %exp3A_323, %sub3A_325 : vector<64x256xf32>
      %select_n3A_327 = arith.select %gt3A_322, %add3A_319, %sub3A_326 : vector<64x256xi1>, vector<64x256xf32>
      %get3A_328 = arith.constant 0 : index
      %get3A_329 = arith.constant 0 : index
      %get3A_330 = vector.load %arg10[%get3A_328, %get3A_329] : memref<256x10xf32, #tpu.memory_space<vmem>>, vector<256x10xf32>
      %dot_general3A_331 = arith.constant dense<0.000000e+00> : vector<64x10xf32>
      %dot_general3A_332 = tpu.matmul %select_n3A_327, %get3A_330, %dot_general3A_331 {dimension_numbers = #tpu.dot_dimension_numbers<[1], [0], [0], [1], [0, 0, 1, 1], [], []>, transpose_lhs_hint = false} : vector<64x256xf32>, vector<256x10xf32>, vector<64x10xf32> -> vector<64x10xf32>
      %get3A_333 = arith.constant 0 : index
      %get3A_334 = arith.constant 0 : index
      %get3A_335 = vector.load %arg11[%get3A_333, %get3A_334] : memref<1x10xf32, #tpu.memory_space<vmem>>, vector<1x10xf32>
      %add3A_336 = vector.broadcast %get3A_335 : vector<1x10xf32> to vector<64x10xf32>
      %add3A_337 = arith.addf %dot_general3A_332, %add3A_336 : vector<64x10xf32>
      %swap3A_338 = arith.constant 0 : index
      %swap3A_339 = arith.constant 0 : index
      %swap3A_340 = vector.load %arg12[%swap3A_338, %swap3A_339] : memref<64x10xf32, #tpu.memory_space<vmem>>, vector<64x10xf32>
      tpu.vector_store %arg12[%swap3A_338, %swap3A_339], %add3A_337 {strides = array<i32>} : memref<64x10xf32, #tpu.memory_space<vmem>>, vector<64x10xf32>,
    } else {
    }
    return
  }
  func.func @transform_0(%arg0: i32) -> (i32, i32, i32) {
    %c0_i32 = arith.constant 0 : i32
    %c0_i32_0 = arith.constant 0 : i32
    %c0_i32_1 = arith.constant 0 : i32
    return %c0_i32, %arg0, %c0_i32_0 : i32, i32, i32
  }
  func.func @transform_1(%arg0: i32) -> (i32, i32) {
    %c0_i32 = arith.constant 0 : i32
    %c0_i32_0 = arith.constant 0 : i32
    return %arg0, %c0_i32 : i32, i32
  }
  func.func @transform_2(%arg0: i32) -> (i32, i32) {
    %c0_i32 = arith.constant 0 : i32
    %c0_i32_0 = arith.constant 0 : i32
    return %arg0, %c0_i32 : i32, i32
  }
  func.func @transform_3(%arg0: i32) -> (i32, i32) {
    %c0_i32 = arith.constant 0 : i32
    %c0_i32_0 = arith.constant 0 : i32
    %c0_i32_1 = arith.constant 0 : i32
    return %c0_i32, %c0_i32_0 : i32, i32
  }
  func.func @transform_4(%arg0: i32) -> (i32, i32) {
    %c0_i32 = arith.constant 0 : i32
    %c0_i32_0 = arith.constant 0 : i32
    %c0_i32_1 = arith.constant 0 : i32
    return %c0_i32, %c0_i32_0 : i32, i32
  }
  func.func @transform_5(%arg0: i32) -> (i32, i32) {
    %c0_i32 = arith.constant 0 : i32
    %c0_i32_0 = arith.constant 0 : i32
    %c0_i32_1 = arith.constant 0 : i32
    return %c0_i32, %c0_i32_0 : i32, i32
  }
  func.func @transform_6(%arg0: i32) -> (i32, i32) {
    %c0_i32 = arith.constant 0 : i32
    %c0_i32_0 = arith.constant 0 : i32
    %c0_i32_1 = arith.constant 0 : i32
    return %c0_i32, %c0_i32_0 : i32, i32
  }
  func.func @transform_7(%arg0: i32) -> (i32, i32) {
    %c0_i32 = arith.constant 0 : i32
    %c0_i32_0 = arith.constant 0 : i32
    %c0_i32_1 = arith.constant 0 : i32
    return %c0_i32, %c0_i32_0 : i32, i32
  }
  func.func @transform_8(%arg0: i32) -> (i32, i32) {
    %c0_i32 = arith.constant 0 : i32
    %c0_i32_0 = arith.constant 0 : i32
    %c0_i32_1 = arith.constant 0 : i32
    return %c0_i32, %c0_i32_0 : i32, i32
  }
  func.func @transform_9(%arg0: i32) -> (i32, i32) {
    %c0_i32 = arith.constant 0 : i32
    %c0_i32_0 = arith.constant 0 : i32
    %c0_i32_1 = arith.constant 0 : i32
    return %c0_i32, %c0_i32_0 : i32, i32
  }
  func.func @transform_10(%arg0: i32) -> (i32, i32) {
    %c0_i32 = arith.constant 0 : i32
    %c0_i32_0 = arith.constant 0 : i32
    %c0_i32_1 = arith.constant 0 : i32
    return %c0_i32, %c0_i32_0 : i32, i32
  }
  func.func @transform_11(%arg0: i32) -> (i32, i32) {
    %c0_i32 = arith.constant 0 : i32
    %c0_i32_0 = arith.constant 0 : i32
    %c0_i32_1 = arith.constant 0 : i32
    return %c0_i32, %c0_i32_0 : i32, i32
  }
}

</mosaic_0001>

<sc_bundles>
// kernel: kernel.6.cloned.1.call-start
scs
__scs_entry_jumppad:
0x0: {  	(pc) =	sbr.rel $0x88, $3  }
0x1: {  	(tag) =	ssettag $0x0;
	lr =	simm.s32 $0x1  }
0x2: {  	[smem:$0x3F96] =	sst lr;
	_ =	strace $0xD0000000  }
0x3: {  	_ = 	snop  }
0x4: {  	_ = 	snop  }
0x5: {  	_ = 	snop  }
0x6: {  	_ = 	snop  }
0x7: {  	_ = 	snop  }
__scs_overlays_trampoline_lowered:
0x8: {  	[smem:$0x3FA5] =	sst s0  }
0x9: {  	[smem:$0x3FA6] =	sst s1  }
0xa: {  	[smem:$0x3FA7] =	sst s2  }
0xb: {  	[smem:$0x3FA8] =	sst s3  }
0xc: {  	[smem:$0x3FA9] =	sst s4  }
0xd: {  	[smem:$0x3FAA] =	sst s5  }
0xe: {  	[smem:$0x3FAB] =	sst s6  }
0xf: {  	[smem:$0x3FAC] =	sst s7  }
0x10: {  	[smem:$0x3FAD] =	sst s8  }
0x11: {  	[smem:$0x3FAE] =	sst s9;
	s0 =	simm.s32 @!p0 $0x0  }
0x12: {  	s1 =	sld [smem:$0x3F94];
	s0 =	simm.s32 @p0 $0x1  }
0x13: {  	[smem:$0x3FAF] =	sst s0;
	s0 =	simm.s32 @!p1 $0x0  }
0x14: {  	s2 =	sld [smem:$0x3F93];
	s0 =	simm.s32 @p1 $0x1  }
0x15: {  	[smem:$0x3FB0] =	sst s0;
	s0 =	simm.s32 @!p2 $0x0  }
0x16: {  	s3 =	sld [smem:$0x3FDB];
	s0 =	simm.s32 @p2 $0x1  }
0x17: {  	s4 =	simm.s32 $0x1BF5;
	[smem:$0x3FB2] =	sst s0  }
0x18: {  	s0 =	sld [smem:$0x3F95];
	_ =	swait.ge [sflag:s4], $0x0  }
0x19: {  	s7 =	sld [smem:$0x3F96]  }
0x1a: {  	s8 =	sadd.s32 $0xFFFFE003, lr  }
0x1b: {  	s9 =	sadd.s32 $0xFFFFFEF7, lr;
	s5 =	simm.s32 $0xFFFFFFFF;
	p2 =	slt.u32 s8, $0xFFFFF086  }
0x1c: {  	p1 =	slt.u32 s9, $0xF7A;
	s5 =	simm.s32 @!p2 $0x0  }
0x1d: {  	s5 =	simm.s32 @p1 $0x1;
	p0 =	seq.s32 s7, s2  }
0x1e: {  	s7 =	smul.u32 @!p0 $0xF7A, s2;
	p2 =	seq.s32 @!p0 s5, $0x0  }
0x1f: {  	s9 =	smul.u32 $0xF7A, s1;
	s8 =	simm.s32 @!p0 $0x1BF5;
	p2 =	por !p2, p0  }
0x20: {  	[sflag:s8] =	ssyncset.s32 @!p0 $0xFFFFF086;
	s6 =	sadd.s32 @!p0 s3, s7;
	s7 =	simm.s32 @!p0 $0x108  }
0x21: {  	s3 =	sadd.s32 s3, s9;
	s6 =	sadd.s32 @!p0 $0x88, s6;
	s7 =	simm.s32 @p2 $0x1082  }
0x22: {  	[simem:s7], [sflag:s8] =	dma.local @!p0 [hbm:s6], $0xF7A  }
0x23: {  	s9 =	sor.u32 $0xD0000000, s2;
	s6 =	simm.s32 $0x108;
	_ =	swait.ge @!p0 [sflag:s8], $0x0  }
0x24: {  	s3 =	sadd.s32 $0x88, s3;
	s6 =	simm.s32 @!p1 $0x1082;
	[sflag:s4] =	ssyncset.s32 $0xFFFFF086  }
0x25: {  	[simem:s6], [sflag:s4] =	dma.local [hbm:s3], $0xF7A  }
0x26: {  	[smem:$0x3F96] =	sst s1;
	(tag) =	ssettag s2;
	_ =	strace s9  }
0x27: {  	s1 =	sld [smem:$0x3FA6]  }
0x28: {  	s2 =	sld [smem:$0x3FA7]  }
0x29: {  	s4 =	sld [smem:$0x3FA9]  }
0x2a: {  	p0 =	seq.s32 s5, $0x0;
	s5 =	sld [smem:$0x3FAA]  }
0x2b: {  	s6 =	sld [smem:$0x3FAB]  }
0x2c: {  	s7 =	sld [smem:$0x3FAC]  }
0x2d: {  	s3 =	simm.s32 $0x108;
	s8 =	sld [smem:$0x3FAD]  }
0x2e: {  	s3 =	simm.s32 @!p0 $0x1082;
	s9 =	sld [smem:$0x3FAE]  }
0x2f: {  	lr =	sadd.s32 s0, s3;
	s0 =	sld [smem:$0x3FA5]  }
0x30: {  	s3 =	sld [smem:$0x3FA8]  }
0x31: {  	[smem:$0x3FB1] =	sst s10  }
0x32: {  	s10 =	sld [smem:$0x3FAF];
	_ =	sdelay $0x3  }
0x33: {  	p0 =	seq.s32 s10, $0x1;
	s10 =	sld [smem:$0x3FB1];
	_ =	sdelay $0x3  }
0x34: {  	[smem:$0x3FB1] =	sst s10  }
0x35: {  	s10 =	sld [smem:$0x3FB0];
	_ =	sdelay $0x3  }
0x36: {  	p1 =	seq.s32 s10, $0x1;
	s10 =	sld [smem:$0x3FB1];
	_ =	sdelay $0x3  }
0x37: {  	[smem:$0x3FB1] =	sst s10  }
0x38: {  	s10 =	sld [smem:$0x3FB2]  }
0x39: {  	_ = 	snop;
	(pc) =	sbr.ind lr, $3  }
0x3a: {  	_ = 	snop  }
0x3b: {  	_ = 	snop  }
0x3c: {  	p2 =	seq.s32 s10, $0x1;
	s10 =	sld [smem:$0x3FB1]  }
0x3d: {  	_ =	shalt  }
0x3e: {  	_ =	shalt  }
0x3f: {  	_ =	shalt  }
0x40: {  	_ =	shalt  }
0x41: {  	_ =	shalt  }
0x42: {  	_ =	shalt  }
0x43: {  	_ =	shalt  }
0x44: {  	_ =	shalt  }
0x45: {  	_ =	shalt  }
0x46: {  	_ =	shalt  }
0x47: {  	_ =	shalt  }
0x48: {  	_ =	shalt  }
0x49: {  	_ =	shalt  }
0x4a: {  	_ =	shalt  }
0x4b: {  	_ =	shalt  }
0x4c: {  	_ =	shalt  }
0x4d: {  	_ =	shalt  }
0x4e: {  	_ =	shalt  }
0x4f: {  	_ =	shalt  }
0x50: {  	_ =	shalt  }
0x51: {  	_ =	shalt  }
0x52: {  	_ =	shalt  }
0x53: {  	_ =	shalt  }
0x54: {  	_ =	shalt  }
0x55: {  	_ =	shalt  }
0x56: {  	_ =	shalt  }
0x57: {  	_ =	shalt  }
0x58: {  	_ =	shalt  }
0x59: {  	_ =	shalt  }
0x5a: {  	_ =	shalt  }
0x5b: {  	_ =	shalt  }
0x5c: {  	_ =	shalt  }
0x5d: {  	_ =	shalt  }
0x5e: {  	_ =	shalt  }
0x5f: {  	_ =	shalt  }
0x60: {  	_ =	shalt  }
0x61: {  	_ =	shalt  }
0x62: {  	_ =	shalt  }
0x63: {  	_ =	shalt  }
0x64: {  	_ =	shalt  }
0x65: {  	_ =	shalt  }
0x66: {  	_ =	shalt  }
0x67: {  	_ =	shalt  }
0x68: {  	_ =	shalt  }
0x69: {  	_ =	shalt  }
0x6a: {  	_ =	shalt  }
0x6b: {  	_ =	shalt  }
0x6c: {  	_ =	shalt  }
0x6d: {  	_ =	shalt  }
0x6e: {  	_ =	shalt  }
0x6f: {  	_ =	shalt  }
0x70: {  	_ =	shalt  }
0x71: {  	_ =	shalt  }
0x72: {  	_ =	shalt  }
0x73: {  	_ =	shalt  }
0x74: {  	_ =	shalt  }
0x75: {  	_ =	shalt  }
0x76: {  	_ =	shalt  }
0x77: {  	_ =	shalt  }
0x78: {  	_ =	shalt  }
0x79: {  	_ =	shalt  }
0x7a: {  	_ =	shalt  }
0x7b: {  	_ =	shalt  }
0x7c: {  	_ =	shalt  }
0x7d: {  	_ =	shalt  }
0x7e: {  	_ =	shalt  }
0x7f: {  	_ =	shalt  }
0x80: {  	_ =	shalt  }
0x81: {  	_ =	shalt  }
0x82: {  	_ =	shalt  }
0x83: {  	_ =	shalt  }
0x84: {  	_ =	shalt  }
0x85: {  	_ =	shalt  }
0x86: {  	_ =	shalt  }
0x87: {  	_ =	shalt  }
.Lfunc_end0:
.L_simem_size_0:
called_computation_lowered:
.L_overlay_start_0:
0x88: {  	s2 =	sld [smem:$0x3FD9]  }
0x89: {  	s3 =	sld [smem:$0x3FFE];
	_ =	sdelay $0x1  }
0x8a: {  	s1 =	srdreg.scid  }
0x8b: {  	s0 =	sand.u32 $0x1, s1  }
0x8c: {  	s17 =	sshll.u32 s0, $0xA;
	s2 =	sadd.s32 s3, s2  }
0x8d: {  	s2 =	sadd.s32 s2, s17  }
0x8e: {  	[smem:$0x3FBD] =	sst s2  }
0x8f: {  	_ = 	snop  }
0x90: {  	s2 =	sld [smem:$0x3FD0];
	(tm) =	ssettm $0x1  }
0x91: {  	s18 =	sld [smem:$0x3FFB];
	_ =	sdelay $0x3  }
0x92: {  	_ =	strace s18  }
0x93: {  	s3 =	sld [smem:$0x3FFC];
	_ =	sdelay $0x3  }
0x94: {  	_ =	strace s3  }
0x95: {  	s3 =	sld [smem:$0x3FFD];
	_ =	sdelay $0x3  }
0x96: {  	_ =	strace s3  }
0x97: {  	_ =	strace $0x8FFFFFFF  }
0x98: {  	s19 =	sld [smem:$0x3FDB];
	_ =	sdelay $0x1  }
0x99: {  	s4 =	simm.s32 $_scs_section_size  }
0x9a: {  	s5 =	simm.s32 $_size__tile_overlayer_lowered;
	s6 =	simm.s32 $_tile_overlayer_lowered  }
0x9b: {  	s22 =	simm.s32 $0x1BFF;
	s21 =	sshll.u32 s6, $0x1;
	s3 =	sadd.s32 s4, s19  }
0x9c: {  	s7 =	simm.s32 $0x0;
	s20 =	sshll.u32 s5, $0x1;
	s5 =	sadd.s32 s21, s3  }
0x9d: {  	[timem:s7], [sflag:s22] =	dma.local [hbm:s5], s20  }
0x9e: {  	_ =	swait.ge [sflag:s22], s20  }
0x9f: {  	s4 =	ssub.s32 $0x0, s20;
	[sflag:s22] =	ssyncset.done $0x0  }
0xa0: {  	[sflag:s22] =	ssyncadd.s32 s4;
	_ =	sdelay $0x1  }
0xa1: {  	s23 =	simm.s32 $0x1B8B  }
0xa2: {  	_ =	swait.ge [sflag:s23], $0x1  }
0xa3: {  	[sflag:s23] =	ssyncset.done $0x0  }
0xa4: {  	s25 =	simm.s32 $0x1B8E;
	s24 =	sld [smem:$0x3FFE];
	[sflag:s23] =	ssyncadd.s32 $0xFFFFFFFF  }
0xa5: {  	s26 =	simm.s32 $execute0_lowered;
	[smem:$0x3FD2] =	sst s25  }
0xa6: {  	s5 =	sshll.u32 s26, $0x1;
	_ =	strace $0x80000046;
	[dreg:$0x1] =	wrdreg $0xFFFFFFFF  }
0xa7: {  	s28 =	simm.s32 $_size_execute0_lowered;
	s3 =	sadd.s32 s3, s5;
	[dreg:$0x0] =	wrdreg $0x0  }
0xa8: {  	s5 =	sshll.u32 s28, $0x1;
	[dreg:$0x2] =	wrdreg s3  }
0xa9: {  	[dreg:$0x3] =	wrdreg s5  }
0xaa: {  	[dreg:$0x4] =	wrdreg $0xC0  }
0xab: {  	_ =	task [dreg:s7], $0x5FFFF  }
0xac: {  	[dreg:$0x1] =	wrdreg $0xFFFFFFFF  }
0xad: {  	[dreg:$0x0] =	wrdreg $0x60  }
0xae: {  	[dreg:$0x2] =	wrdreg s24  }
0xaf: {  	[dreg:$0x3] =	wrdreg s2  }
0xb0: {  	[dreg:$0x4] =	wrdreg $0x76600  }
0xb1: {  	[dreg:$0x5] =	wrdreg $0x9  }
0xb2: {  	_ =	task.clear_ibuf [dreg:s7], $0x6FFFF;
	_ =	strace $0x90000046  }
0xb3: {  	s29 =	simm.s32 $0x9;
	_ =	strace $0x80000048  }
0xb4: {  	_ =	swait.ge [sflag:s29], $0x1  }
0xb5: {  	[sflag:s29] =	ssyncadd.s32 $0xFFFFFFFF  }
0xb6: {  	_ =	strace $0x90000048  }
0xb7: {  	_ =	sfence  }
0xb8: {  	s30 =	sld [smem:$0x0];
	_ =	sdelay $0x2  }
0xb9: {  	s31 =	sshll.u32 s1, $0xD;
	s1 =	sshrl.u32 s1, $0x2  }
0xba: {  	s3 =	sand.u32 $0x4000, s31;
	s1 =	sadd.s32 s1, s30  }
0xbb: {  	s0 =	sor.u32 s3, s0;
	s1 =	sshll.u32 s1, $0x11  }
0xbc: {  	s0 =	sor.u32 s1, s0  }
0xbd: {  	s0 =	sadd.s32 $0x8F2B, s0  }
0xbe: {  	[sflag:s0] =	ssyncadd.remote.s32 $0x1  }
0xbf: {  	_ =	sfence.sel $0xFFFF  }
0xc0: {  	[dreg:$0x0] =	wrdreg $0xFFFFFFFF;
	(pc) =	sbr.abs _section_cstart, $3  }
0xc1: {  	[dreg:$0x1] =	wrdreg $0xFFFFFFFF  }
0xc2: {  	_ =	task.clear_ibuf [dreg:s7], $0x2FFFF;
	_ =	strace $0x9FFFFFFF  }
0xc3: {  	(tm) =	ssettm $0x7FFFFFFF  }
tec
execute0_lowered:
.L_overlay_start_1:
0x0: {  	(tag) =	ssettag $0x1  }
0x1: {  	s4 =	rddreg [dreg:$0x0]  }
0x2: {  	s0 =	srdreg.scid;
	s1 =	rddreg [dreg:$0x1]  }
0x3: {  	s7 =	stileid.u32;
	s2 =	rddreg [dreg:$0x2]  }
0x4: {  	s3 =	simm.s32 $0x0;
	s10 =	simm.s32 $0x4F;
	s11 =	simm.s32 $0x4EE0  }
0x5: {  	s5 =	sand.u32 $0x1, s0;
	s31 =	sshll.u32 s7, $0x1;
	s0 =	rddreg [dreg:$0x3]  }
0x6: {  	[smem:$0x7FF] =	sst s3;
	p0 =	sne.s32 s7, $0x0;
	s7 =	simm.s32 $0x1  }
0x7: {  	s6 =	sor.u32 s5, s31;
	s8 =	smul.u32 $0x4F0, s5;
	s5 =	ssub.s32 $0x2, s5  }
0x8: {  	_ =	strace $0x80000047;
	s6 =	smul.u32 $0x4E2, s6;
	s9 =	sshrl.u32 s5, $0x1  }
0x9: {  	s12 =	sshrl.u32 @!p0 s2, $0x3;
	s8 =	sadd.s32 s8, s4;
	s9 =	ssub.s32 s5, s9  }
0xa: {  	s6 =	sadd.s32 s6, s4;
	s5 =	sadd.s32 $0xBC00, s8;
	s8 =	simm.s32 $0x2710  }
0xb: {  	v0 =	vimm.f32 $0.0e+00;
	v1 =	vimm.f32 $1.000000000e+00;
	s4 =	sadd.s32 $0x1E00, s6;
	s6 =	smax.u32 s9, $0x1;
	s9 =	simm.s32 $0x2760  }
.LBB2_1:
0xc: {  	s13 =	simm.s32 $0x0  }
.LBB2_2:
0xd: {  	p1 =	sne.s32 s13, $0x9DC0  }
.Ltmp0:
0xe: {  	_ = 	snop;
	(pc) =	sbr.rel @p1 .LBB2_2-.Ltmp0, $3  }
0xf: {  	_ =	sdelay $0x1  }
0x10: {  	s14 =	sshra.s32 s13, $0x2  }
0x11: {  	s13 =	sadd.s32 $0x40, s13;
	[tilespmem:s14+$0x2760] =	vst v0  }
0x12: {  	s13 =	simm.s32 $0x0;
	s14 =	simm.s32 $0x200  }
.LBB2_4:
0x13: {  	p1 =	sne.s32 s14, $0x9C00;
	[tilespmem:s13+$0x4F50] =	vst v0  }
0x14: {  	[tilespmem:s13+$0x4EE0] =	vst v0  }
0x15: {  	[tilespmem:s13+$0x4EF0] =	vst v0  }
.Ltmp1:
0x16: {  	[tilespmem:s13+$0x4F00] =	vst v0;
	(pc) =	sbr.rel @p1 .LBB2_4-.Ltmp1, $4  }
0x17: {  	[tilespmem:s13+$0x4F10] =	vst v0  }
0x18: {  	[tilespmem:s13+$0x4F20] =	vst v0  }
0x19: {  	[tilespmem:s13+$0x4F30] =	vst v0  }
0x1a: {  	[tilespmem:s13+$0x4F40] =	vst v0;
	s13 =	sshra.s32 s14, $0x2;
	s14 =	sadd.s32 $0x200, s14  }
0x1b: {  	[tilespmem:s13+$0x4F50] =	vst v0  }
0x1c: {  	[tilespmem:s13+$0x4EE0] =	vst v0  }
0x1d: {  	[tilespmem:s13+$0x4EF0] =	vst v0  }
0x1e: {  	[tilespmem:s13+$0x4F00] =	vst v0  }
0x1f: {  	[tilespmem:s13+$0x4F10] =	vst v0  }
0x20: {  	[tilespmem:s13+$0x4F20] =	vst v0  }
0x21: {  	[tilespmem:s13+$0x4F30] =	vst v0  }
0x22: {  	[tilespmem:s13+$0x4F40] =	vst v0;
	s13 =	simm.s32 @!p0 $0x4EE0  }
0x23: {  	[spmem:s2] =	stream.linear.scatter @!p0 [tilespmem:s13], [sflag:$0x1], $0x2780, $0x38;
	[tilespmem:$0x78D8] =	vst v63  }
0x24: {  	s13 =	simm.s32 @!p0 $0x1  }
0x25: {  	_ =	swait.ge @!p0 [sflag:s13], $0x2780  }
0x26: {  	[sflag:s13] =	ssyncset.done @!p0 $0x0  }
0x27: {  	[sflag:s13] =	ssyncadd.s32 @!p0 $0xFFFFD880  }
0x28: {  	s31 =	simm.s32 $0x0;
	[bflag:$0x0] =	sbarrier.arrive $0xFFFF  }
0x29: {  	[tilespmem:s31], [sflag:$0x1] =	stream.linear.gather [hbm4b:s4+s31], $0x2710, $0x38;
	[tilespmem:$0x78D8] =	vst v63  }
0x2a: {  	_ =	swait.ge [sflag:s7], $0x2710  }
0x2b: {  	[sflag:s7] =	ssyncset.done $0x0  }
0x2c: {  	[sflag:s7] =	ssyncadd.s32 $0xFFFFD8F0  }
0x2d: {  	[tilespmem:s8], [sflag:$0x1] =	stream.linear.gather [hbm4b:s1+s31], $0x50, $0x38;
	[tilespmem:$0x78D8] =	vst v63  }
0x2e: {  	_ =	swait.ge [sflag:s7], $0x50  }
0x2f: {  	[sflag:s7] =	ssyncset.done $0x0  }
0x30: {  	s14 =	simm.s32 $0x0;
	s13 =	simm.s32 $0x40;
	[sflag:s7] =	ssyncadd.s32 $0xFFFFFFB0  }
.LBB2_6:
0x31: {  	p1 =	sne.s32 s13, $0x9C00;
	v2 =	vld [tilespmem:s14+$0x0];
	_ =	sdelay $0x3  }
.Ltmp2:
0x32: {  	(pc) =	sbr.rel @p1 .LBB2_6-.Ltmp2, $2  }
0x33: {  	_ =	sdelay $0x2  }
0x34: {  	s14 =	sshra.s32 s13, $0x2;
	s13 =	sadd.s32 $0x40, s13;
	[tilespmem:v2+s9+$0x0] =	vst.idx.add.f32.msk $0xffff, v1  }
0x35: {  	v2 =	vld [tilespmem:s14+$0x0];
	_ =	sdelay $0x7  }
0x36: {  	s13 =	simm.s32 $0x0;
	[tilespmem:v2+s9+$0x0] =	vst.idx.add.f32.msk $0xffff, v1  }
0x37: {  	v5 =	vld [tilespmem:s13+$0x27D0]  }
0x38: {  	v6 =	vld [tilespmem:s13+$0x2760]  }
0x39: {  	v7 =	vld [tilespmem:s13+$0x2770]  }
0x3a: {  	v4 =	vld [tilespmem:s13+$0x2780]  }
0x3b: {  	v2 =	vld [tilespmem:s13+$0x2790]  }
0x3c: {  	v3 =	vld [tilespmem:s13+$0x27A0];
	[tilespmem:s13+$0x4F50] =	vst v5  }
0x3d: {  	[tilespmem:s13+$0x4EE0] =	vst v6;
	v5 =	vld [tilespmem:s13+$0x27B0]  }
0x3e: {  	s14 =	simm.s32 $0x80;
	s15 =	simm.s32 $0x400;
	[tilespmem:s13+$0x4EF0] =	vst v7;
	v6 =	vld [tilespmem:s13+$0x27C0]  }
.LBB2_8:
0x3f: {  	p1 =	sne.s32 s15, $0x9C00;
	v7 =	vld [tilespmem:s14+$0x27D0];
	[tilespmem:s13+$0x4F00] =	vst v4  }
0x40: {  	v8 =	vld [tilespmem:s14+$0x2760];
	[tilespmem:s13+$0x4F10] =	vst v2  }
0x41: {  	v9 =	vld [tilespmem:s14+$0x2770];
	[tilespmem:s13+$0x4F20] =	vst v3  }
.Ltmp3:
0x42: {  	v4 =	vld [tilespmem:s14+$0x2780];
	[tilespmem:s13+$0x4F30] =	vst v5;
	(pc) =	sbr.rel @p1 .LBB2_8-.Ltmp3, $4  }
0x43: {  	v2 =	vld [tilespmem:s14+$0x2790];
	[tilespmem:s13+$0x4F40] =	vst v6;
	s13 =	smov.u32 s14  }
0x44: {  	v3 =	vld [tilespmem:s13+$0x27A0];
	[tilespmem:s13+$0x4F50] =	vst v7  }
0x45: {  	[tilespmem:s13+$0x4EE0] =	vst v8;
	v5 =	vld [tilespmem:s13+$0x27B0]  }
0x46: {  	s14 =	sshra.s32 s15, $0x2;
	s15 =	sadd.s32 $0x200, s15;
	[tilespmem:s13+$0x4EF0] =	vst v9;
	v6 =	vld [tilespmem:s13+$0x27C0]  }
0x47: {  	v7 =	vld [tilespmem:s14+$0x27D0];
	[tilespmem:s13+$0x4F00] =	vst v4  }
0x48: {  	v4 =	vld [tilespmem:s14+$0x2760];
	[tilespmem:s13+$0x4F10] =	vst v2  }
0x49: {  	v2 =	vld [tilespmem:s14+$0x2770];
	[tilespmem:s13+$0x4F20] =	vst v3  }
0x4a: {  	v3 =	vld [tilespmem:s14+$0x2780];
	[tilespmem:s13+$0x4F30] =	vst v5  }
0x4b: {  	v5 =	vld [tilespmem:s14+$0x2790];
	[tilespmem:s13+$0x4F40] =	vst v6  }
0x4c: {  	v6 =	vld [tilespmem:s14+$0x27A0];
	[tilespmem:s14+$0x4F50] =	vst v7  }
0x4d: {  	v63 =	vld [tilespmem:s14+$0x27B0];
	[tilespmem:s14+$0x4EE0] =	vst v4  }
0x4e: {  	[tilespmem:s14+$0x4EF0] =	vst v2;
	v2 =	vld [tilespmem:s14+$0x27C0]  }
0x4f: {  	[tilespmem:s14+$0x4F00] =	vst v3  }
0x50: {  	[tilespmem:s14+$0x4F10] =	vst v5  }
0x51: {  	[tilespmem:s14+$0x4F20] =	vst v6  }
0x52: {  	[tilespmem:s14+$0x4F30] =	vst v63  }
0x53: {  	[tilespmem:s14+$0x4F40] =	vst v2  }
0x54: {  	[spmem:s2] =	stream.indirect.scatter.add.f32 [tilespmem:s11], [sflag:$0x1], $0x80, s8, s10, $0xb8;
	[tilespmem:$0x78D8] =	vst v63  }
0x55: {  	_ =	swait.ge [sflag:s7], $0x2780  }
0x56: {  	[sflag:s7] =	ssyncset.done $0x0  }
0x57: {  	s3 =	sadd.s32 $0x1, s3;
	[sflag:s7] =	ssyncadd.s32 $0xFFFFD880  }
0x58: {  	p1 =	sne.s32 s3, s6;
	s13 =	simm.s32 @!p0 $0x1C01;
	[bflag:$0x0] =	sbarrier.arrive $0xFFFF  }
0x59: {  	[hbm:s5], [sflag:s13] =	dma.local @!p0 [spmem:s12], $0x4F0  }
.Ltmp4:
0x5a: {  	_ = 	snop;
	(pc) =	sbr.rel @p1 .LBB2_1-.Ltmp4, $4  }
0x5b: {  	s13 =	simm.s32 @!p0 $0x1  }
0x5c: {  	_ =	swait.ge @!p0 [sflag:s13], $0x4F0  }
0x5d: {  	[sflag:s13] =	ssyncset.done @!p0 $0x0  }
0x5e: {  	[sflag:s13] =	ssyncadd.s32 @!p0 $0xFFFFFB10  }
0x5f: {  	_ =	sfence.sel $0x180000  }
0x60: {  	[bflag:$0x0] =	sbarrier.arrive $0xFFFF  }
0x61: {  	_ =	strace $0x90000047  }
0x62: {  	s0 =	sadd.s32 @!p0 $0x100000, s0;
	[bflag:$0x2] =	sbarrier.arrive $0xFFFF  }
0x63: {  	[sflag:s0] =	ssyncadd.tile.s32 @!p0 $0x1;
	_ =	shalt  }
.Lfunc_end2:
_tile_overlayer_lowered:
.L_overlay_start_2:
0x64: {  	(tag) =	ssettag $0x2  }
0x65: {  	s0 =	rddreg [dreg:$0x0];
	s2 =	stileid.u32  }
0x66: {  	s1 =	rddreg [dreg:$0x1];
	p0 =	sne.s32 s2, $0x0  }
0x67: {  	s3 =	rddreg [dreg:$0x2];
	[bflag:$0x3] =	sbarrier.arrive $0xFFFF;
	s2 =	simm.s32 @!p0 $0x1C01  }
0x68: {  	[timem:s3], [sflag:s2] =	dma.local @!p0 [hbm:s0], s1  }
0x69: {  	s0 =	simm.s32 @!p0 $0x1  }
0x6a: {  	_ =	swait.ge @!p0 [sflag:s0], s1  }
0x6b: {  	s1 =	ssub.s32 @!p0 $0x0, s1;
	[sflag:s0] =	ssyncset.done @!p0 $0x0  }
0x6c: {  	[sflag:s0] =	ssyncadd.s32 @!p0 s1  }
0x6d: {  	[bflag:$0x3] =	sbarrier.arrive $0xFFFF  }
0x6e: {  	_ =	shalt  }

// kernel: kernel.9.cloned.1.call-start
scs
__scs_entry_jumppad:
0x0: {  	(pc) =	sbr.rel $0x88, $3  }
0x1: {  	(tag) =	ssettag $0x0;
	lr =	simm.s32 $0x1  }
0x2: {  	[smem:$0x3F96] =	sst lr;
	_ =	strace $0xD0000000  }
0x3: {  	_ = 	snop  }
0x4: {  	_ = 	snop  }
0x5: {  	_ = 	snop  }
0x6: {  	_ = 	snop  }
0x7: {  	_ = 	snop  }
__scs_overlays_trampoline_lowered:
0x8: {  	[smem:$0x3FA5] =	sst s0  }
0x9: {  	[smem:$0x3FA6] =	sst s1  }
0xa: {  	[smem:$0x3FA7] =	sst s2  }
0xb: {  	[smem:$0x3FA8] =	sst s3  }
0xc: {  	[smem:$0x3FA9] =	sst s4  }
0xd: {  	[smem:$0x3FAA] =	sst s5  }
0xe: {  	[smem:$0x3FAB] =	sst s6  }
0xf: {  	[smem:$0x3FAC] =	sst s7  }
0x10: {  	[smem:$0x3FAD] =	sst s8  }
0x11: {  	[smem:$0x3FAE] =	sst s9;
	s0 =	simm.s32 @!p0 $0x0  }
0x12: {  	s1 =	sld [smem:$0x3F94];
	s0 =	simm.s32 @p0 $0x1  }
0x13: {  	[smem:$0x3FAF] =	sst s0;
	s0 =	simm.s32 @!p1 $0x0  }
0x14: {  	s2 =	sld [smem:$0x3F93];
	s0 =	simm.s32 @p1 $0x1  }
0x15: {  	[smem:$0x3FB0] =	sst s0;
	s0 =	simm.s32 @!p2 $0x0  }
0x16: {  	s3 =	sld [smem:$0x3FDB];
	s0 =	simm.s32 @p2 $0x1  }
0x17: {  	s4 =	simm.s32 $0x1BF5;
	[smem:$0x3FB2] =	sst s0  }
0x18: {  	s0 =	sld [smem:$0x3F95];
	_ =	swait.ge [sflag:s4], $0x0  }
0x19: {  	s7 =	sld [smem:$0x3F96]  }
0x1a: {  	s8 =	sadd.s32 $0xFFFFE003, lr  }
0x1b: {  	s9 =	sadd.s32 $0xFFFFFEF7, lr;
	s5 =	simm.s32 $0xFFFFFFFF;
	p2 =	slt.u32 s8, $0xFFFFF086  }
0x1c: {  	p1 =	slt.u32 s9, $0xF7A;
	s5 =	simm.s32 @!p2 $0x0  }
0x1d: {  	s5 =	simm.s32 @p1 $0x1;
	p0 =	seq.s32 s7, s2  }
0x1e: {  	s7 =	smul.u32 @!p0 $0xF7A, s2;
	p2 =	seq.s32 @!p0 s5, $0x0  }
0x1f: {  	s9 =	smul.u32 $0xF7A, s1;
	s8 =	simm.s32 @!p0 $0x1BF5;
	p2 =	por !p2, p0  }
0x20: {  	[sflag:s8] =	ssyncset.s32 @!p0 $0xFFFFF086;
	s6 =	sadd.s32 @!p0 s3, s7;
	s7 =	simm.s32 @!p0 $0x108  }
0x21: {  	s3 =	sadd.s32 s3, s9;
	s6 =	sadd.s32 @!p0 $0x88, s6;
	s7 =	simm.s32 @p2 $0x1082  }
0x22: {  	[simem:s7], [sflag:s8] =	dma.local @!p0 [hbm:s6], $0xF7A  }
0x23: {  	s9 =	sor.u32 $0xD0000000, s2;
	s6 =	simm.s32 $0x108;
	_ =	swait.ge @!p0 [sflag:s8], $0x0  }
0x24: {  	s3 =	sadd.s32 $0x88, s3;
	s6 =	simm.s32 @!p1 $0x1082;
	[sflag:s4] =	ssyncset.s32 $0xFFFFF086  }
0x25: {  	[simem:s6], [sflag:s4] =	dma.local [hbm:s3], $0xF7A  }
0x26: {  	[smem:$0x3F96] =	sst s1;
	(tag) =	ssettag s2;
	_ =	strace s9  }
0x27: {  	s1 =	sld [smem:$0x3FA6]  }
0x28: {  	s2 =	sld [smem:$0x3FA7]  }
0x29: {  	s4 =	sld [smem:$0x3FA9]  }
0x2a: {  	p0 =	seq.s32 s5, $0x0;
	s5 =	sld [smem:$0x3FAA]  }
0x2b: {  	s6 =	sld [smem:$0x3FAB]  }
0x2c: {  	s7 =	sld [smem:$0x3FAC]  }
0x2d: {  	s3 =	simm.s32 $0x108;
	s8 =	sld [smem:$0x3FAD]  }
0x2e: {  	s3 =	simm.s32 @!p0 $0x1082;
	s9 =	sld [smem:$0x3FAE]  }
0x2f: {  	lr =	sadd.s32 s0, s3;
	s0 =	sld [smem:$0x3FA5]  }
0x30: {  	s3 =	sld [smem:$0x3FA8]  }
0x31: {  	[smem:$0x3FB1] =	sst s10  }
0x32: {  	s10 =	sld [smem:$0x3FAF];
	_ =	sdelay $0x3  }
0x33: {  	p0 =	seq.s32 s10, $0x1;
	s10 =	sld [smem:$0x3FB1];
	_ =	sdelay $0x3  }
0x34: {  	[smem:$0x3FB1] =	sst s10  }
0x35: {  	s10 =	sld [smem:$0x3FB0];
	_ =	sdelay $0x3  }
0x36: {  	p1 =	seq.s32 s10, $0x1;
	s10 =	sld [smem:$0x3FB1];
	_ =	sdelay $0x3  }
0x37: {  	[smem:$0x3FB1] =	sst s10  }
0x38: {  	s10 =	sld [smem:$0x3FB2]  }
0x39: {  	_ = 	snop;
	(pc) =	sbr.ind lr, $3  }
0x3a: {  	_ = 	snop  }
0x3b: {  	_ = 	snop  }
0x3c: {  	p2 =	seq.s32 s10, $0x1;
	s10 =	sld [smem:$0x3FB1]  }
0x3d: {  	_ =	shalt  }
0x3e: {  	_ =	shalt  }
0x3f: {  	_ =	shalt  }
0x40: {  	_ =	shalt  }
0x41: {  	_ =	shalt  }
0x42: {  	_ =	shalt  }
0x43: {  	_ =	shalt  }
0x44: {  	_ =	shalt  }
0x45: {  	_ =	shalt  }
0x46: {  	_ =	shalt  }
0x47: {  	_ =	shalt  }
0x48: {  	_ =	shalt  }
0x49: {  	_ =	shalt  }
0x4a: {  	_ =	shalt  }
0x4b: {  	_ =	shalt  }
0x4c: {  	_ =	shalt  }
0x4d: {  	_ =	shalt  }
0x4e: {  	_ =	shalt  }
0x4f: {  	_ =	shalt  }
0x50: {  	_ =	shalt  }
0x51: {  	_ =	shalt  }
0x52: {  	_ =	shalt  }
0x53: {  	_ =	shalt  }
0x54: {  	_ =	shalt  }
0x55: {  	_ =	shalt  }
0x56: {  	_ =	shalt  }
0x57: {  	_ =	shalt  }
0x58: {  	_ =	shalt  }
0x59: {  	_ =	shalt  }
0x5a: {  	_ =	shalt  }
0x5b: {  	_ =	shalt  }
0x5c: {  	_ =	shalt  }
0x5d: {  	_ =	shalt  }
0x5e: {  	_ =	shalt  }
0x5f: {  	_ =	shalt  }
0x60: {  	_ =	shalt  }
0x61: {  	_ =	shalt  }
0x62: {  	_ =	shalt  }
0x63: {  	_ =	shalt  }
0x64: {  	_ =	shalt  }
0x65: {  	_ =	shalt  }
0x66: {  	_ =	shalt  }
0x67: {  	_ =	shalt  }
0x68: {  	_ =	shalt  }
0x69: {  	_ =	shalt  }
0x6a: {  	_ =	shalt  }
0x6b: {  	_ =	shalt  }
0x6c: {  	_ =	shalt  }
0x6d: {  	_ =	shalt  }
0x6e: {  	_ =	shalt  }
0x6f: {  	_ =	shalt  }
0x70: {  	_ =	shalt  }
0x71: {  	_ =	shalt  }
0x72: {  	_ =	shalt  }
0x73: {  	_ =	shalt  }
0x74: {  	_ =	shalt  }
0x75: {  	_ =	shalt  }
0x76: {  	_ =	shalt  }
0x77: {  	_ =	shalt  }
0x78: {  	_ =	shalt  }
0x79: {  	_ =	shalt  }
0x7a: {  	_ =	shalt  }
0x7b: {  	_ =	shalt  }
0x7c: {  	_ =	shalt  }
0x7d: {  	_ =	shalt  }
0x7e: {  	_ =	shalt  }
0x7f: {  	_ =	shalt  }
0x80: {  	_ =	shalt  }
0x81: {  	_ =	shalt  }
0x82: {  	_ =	shalt  }
0x83: {  	_ =	shalt  }
0x84: {  	_ =	shalt  }
0x85: {  	_ =	shalt  }
0x86: {  	_ =	shalt  }
0x87: {  	_ =	shalt  }
.Lfunc_end0:
.L_simem_size_0:
called_computation.1_lowered:
.L_overlay_start_0:
0x88: {  	s2 =	sld [smem:$0x3FD9]  }
0x89: {  	s3 =	sld [smem:$0x3FFE];
	_ =	sdelay $0x1  }
0x8a: {  	s1 =	srdreg.scid  }
0x8b: {  	s0 =	sand.u32 $0x1, s1  }
0x8c: {  	s16 =	sshll.u32 s0, $0xA;
	s2 =	sadd.s32 s3, s2  }
0x8d: {  	s2 =	sadd.s32 s2, s16  }
0x8e: {  	[smem:$0x3FBD] =	sst s2  }
0x8f: {  	_ = 	snop  }
0x90: {  	(tm) =	ssettm $0x1  }
0x91: {  	s17 =	sld [smem:$0x3FFB];
	_ =	sdelay $0x3  }
0x92: {  	_ =	strace s17  }
0x93: {  	s2 =	sld [smem:$0x3FFC];
	_ =	sdelay $0x3  }
0x94: {  	_ =	strace s2  }
0x95: {  	s2 =	sld [smem:$0x3FFD];
	_ =	sdelay $0x3  }
0x96: {  	_ =	strace s2  }
0x97: {  	_ =	strace $0x8FFFFFFF  }
0x98: {  	s18 =	sld [smem:$0x3FDB];
	_ =	sdelay $0x1  }
0x99: {  	s19 =	simm.s32 $_scs_section_size  }
0x9a: {  	s4 =	simm.s32 $_size__tile_overlayer_lowered;
	s5 =	simm.s32 $_tile_overlayer_lowered  }
0x9b: {  	s22 =	simm.s32 $0x1BFF;
	s21 =	sshll.u32 s5, $0x1;
	s2 =	sadd.s32 s19, s18  }
0x9c: {  	s6 =	simm.s32 $0x0;
	s20 =	sshll.u32 s4, $0x1;
	s4 =	sadd.s32 s21, s2  }
0x9d: {  	[timem:s6], [sflag:s22] =	dma.local [hbm:s4], s20  }
0x9e: {  	_ =	swait.ge [sflag:s22], s20  }
0x9f: {  	s3 =	ssub.s32 $0x0, s20;
	[sflag:s22] =	ssyncset.done $0x0  }
0xa0: {  	[sflag:s22] =	ssyncadd.s32 s3;
	_ =	sdelay $0x1  }
0xa1: {  	s23 =	simm.s32 $0x1B8B  }
0xa2: {  	_ =	swait.ge [sflag:s23], $0x1  }
0xa3: {  	[sflag:s23] =	ssyncset.done $0x0  }
0xa4: {  	s25 =	simm.s32 $0x1B8E;
	s24 =	sld [smem:$0x3FFE];
	[sflag:s23] =	ssyncadd.s32 $0xFFFFFFFF  }
0xa5: {  	s26 =	simm.s32 $execute0_lowered;
	[smem:$0x3FD2] =	sst s25  }
0xa6: {  	s4 =	sshll.u32 s26, $0x1;
	_ =	strace $0x80000049;
	[dreg:$0x1] =	wrdreg $0xFFFFFFFF  }
0xa7: {  	s28 =	simm.s32 $_size_execute0_lowered;
	s2 =	sadd.s32 s2, s4;
	[dreg:$0x0] =	wrdreg $0x0  }
0xa8: {  	s4 =	sshll.u32 s28, $0x1;
	[dreg:$0x2] =	wrdreg s2  }
0xa9: {  	[dreg:$0x3] =	wrdreg s4  }
0xaa: {  	[dreg:$0x4] =	wrdreg $0xC0  }
0xab: {  	_ =	task [dreg:s6], $0x5FFFF  }
0xac: {  	[dreg:$0x1] =	wrdreg $0xFFFFFFFF  }
0xad: {  	[dreg:$0x0] =	wrdreg $0x60  }
0xae: {  	[dreg:$0x2] =	wrdreg s24  }
0xaf: {  	[dreg:$0x3] =	wrdreg $0x11D000  }
0xb0: {  	[dreg:$0x4] =	wrdreg $0x9  }
0xb1: {  	_ =	task.clear_ibuf [dreg:s6], $0x5FFFF;
	_ =	strace $0x90000049  }
0xb2: {  	s29 =	simm.s32 $0x9;
	_ =	strace $0x8000004B  }
0xb3: {  	_ =	swait.ge [sflag:s29], $0x1  }
0xb4: {  	[sflag:s29] =	ssyncadd.s32 $0xFFFFFFFF  }
0xb5: {  	_ =	strace $0x9000004B  }
0xb6: {  	_ =	sfence  }
0xb7: {  	s30 =	sld [smem:$0x0];
	_ =	sdelay $0x2  }
0xb8: {  	s31 =	sshll.u32 s1, $0xD;
	s1 =	sshrl.u32 s1, $0x2  }
0xb9: {  	s3 =	sand.u32 $0x4000, s31;
	s1 =	sadd.s32 s1, s30  }
0xba: {  	s0 =	sor.u32 s3, s0;
	s1 =	sshll.u32 s1, $0x11  }
0xbb: {  	s0 =	sor.u32 s1, s0  }
0xbc: {  	s0 =	sadd.s32 $0x8F2B, s0  }
0xbd: {  	[sflag:s0] =	ssyncadd.remote.s32 $0x1  }
0xbe: {  	_ =	sfence.sel $0xFFFF  }
0xbf: {  	[dreg:$0x0] =	wrdreg $0xFFFFFFFF;
	(pc) =	sbr.abs _section_cstart, $3  }
0xc0: {  	[dreg:$0x1] =	wrdreg $0xFFFFFFFF  }
0xc1: {  	_ =	task.clear_ibuf [dreg:s6], $0x2FFFF;
	_ =	strace $0x9FFFFFFF  }
0xc2: {  	(tm) =	ssettm $0x7FFFFFFF  }
0xc3: {  	_ =	shalt  }
tec
execute0_lowered:
.L_overlay_start_1:
0x0: {  	(tag) =	ssettag $0x1  }
0x1: {  	s0 =	srdreg.scid;
	s29 =	stileid.u32  }
0x2: {  	s4 =	rddreg [dreg:$0x0];
	s1 =	simm.s32 $0x0;
	s2 =	sand.u32 $0x1, s0  }
0x3: {  	s3 =	smul.u32 $0xA00, s29;
	[smem:$0x7FF] =	sst s1;
	s6 =	sor.u32 $0x10, s29  }
0x4: {  	s8 =	sor.u32 $0x20, s29;
	s9 =	sadd.s32 $0x47800, s4;
	s5 =	smul.u32 $0x9C400, s2  }
0x5: {  	s12 =	sor.u32 $0x30, s29;
	s13 =	sor.u32 $0x40, s29;
	s7 =	smul.u32 $0x5000, s6  }
0x6: {  	s14 =	sor.u32 $0x50, s29;
	s15 =	sor.u32 $0x60, s29;
	s11 =	smul.u32 $0x5000, s8  }
0x7: {  	s16 =	sor.u32 $0x70, s29;
	s2 =	ssub.s32 $0x2, s2;
	s6 =	smul.u32 $0x1400, s6  }
0x8: {  	p0 =	sgt.u32 s29, $0xC;
	s8 =	smul.u32 $0x1400, s8;
	s23 =	sshrl.u32 s2, $0x1  }
0x9: {  	s22 =	sshrl.u32 s5, $0x3;
	s2 =	ssub.s32 s2, s23;
	s23 =	smul.u32 $0x1400, s12  }
0xa: {  	s3 =	sadd.s32 s3, s4;
	s0 =	sadd.s32 s22, s4;
	s4 =	smul.u32 $0x1400, s29  }
0xb: {  	s28 =	smul.u32 $0x1400, s16;
	s17 =	sadd.s32 s5, s6;
	s25 =	sadd.s32 s5, s8  }
0xc: {  	s24 =	sshrl.u32 s17, $0x3;
	s26 =	sadd.s32 s5, s23;
	s10 =	sadd.s32 s4, s5  }
0xd: {  	s17 =	sshrl.u32 s26, $0x3;
	s26 =	smul.u32 $0x1400, s15;
	s10 =	sshrl.u32 s10, $0x3  }
0xe: {  	s7 =	sshrl.u32 s7, $0x2;
	s17 =	sadd.s32 s9, s17;
	s10 =	sadd.s32 s9, s10  }
0xf: {  	[dreg:$0x6] =	wrdreg s17;
	s20 =	sadd.s32 s5, s26;
	s17 =	smul.u32 $0x5000, s15  }
0x10: {  	[dreg:$0x3] =	wrdreg s10;
	s10 =	sadd.s32 s9, s24;
	s24 =	smul.u32 $0x1400, s13  }
0x11: {  	s22 =	sshrl.u32 s20, $0x3;
	[dreg:$0x4] =	wrdreg s10;
	s10 =	sshrl.u32 s25, $0x3  }
0x12: {  	s25 =	smul.u32 $0x1400, s14;
	s18 =	sadd.s32 s5, s24;
	s10 =	sadd.s32 s9, s10  }
0x13: {  	s20 =	smul.u32 $0x5000, s12;
	[dreg:$0x5] =	wrdreg s10;
	s18 =	sshrl.u32 s18, $0x3  }
0x14: {  	s19 =	sadd.s32 s5, s25;
	s5 =	sadd.s32 s5, s28;
	s10 =	sadd.s32 s9, s18  }
0x15: {  	s21 =	sshrl.u32 s19, $0x3;
	s18 =	sadd.s32 s9, s22;
	[dreg:$0x7] =	wrdreg s10  }
0x16: {  	s19 =	smul.u32 $0x5000, s29;
	s10 =	sadd.s32 s9, s21;
	[dreg:$0x9] =	wrdreg s18  }
0x17: {  	s5 =	sshrl.u32 s5, $0x3;
	s22 =	smul.u32 $0x5000, s13;
	[dreg:$0x8] =	wrdreg s10  }
0x18: {  	s13 =	smul.u32 $0x5000, s14;
	s5 =	sadd.s32 s9, s5;
	s10 =	rddreg [dreg:$0x1]  }
0x19: {  	s14 =	sshrl.u32 s11, $0x2;
	s18 =	smul.u32 $0x5000, s16;
	[dreg:$0xa] =	wrdreg s5  }
0x1a: {  	s21 =	sshrl.u32 s19, $0x2;
	s5 =	sshrl.u32 s20, $0x2;
	s12 =	sshrl.u32 s22, $0x2  }
0x1b: {  	s20 =	sshrl.u32 s13, $0x2;
	_ =	strace $0x8000004A;
	s9 =	sadd.s32 s21, s10  }
0x1c: {  	s7 =	sadd.s32 s7, s10;
	s5 =	sadd.s32 s5, s10;
	s19 =	sadd.s32 s12, s10  }
0x1d: {  	s21 =	sshrl.u32 s17, $0x2;
	s22 =	sshrl.u32 s18, $0x2;
	s11 =	sadd.s32 s4, s10  }
0x1e: {  	s12 =	sadd.s32 s6, s10;
	s13 =	sadd.s32 s8, s10;
	s15 =	sadd.s32 s24, s10  }
0x1f: {  	s16 =	sadd.s32 s25, s10;
	s17 =	sadd.s32 s26, s10;
	[dreg:$0xb] =	wrdreg s9  }
0x20: {  	s4 =	simm.s32 $0xBF40;
	s6 =	simm.s32 $0xFDC0;
	[dreg:$0xc] =	wrdreg s7  }
0x21: {  	s8 =	simm.s32 $0x2;
	s7 =	sadd.s32 s14, s10;
	[dreg:$0xe] =	wrdreg s5  }
0x22: {  	[dreg:$0xf] =	wrdreg s19;
	s5 =	sadd.s32 s20, s10;
	s18 =	sadd.s32 s21, s10  }
0x23: {  	s19 =	sadd.s32 s22, s10;
	s20 =	sadd.s32 $0x16600, s3;
	s21 =	sadd.s32 $0xC600, s3  }
0x24: {  	s22 =	sadd.s32 $0x20600, s0;
	s14 =	sadd.s32 s23, s10;
	s9 =	sadd.s32 s28, s10  }
0x25: {  	s23 =	smax.u32 s2, $0x1;
	s24 =	sshrl.u32 s11, $0x3;
	s25 =	sshrl.u32 s12, $0x3  }
0x26: {  	s26 =	sshrl.u32 s13, $0x3;
	s29 =	sshrl.u32 s15, $0x3;
	s30 =	sshrl.u32 s16, $0x3  }
0x27: {  	s31 =	sshrl.u32 s17, $0x3;
	s0 =	simm.s32 $0xA000;
	s2 =	simm.s32 $0x5  }
0x28: {  	s3 =	simm.s32 $0x7D;
	s11 =	simm.s32 $0x3;
	[dreg:$0xd] =	wrdreg s7  }
0x29: {  	s12 =	simm.s32 $0x4;
	[dreg:$0x10] =	wrdreg s5;
	s28 =	sshrl.u32 s14, $0x3  }
0x2a: {  	v0 =	vimm.f32 $0.0e+00;
	s9 =	sshrl.u32 @!p0 s9, $0x3;
	s5 =	simm.s32 $0xDE80;
	s7 =	simm.s32 $0x1  }
.LBB2_1:
0x2b: {  	s14 =	simm.s32 $0x100;
	s13 =	simm.s32 $0x0  }
.LBB2_2:
0x2c: {  	p1 =	sne.s32 s14, $0x4F00;
	[tilespmem:s13+$0xA030] =	vst v0;
	s15 =	smov.u32 s14;
	s14 =	sadd.s32 $0x100, s14  }
.Ltmp0:
0x2d: {  	[tilespmem:s13+$0xA020] =	vst v0;
	(pc) =	sbr.rel @p1 .LBB2_2-.Ltmp0, $3  }
0x2e: {  	[tilespmem:s13+$0xA000] =	vst v0  }
0x2f: {  	[tilespmem:s13+$0xA010] =	vst v0;
	_ =	sdelay $0x1  }
0x30: {  	s13 =	sshra.s32 s15, $0x2  }
0x31: {  	[tilespmem:s13+$0xA030] =	vst v0  }
0x32: {  	[tilespmem:s13+$0xA020] =	vst v0  }
0x33: {  	[tilespmem:s13+$0xA000] =	vst v0  }
0x34: {  	[tilespmem:s13+$0xA010] =	vst v0;
	s17 =	rddreg [dreg:$0xb]  }
0x35: {  	[spmem:s17] =	stream.linear.scatter [tilespmem:s0], [sflag:$0x5], $0x1400, $0x38;
	[tilespmem:$0x1B940] =	vst v63  }
0x36: {  	_ =	swait.ge [sflag:s2], $0x1400  }
0x37: {  	[sflag:s2] =	ssyncset.done $0x0  }
0x38: {  	s14 =	rddreg [dreg:$0xc];
	[sflag:s2] =	ssyncadd.s32 $0xFFFFEC00  }
0x39: {  	[spmem:s14] =	stream.linear.scatter [tilespmem:s0], [sflag:$0x5], $0x1400, $0x38;
	[tilespmem:$0x1B940] =	vst v63  }
0x3a: {  	_ =	swait.ge [sflag:s2], $0x1400  }
0x3b: {  	[sflag:s2] =	ssyncset.done $0x0  }
0x3c: {  	s15 =	rddreg [dreg:$0xd];
	[sflag:s2] =	ssyncadd.s32 $0xFFFFEC00  }
0x3d: {  	[spmem:s15] =	stream.linear.scatter [tilespmem:s0], [sflag:$0x5], $0x1400, $0x38;
	[tilespmem:$0x1B940] =	vst v63  }
0x3e: {  	_ =	swait.ge [sflag:s2], $0x1400  }
0x3f: {  	[sflag:s2] =	ssyncset.done $0x0  }
0x40: {  	s16 =	rddreg [dreg:$0xe];
	[sflag:s2] =	ssyncadd.s32 $0xFFFFEC00  }
0x41: {  	[spmem:s16] =	stream.linear.scatter [tilespmem:s0], [sflag:$0x5], $0x1400, $0x38;
	[tilespmem:$0x1B940] =	vst v63  }
0x42: {  	_ =	swait.ge [sflag:s2], $0x1400  }
0x43: {  	[sflag:s2] =	ssyncset.done $0x0  }
0x44: {  	s17 =	rddreg [dreg:$0xf];
	[sflag:s2] =	ssyncadd.s32 $0xFFFFEC00  }
0x45: {  	[spmem:s17] =	stream.linear.scatter [tilespmem:s0], [sflag:$0x5], $0x1400, $0x38;
	[tilespmem:$0x1B940] =	vst v63  }
0x46: {  	_ =	swait.ge [sflag:s2], $0x1400  }
0x47: {  	[sflag:s2] =	ssyncset.done $0x0  }
0x48: {  	s14 =	rddreg [dreg:$0x10];
	[sflag:s2] =	ssyncadd.s32 $0xFFFFEC00  }
0x49: {  	[spmem:s14] =	stream.linear.scatter [tilespmem:s0], [sflag:$0x5], $0x1400, $0x38;
	[tilespmem:$0x1B940] =	vst v63  }
0x4a: {  	_ =	swait.ge [sflag:s2], $0x1400  }
0x4b: {  	[sflag:s2] =	ssyncset.done $0x0  }
0x4c: {  	[sflag:s2] =	ssyncadd.s32 $0xFFFFEC00  }
0x4d: {  	[spmem:s18] =	stream.linear.scatter [tilespmem:s0], [sflag:$0x5], $0x1400, $0x38;
	[tilespmem:$0x1B940] =	vst v63  }
0x4e: {  	_ =	swait.ge [sflag:s2], $0x1400  }
0x4f: {  	[sflag:s2] =	ssyncset.done $0x0  }
0x50: {  	s13 =	simm.s32 @!p0 $0xA000;
	[sflag:s2] =	ssyncadd.s32 $0xFFFFEC00  }
0x51: {  	[spmem:s19] =	stream.linear.scatter @!p0 [tilespmem:s13], [sflag:$0x5], $0x1400, $0x38;
	[tilespmem:$0x1B940] =	vst v63  }
0x52: {  	s13 =	simm.s32 @!p0 $0x5  }
0x53: {  	_ =	swait.ge @!p0 [sflag:s13], $0x1400  }
0x54: {  	[sflag:s13] =	ssyncset.done @!p0 $0x0  }
0x55: {  	[sflag:s13] =	ssyncadd.s32 @!p0 $0xFFFFEC00  }
0x56: {  	s15 =	simm.s32 $0x0;
	[bflag:$0x0] =	sbarrier.arrive $0xFFFF  }
0x57: {  	[tilespmem:s15], [sflag:$0x5] =	stream.linear.gather [hbm4b:s20+s15], $0x5000, $0x38;
	[tilespmem:$0x1B940] =	vst v63  }
0x58: {  	_ =	swait.ge [sflag:s2], $0x5000  }
0x59: {  	[sflag:s2] =	ssyncset.done $0x0  }
0x5a: {  	s14 =	simm.s32 $0x5000;
	[sflag:s2] =	ssyncadd.s32 $0xFFFFB000  }
0x5b: {  	[tilespmem:s14], [sflag:$0x5] =	stream.linear.gather [hbm4b:s21+s15], $0x5000, $0x38;
	[tilespmem:$0x1B940] =	vst v63  }
0x5c: {  	_ =	swait.ge [sflag:s2], $0x5000  }
0x5d: {  	[sflag:s2] =	ssyncset.done $0x0  }
0x5e: {  	[sflag:s2] =	ssyncadd.s32 $0xFFFFB000  }
0x5f: {  	[tilespmem:s0], [sflag:$0x1] =	stream.indirect.gather [hbm4b:s22+s3], $0x40, s15, s3, $0xb8;
	[tilespmem:$0x1B940] =	vst v63  }
0x60: {  	s16 =	simm.s32 $0x80  }
0x61: {  	[tilespmem:s4], [sflag:$0x2] =	stream.indirect.gather [hbm4b:s22+s3], $0x40, s16, s3, $0xb8;
	[tilespmem:$0x1B940] =	vst v63  }
0x62: {  	s17 =	simm.s32 $0x100  }
0x63: {  	[tilespmem:s5], [sflag:$0x3] =	stream.indirect.gather [hbm4b:s22+s3], $0x40, s17, s3, $0xb8;
	[tilespmem:$0x1B940] =	vst v63  }
0x64: {  	s14 =	simm.s32 $0x180  }
0x65: {  	[tilespmem:s6], [sflag:$0x4] =	stream.indirect.gather [hbm4b:s22+s3], $0x40, s14, s3, $0xb8;
	[tilespmem:$0x1B940] =	vst v63  }
0x66: {  	_ =	swait.ge [sflag:s7], $0x1F40  }
0x67: {  	[sflag:s7] =	ssyncset.done $0x0  }
0x68: {  	s15 =	simm.s32 $0x5000;
	[sflag:s7] =	ssyncadd.s32 $0xFFFFE0C0  }
0x69: {  	[spmem:s10] =	stream.indirect.scatter.add.f32 [tilespmem:s0], [sflag:$0x5], $0x40, s15, s3, $0xb8;
	[tilespmem:$0x1B940] =	vst v63  }
0x6a: {  	_ =	swait.ge [sflag:s2], $0x1F40  }
0x6b: {  	[sflag:s2] =	ssyncset.done $0x0  }
0x6c: {  	s16 =	simm.s32 $0x200;
	[sflag:s2] =	ssyncadd.s32 $0xFFFFE0C0  }
0x6d: {  	[tilespmem:s0], [sflag:$0x1] =	stream.indirect.gather [hbm4b:s22+s3], $0x40, s16, s3, $0xb8;
	[tilespmem:$0x1B940] =	vst v63  }
0x6e: {  	_ =	swait.ge [sflag:s8], $0x1F40  }
0x6f: {  	[sflag:s8] =	ssyncset.done $0x0  }
0x70: {  	s17 =	simm.s32 $0x5080;
	[sflag:s8] =	ssyncadd.s32 $0xFFFFE0C0  }
0x71: {  	[spmem:s10] =	stream.indirect.scatter.add.f32 [tilespmem:s4], [sflag:$0x5], $0x40, s17, s3, $0xb8;
	[tilespmem:$0x1B940] =	vst v63  }
0x72: {  	_ =	swait.ge [sflag:s2], $0x1F40  }
0x73: {  	[sflag:s2] =	ssyncset.done $0x0  }
0x74: {  	s14 =	simm.s32 $0x280;
	[sflag:s2] =	ssyncadd.s32 $0xFFFFE0C0  }
0x75: {  	[tilespmem:s4], [sflag:$0x2] =	stream.indirect.gather [hbm4b:s22+s3], $0x40, s14, s3, $0xb8;
	[tilespmem:$0x1B940] =	vst v63  }
0x76: {  	_ =	swait.ge [sflag:s11], $0x1F40  }
0x77: {  	[sflag:s11] =	ssyncset.done $0x0  }
0x78: {  	s15 =	simm.s32 $0x5100;
	[sflag:s11] =	ssyncadd.s32 $0xFFFFE0C0  }
0x79: {  	[spmem:s10] =	stream.indirect.scatter.add.f32 [tilespmem:s5], [sflag:$0x5], $0x40, s15, s3, $0xb8;
	[tilespmem:$0x1B940] =	vst v63  }
0x7a: {  	_ =	swait.ge [sflag:s2], $0x1F40  }
0x7b: {  	[sflag:s2] =	ssyncset.done $0x0  }
0x7c: {  	s16 =	simm.s32 $0x300;
	[sflag:s2] =	ssyncadd.s32 $0xFFFFE0C0  }
0x7d: {  	[tilespmem:s5], [sflag:$0x3] =	stream.indirect.gather [hbm4b:s22+s3], $0x40, s16, s3, $0xb8;
	[tilespmem:$0x1B940] =	vst v63  }
0x7e: {  	_ =	swait.ge [sflag:s12], $0x1F40  }
0x7f: {  	[sflag:s12] =	ssyncset.done $0x0  }
0x80: {  	s17 =	simm.s32 $0x5180;
	[sflag:s12] =	ssyncadd.s32 $0xFFFFE0C0  }
0x81: {  	[spmem:s10] =	stream.indirect.scatter.add.f32 [tilespmem:s6], [sflag:$0x5], $0x40, s17, s3, $0xb8;
	[tilespmem:$0x1B940] =	vst v63  }
0x82: {  	_ =	swait.ge [sflag:s2], $0x1F40  }
0x83: {  	s13 =	simm.s32 $0x200;
	s14 =	simm.s32 $0x1000;
	[sflag:s2] =	ssyncset.done $0x0  }
.LBB2_4:
0x84: {  	s17 =	sadd.s32 $0x180, s13  }
0x85: {  	[sflag:s2] =	ssyncadd.s32 $0xFFFFE0C0;
	s15 =	smov.u32 s14;
	s16 =	sadd.s32 $0x800, s14  }
0x86: {  	[tilespmem:s6], [sflag:$0x4] =	stream.indirect.gather [hbm4b:s22+s3], $0x40, s17, s3, $0xb8;
	[tilespmem:$0x1B940] =	vst v63  }
0x87: {  	p1 =	sne.s32 s14, $0x13000;
	_ =	swait.ge [sflag:s7], $0x1F40  }
0x88: {  	[sflag:s7] =	ssyncset.done $0x0  }
0x89: {  	s14 =	sadd.s32 $0x5000, s13;
	[sflag:s7] =	ssyncadd.s32 $0xFFFFE0C0  }
0x8a: {  	[spmem:s10] =	stream.indirect.scatter.add.f32 [tilespmem:s0], [sflag:$0x5], $0x40, s14, s3, $0xb8;
	[tilespmem:$0x1B940] =	vst v63  }
0x8b: {  	_ =	swait.ge [sflag:s2], $0x1F40  }
0x8c: {  	[sflag:s2] =	ssyncset.done $0x0  }
0x8d: {  	s14 =	sadd.s32 $0x200, s13;
	[sflag:s2] =	ssyncadd.s32 $0xFFFFE0C0  }
0x8e: {  	[tilespmem:s0], [sflag:$0x1] =	stream.indirect.gather [hbm4b:s22+s3], $0x40, s14, s3, $0xb8;
	[tilespmem:$0x1B940] =	vst v63  }
0x8f: {  	_ =	swait.ge [sflag:s8], $0x1F40  }
0x90: {  	[sflag:s8] =	ssyncset.done $0x0  }
0x91: {  	s14 =	sadd.s32 $0x5080, s13;
	[sflag:s8] =	ssyncadd.s32 $0xFFFFE0C0  }
0x92: {  	[spmem:s10] =	stream.indirect.scatter.add.f32 [tilespmem:s4], [sflag:$0x5], $0x40, s14, s3, $0xb8;
	[tilespmem:$0x1B940] =	vst v63  }
0x93: {  	_ =	swait.ge [sflag:s2], $0x1F40  }
0x94: {  	[sflag:s2] =	ssyncset.done $0x0  }
0x95: {  	s14 =	sadd.s32 $0x280, s13;
	[sflag:s2] =	ssyncadd.s32 $0xFFFFE0C0  }
0x96: {  	[tilespmem:s4], [sflag:$0x2] =	stream.indirect.gather [hbm4b:s22+s3], $0x40, s14, s3, $0xb8;
	[tilespmem:$0x1B940] =	vst v63  }
0x97: {  	_ =	swait.ge [sflag:s11], $0x1F40  }
0x98: {  	[sflag:s11] =	ssyncset.done $0x0  }
0x99: {  	s14 =	sadd.s32 $0x5100, s13;
	[sflag:s11] =	ssyncadd.s32 $0xFFFFE0C0  }
0x9a: {  	[spmem:s10] =	stream.indirect.scatter.add.f32 [tilespmem:s5], [sflag:$0x5], $0x40, s14, s3, $0xb8;
	[tilespmem:$0x1B940] =	vst v63  }
0x9b: {  	_ =	swait.ge [sflag:s2], $0x1F40  }
0x9c: {  	[sflag:s2] =	ssyncset.done $0x0  }
0x9d: {  	s14 =	sadd.s32 $0x300, s13;
	[sflag:s2] =	ssyncadd.s32 $0xFFFFE0C0  }
0x9e: {  	[tilespmem:s5], [sflag:$0x3] =	stream.indirect.gather [hbm4b:s22+s3], $0x40, s14, s3, $0xb8;
	[tilespmem:$0x1B940] =	vst v63  }
0x9f: {  	_ =	swait.ge [sflag:s12], $0x1F40  }
.Ltmp1:
0xa0: {  	[sflag:s12] =	ssyncset.done $0x0;
	(pc) =	sbr.rel @p1 .LBB2_4-.Ltmp1, $4  }
0xa1: {  	s13 =	sadd.s32 $0x5180, s13;
	[sflag:s12] =	ssyncadd.s32 $0xFFFFE0C0  }
0xa2: {  	[spmem:s10] =	stream.indirect.scatter.add.f32 [tilespmem:s6], [sflag:$0x5], $0x40, s13, s3, $0xb8;
	[tilespmem:$0x1B940] =	vst v63  }
0xa3: {  	_ =	swait.ge [sflag:s2], $0x1F40  }
0xa4: {  	s14 =	smov.u32 s16;
	s13 =	sshra.s32 s15, $0x2;
	[sflag:s2] =	ssyncset.done $0x0  }
0xa5: {  	s14 =	sadd.s32 $0x180, s13;
	[sflag:s2] =	ssyncadd.s32 $0xFFFFE0C0  }
0xa6: {  	[tilespmem:s6], [sflag:$0x4] =	stream.indirect.gather [hbm4b:s22+s3], $0x40, s14, s3, $0xb8;
	[tilespmem:$0x1B940] =	vst v63  }
0xa7: {  	_ =	swait.ge [sflag:s7], $0x1F40  }
0xa8: {  	[sflag:s7] =	ssyncset.done $0x0  }
0xa9: {  	s15 =	sadd.s32 $0x5000, s13;
	[sflag:s7] =	ssyncadd.s32 $0xFFFFE0C0  }
0xaa: {  	[spmem:s10] =	stream.indirect.scatter.add.f32 [tilespmem:s0], [sflag:$0x5], $0x40, s15, s3, $0xb8;
	[tilespmem:$0x1B940] =	vst v63  }
0xab: {  	_ =	swait.ge [sflag:s2], $0x1F40  }
0xac: {  	[sflag:s2] =	ssyncset.done $0x0  }
0xad: {  	s16 =	sadd.s32 $0x200, s13;
	[sflag:s2] =	ssyncadd.s32 $0xFFFFE0C0  }
0xae: {  	[tilespmem:s0], [sflag:$0x1] =	stream.indirect.gather [hbm4b:s22+s3], $0x40, s16, s3, $0xb8;
	[tilespmem:$0x1B940] =	vst v63  }
0xaf: {  	_ =	swait.ge [sflag:s8], $0x1F40  }
0xb0: {  	[sflag:s8] =	ssyncset.done $0x0  }
0xb1: {  	s17 =	sadd.s32 $0x5080, s13;
	[sflag:s8] =	ssyncadd.s32 $0xFFFFE0C0  }
0xb2: {  	[spmem:s10] =	stream.indirect.scatter.add.f32 [tilespmem:s4], [sflag:$0x5], $0x40, s17, s3, $0xb8;
	[tilespmem:$0x1B940] =	vst v63  }
0xb3: {  	_ =	swait.ge [sflag:s2], $0x1F40  }
0xb4: {  	[sflag:s2] =	ssyncset.done $0x0  }
0xb5: {  	s15 =	sadd.s32 $0x280, s13;
	[sflag:s2] =	ssyncadd.s32 $0xFFFFE0C0  }
0xb6: {  	[tilespmem:s4], [sflag:$0x2] =	stream.indirect.gather [hbm4b:s22+s3], $0x40, s15, s3, $0xb8;
	[tilespmem:$0x1B940] =	vst v63  }
0xb7: {  	_ =	swait.ge [sflag:s11], $0x1F40  }
0xb8: {  	[sflag:s11] =	ssyncset.done $0x0  }
0xb9: {  	s16 =	sadd.s32 $0x5100, s13;
	[sflag:s11] =	ssyncadd.s32 $0xFFFFE0C0  }
0xba: {  	[spmem:s10] =	stream.indirect.scatter.add.f32 [tilespmem:s5], [sflag:$0x5], $0x40, s16, s3, $0xb8;
	[tilespmem:$0x1B940] =	vst v63  }
0xbb: {  	_ =	swait.ge [sflag:s2], $0x1F40  }
0xbc: {  	[sflag:s2] =	ssyncset.done $0x0  }
0xbd: {  	s17 =	sadd.s32 $0x300, s13;
	[sflag:s2] =	ssyncadd.s32 $0xFFFFE0C0  }
0xbe: {  	[tilespmem:s5], [sflag:$0x3] =	stream.indirect.gather [hbm4b:s22+s3], $0x40, s17, s3, $0xb8;
	[tilespmem:$0x1B940] =	vst v63  }
0xbf: {  	_ =	swait.ge [sflag:s12], $0x1F40  }
0xc0: {  	[sflag:s12] =	ssyncset.done $0x0  }
0xc1: {  	s14 =	sadd.s32 $0x5180, s13;
	[sflag:s12] =	ssyncadd.s32 $0xFFFFE0C0  }
0xc2: {  	[spmem:s10] =	stream.indirect.scatter.add.f32 [tilespmem:s6], [sflag:$0x5], $0x40, s14, s3, $0xb8;
	[tilespmem:$0x1B940] =	vst v63  }
0xc3: {  	_ =	swait.ge [sflag:s2], $0x1F40  }
0xc4: {  	[sflag:s2] =	ssyncset.done $0x0  }
0xc5: {  	s15 =	simm.s32 $0x4F80;
	[sflag:s2] =	ssyncadd.s32 $0xFFFFE0C0  }
0xc6: {  	[tilespmem:s6], [sflag:$0x4] =	stream.indirect.gather [hbm4b:s22+s3], $0x40, s15, s3, $0xb8;
	[tilespmem:$0x1B940] =	vst v63  }
0xc7: {  	_ =	swait.ge [sflag:s7], $0x1F40  }
0xc8: {  	[sflag:s7] =	ssyncset.done $0x0  }
0xc9: {  	s16 =	simm.s32 $0x9E00;
	[sflag:s7] =	ssyncadd.s32 $0xFFFFE0C0  }
0xca: {  	[spmem:s10] =	stream.indirect.scatter.add.f32 [tilespmem:s0], [sflag:$0x5], $0x40, s16, s3, $0xb8;
	[tilespmem:$0x1B940] =	vst v63  }
0xcb: {  	_ =	swait.ge [sflag:s2], $0x1F40  }
0xcc: {  	[sflag:s2] =	ssyncset.done $0x0  }
0xcd: {  	[sflag:s2] =	ssyncadd.s32 $0xFFFFE0C0  }
0xce: {  	_ =	swait.ge [sflag:s8], $0x1F40  }
0xcf: {  	[sflag:s8] =	ssyncset.done $0x0  }
0xd0: {  	s17 =	simm.s32 $0x9E80;
	[sflag:s8] =	ssyncadd.s32 $0xFFFFE0C0  }
0xd1: {  	[spmem:s10] =	stream.indirect.scatter.add.f32 [tilespmem:s4], [sflag:$0x5], $0x40, s17, s3, $0xb8;
	[tilespmem:$0x1B940] =	vst v63  }
0xd2: {  	_ =	swait.ge [sflag:s2], $0x1F40  }
0xd3: {  	[sflag:s2] =	ssyncset.done $0x0  }
0xd4: {  	[sflag:s2] =	ssyncadd.s32 $0xFFFFE0C0  }
0xd5: {  	_ =	swait.ge [sflag:s11], $0x1F40  }
0xd6: {  	[sflag:s11] =	ssyncset.done $0x0  }
0xd7: {  	s14 =	simm.s32 $0x9F00;
	[sflag:s11] =	ssyncadd.s32 $0xFFFFE0C0  }
0xd8: {  	[spmem:s10] =	stream.indirect.scatter.add.f32 [tilespmem:s5], [sflag:$0x5], $0x40, s14, s3, $0xb8;
	[tilespmem:$0x1B940] =	vst v63  }
0xd9: {  	_ =	swait.ge [sflag:s2], $0x1F40  }
0xda: {  	[sflag:s2] =	ssyncset.done $0x0  }
0xdb: {  	[sflag:s2] =	ssyncadd.s32 $0xFFFFE0C0  }
0xdc: {  	_ =	swait.ge [sflag:s12], $0x1F40  }
0xdd: {  	[sflag:s12] =	ssyncset.done $0x0  }
0xde: {  	s15 =	simm.s32 $0x9F80;
	[sflag:s12] =	ssyncadd.s32 $0xFFFFE0C0  }
0xdf: {  	[spmem:s10] =	stream.indirect.scatter.add.f32 [tilespmem:s6], [sflag:$0x5], $0x40, s15, s3, $0xb8;
	[tilespmem:$0x1B940] =	vst v63  }
0xe0: {  	_ =	swait.ge [sflag:s2], $0x1F40  }
0xe1: {  	[sflag:s2] =	ssyncset.done $0x0  }
0xe2: {  	s16 =	stileid.u32;
	[sflag:s2] =	ssyncadd.s32 $0xFFFFE0C0  }
0xe3: {  	s13 =	sshll.u32 s16, $0x6;
	[bflag:$0x0] =	sbarrier.arrive $0xFFFF  }
0xe4: {  	s13 =	sor.u32 $0x1C05, s13;
	s17 =	rddreg [dreg:$0x3]  }
0xe5: {  	[hbm:s17], [sflag:s13] =	dma.local [spmem:s24], $0x280  }
0xe6: {  	_ =	swait.ge [sflag:s2], $0x280  }
0xe7: {  	[sflag:s2] =	ssyncset.done $0x0  }
0xe8: {  	s15 =	rddreg [dreg:$0x4];
	[sflag:s2] =	ssyncadd.s32 $0xFFFFFD80  }
0xe9: {  	[hbm:s15], [sflag:s13] =	dma.local [spmem:s25], $0x280  }
0xea: {  	_ =	swait.ge [sflag:s2], $0x280  }
0xeb: {  	[sflag:s2] =	ssyncset.done $0x0  }
0xec: {  	s16 =	rddreg [dreg:$0x5];
	[sflag:s2] =	ssyncadd.s32 $0xFFFFFD80  }
0xed: {  	[hbm:s16], [sflag:s13] =	dma.local [spmem:s26], $0x280  }
0xee: {  	_ =	swait.ge [sflag:s2], $0x280  }
0xef: {  	[sflag:s2] =	ssyncset.done $0x0  }
0xf0: {  	s17 =	rddreg [dreg:$0x6];
	[sflag:s2] =	ssyncadd.s32 $0xFFFFFD80  }
0xf1: {  	[hbm:s17], [sflag:s13] =	dma.local [spmem:s28], $0x280  }
0xf2: {  	_ =	swait.ge [sflag:s2], $0x280  }
0xf3: {  	[sflag:s2] =	ssyncset.done $0x0  }
0xf4: {  	s15 =	rddreg [dreg:$0x7];
	[sflag:s2] =	ssyncadd.s32 $0xFFFFFD80  }
0xf5: {  	[hbm:s15], [sflag:s13] =	dma.local [spmem:s29], $0x280  }
0xf6: {  	_ =	swait.ge [sflag:s2], $0x280  }
0xf7: {  	[sflag:s2] =	ssyncset.done $0x0  }
0xf8: {  	s16 =	rddreg [dreg:$0x8];
	[sflag:s2] =	ssyncadd.s32 $0xFFFFFD80  }
0xf9: {  	[hbm:s16], [sflag:s13] =	dma.local [spmem:s30], $0x280  }
0xfa: {  	_ =	swait.ge [sflag:s2], $0x280  }
0xfb: {  	[sflag:s2] =	ssyncset.done $0x0  }
0xfc: {  	s17 =	rddreg [dreg:$0x9];
	[sflag:s2] =	ssyncadd.s32 $0xFFFFFD80  }
0xfd: {  	[hbm:s17], [sflag:s13] =	dma.local [spmem:s31], $0x280  }
0xfe: {  	_ =	swait.ge [sflag:s2], $0x280  }
0xff: {  	[sflag:s2] =	ssyncset.done $0x0  }
0x100: {  	s1 =	sadd.s32 $0x1, s1;
	s14 =	rddreg [dreg:$0xa];
	[sflag:s2] =	ssyncadd.s32 $0xFFFFFD80  }
0x101: {  	[hbm:s14], [sflag:s13] =	dma.local @!p0 [spmem:s9], $0x280  }
0x102: {  	p1 =	sne.s32 s1, s23;
	s13 =	simm.s32 @!p0 $0x5  }
.Ltmp2:
0x103: {  	_ =	swait.ge @!p0 [sflag:s13], $0x280;
	(pc) =	sbr.rel @p1 .LBB2_1-.Ltmp2, $3  }
0x104: {  	[sflag:s13] =	ssyncset.done @!p0 $0x0  }
0x105: {  	[sflag:s13] =	ssyncadd.s32 @!p0 $0xFFFFFD80  }
0x106: {  	[bflag:$0x0] =	sbarrier.arrive $0xFFFF;
	_ =	sdelay $0x1  }
0x107: {  	_ =	sfence.sel $0x180000  }
0x108: {  	[bflag:$0x0] =	sbarrier.arrive $0xFFFF  }
0x109: {  	_ =	strace $0x9000004A  }
0x10a: {  	s0 =	stileid.u32;
	[bflag:$0x2] =	sbarrier.arrive $0xFFFF  }
0x10b: {  	p0 =	sne.s32 s0, $0x0;
	s0 =	rddreg [dreg:$0x2]  }
0x10c: {  	s0 =	sadd.s32 @!p0 $0x100000, s0  }
0x10d: {  	[sflag:s0] =	ssyncadd.tile.s32 @!p0 $0x1;
	_ =	shalt  }
.Lfunc_end2:
_tile_overlayer_lowered:
.L_overlay_start_2:
0x10e: {  	(tag) =	ssettag $0x2  }
0x10f: {  	s0 =	rddreg [dreg:$0x0];
	s2 =	stileid.u32  }
0x110: {  	s1 =	rddreg [dreg:$0x1];
	p0 =	sne.s32 s2, $0x0  }
0x111: {  	s3 =	rddreg [dreg:$0x2];
	[bflag:$0x3] =	sbarrier.arrive $0xFFFF;
	s2 =	simm.s32 @!p0 $0x1C05  }
0x112: {  	[timem:s3], [sflag:s2] =	dma.local @!p0 [hbm:s0], s1  }
0x113: {  	s0 =	simm.s32 @!p0 $0x5  }
0x114: {  	_ =	swait.ge @!p0 [sflag:s0], s1  }
0x115: {  	s1 =	ssub.s32 @!p0 $0x0, s1;
	[sflag:s0] =	ssyncset.done @!p0 $0x0  }
0x116: {  	[sflag:s0] =	ssyncadd.s32 @!p0 s1  }
0x117: {  	[bflag:$0x3] =	sbarrier.arrive $0xFFFF  }
0x118: {  	_ =	shalt  }

</sc_bundles>
